<compile_context>
chip_gen: v7x
topology: tpu7x:2x2x1
jax: 0.10.2.dev20260603
libtpu: 0.0.44.dev20260713+nightly
codegen_flags: <defaults>
</compile_context>

<pallas_src>
import functools

import jax
import jax.numpy as jnp
from jax import lax
from jax.experimental import pallas as pl
from jax.experimental.pallas import tpu as pltpu
from jax.experimental.pallas import tpu_sc as plsc

N = 10000
D = 128
EPS = 1e-5

NC = 2
NS = 16
K = 128
CP = 40
NPH = 2
C = CP * NPH
E = 320000
EPAD = NC * NS * C * K
NPAD = 10112
R = NPAD // NS

_mesh = plsc.VectorSubcoreMesh(core_axis_name="c", subcore_axis_name="s",
                               num_cores=NC, num_subcores=NS)


@functools.partial(
    pl.kernel,
    out_type=jax.ShapeDtypeStruct((NC, NPAD, D), jnp.float32),
    mesh=_mesh,
    scratch_types=[
        pltpu.VMEM((CP + 1, K), jnp.int32),
        pltpu.VMEM((CP + 1, K), jnp.int32),
        pltpu.VMEM((K, D), jnp.float32),
        pltpu.VMEM((K, D), jnp.float32),
        pltpu.SemaphoreType.DMA,
        pltpu.SemaphoreType.DMA,
        pltpu.VMEM_SHARED((NPAD, D), jnp.float32),
    ],
)
def _sc_agg(x_hbm, src_hbm, dst_hbm, z128_hbm, out_hbm,
            src_v, dst_v, buf0, buf1, sem0, sem1, agg_sh):
    c = lax.axis_index("c")
    s = lax.axis_index("s")
    pltpu.sync_copy(z128_hbm.at[pl.ds(s * R, R)], agg_sh.at[pl.ds(s * R, R)])
    plsc.subcore_barrier()

    for ph in range(NPH):
        pltpu.sync_copy(src_hbm.at[c, s, ph], src_v)
        pltpu.sync_copy(dst_hbm.at[c, s, ph], dst_v)
        pltpu.async_copy(x_hbm.at[src_v.at[0]], buf0, sem0)

        def pair(j2, carry):
            a = 2 * j2
            pltpu.async_copy(x_hbm.at[src_v.at[a + 1]], buf1, sem1)
            pltpu.make_async_copy(x_hbm.at[src_v.at[a]], buf0, sem0).wait()
            pltpu.sync_copy(buf0, agg_sh.at[dst_v.at[a]], add=True)
            pltpu.async_copy(x_hbm.at[src_v.at[a + 2]], buf0, sem0)
            pltpu.make_async_copy(x_hbm.at[src_v.at[a + 1]], buf1, sem1).wait()
            pltpu.sync_copy(buf1, agg_sh.at[dst_v.at[a + 1]], add=True)
            return carry

        lax.fori_loop(0, CP // 2, pair, 0)
        pltpu.make_async_copy(x_hbm.at[src_v.at[CP]], buf0, sem0).wait()

    plsc.subcore_barrier()
    pltpu.sync_copy(agg_sh.at[pl.ds(s * R, R)], out_hbm.at[c, pl.ds(s * R, R)])


@functools.partial(
    pl.kernel,
    out_type=jax.ShapeDtypeStruct((NC, NPAD, D), jnp.float32),
    mesh=_mesh,
    scratch_types=[
        pltpu.VMEM((CP + 1, K), jnp.int32),
        pltpu.VMEM((K, D), jnp.float32),
        pltpu.VMEM_SHARED((NPAD, D), jnp.float32),
    ],
)
def _sc_deg(dst_hbm, z128_hbm, ones_hbm, deg_hbm, dst_v, ones_v, deg_sh):
    c = lax.axis_index("c")
    s = lax.axis_index("s")
    pltpu.sync_copy(z128_hbm.at[pl.ds(s * R, R)], deg_sh.at[pl.ds(s * R, R)])
    pltpu.sync_copy(ones_hbm, ones_v)
    plsc.subcore_barrier()

    def chunk(j, carry):
        pltpu.sync_copy(ones_v, deg_sh.at[dst_v.at[j]], add=True)
        return carry

    for ph in range(NPH):
        pltpu.sync_copy(dst_hbm.at[c, s, ph], dst_v)
        lax.fori_loop(0, CP, chunk, 0)

    plsc.subcore_barrier()
    pltpu.sync_copy(deg_sh.at[pl.ds(s * R, R)], deg_hbm.at[c, pl.ds(s * R, R)])


def _dot(a, b):
    return jnp.dot(a, b, preferred_element_type=jnp.float32)


def _bn_relu(z, g, bt):
    mean = jnp.mean(z, axis=0, keepdims=True)
    var = jnp.mean((z - mean) ** 2, axis=0, keepdims=True)
    zn = (z - mean) * lax.rsqrt(var + EPS) * g + bt
    return jnp.maximum(zn, 0.0)


def _tc_invd_body(dp_ref, invd_ref):
    deg = dp_ref[0, :N, 0:1] + dp_ref[1, :N, 0:1]
    invd_ref[...] = 1.0 / jnp.maximum(deg, 1.0)


_tc_invd = pl.pallas_call(
    _tc_invd_body,
    out_shape=jax.ShapeDtypeStruct((N, 1), jnp.float32),
)

BLK = 2000


def _tc_s_body(x_ref, ws_ref, b_ref, s_ref):
    s_ref[...] = _dot(x_ref[...], ws_ref[...]) + b_ref[...]


_tc_s = pl.pallas_call(
    _tc_s_body,
    grid=(N // BLK,),
    in_specs=[
        pl.BlockSpec((BLK, D), lambda i: (i, 0)),
        pl.BlockSpec((D, D), lambda i: (0, 0)),
        pl.BlockSpec((1, D), lambda i: (0, 0)),
    ],
    out_specs=pl.BlockSpec((BLK, D), lambda i: (i, 0)),
    out_shape=jax.ShapeDtypeStruct((N, D), jnp.float32),
)


def _tc_zbn_body(s_ref, p_ref, invd_ref, wn_ref, g_ref, bt_ref, o_ref):
    agg = (p_ref[0, :N, :] + p_ref[1, :N, :]) * invd_ref[...]
    z = s_ref[...] + _dot(agg, wn_ref[...])
    o_ref[...] = _bn_relu(z, g_ref[...], bt_ref[...])


_tc_zbn = pl.pallas_call(
    _tc_zbn_body,
    out_shape=jax.ShapeDtypeStruct((N, D), jnp.float32),
)


def _tc_zbn_read_body(s_ref, p_ref, invd_ref, wn_ref, g_ref, bt_ref,
                      wr_ref, br_ref, o_ref):
    agg = (p_ref[0, :N, :] + p_ref[1, :N, :]) * invd_ref[...]
    z = s_ref[...] + _dot(agg, wn_ref[...])
    x4 = _bn_relu(z, g_ref[...], bt_ref[...])
    o_ref[...] = _dot(x4, wr_ref[...]) + br_ref[...]


_tc_zbn_read = pl.pallas_call(
    _tc_zbn_read_body,
    out_shape=jax.ShapeDtypeStruct((N, D), jnp.float32),
)


def kernel(h, edge_index, e, W0, b0, g0, bt0, W1, b1, g1, bt1,
           W2, b2, g2, bt2, W3, b3, g3, bt3, Wr, br):
    src = edge_index[0].astype(jnp.int32)
    dst = edge_index[1].astype(jnp.int32)
    pad = EPAD - E
    pad_src = jnp.arange(pad, dtype=jnp.int32) % N
    pad_dst = N + (jnp.arange(pad, dtype=jnp.int32) % (NPAD - N))
    srcp = jnp.concatenate([src, pad_src]).reshape(NC, NS, NPH, CP, K)
    dstp = jnp.concatenate([dst, pad_dst]).reshape(NC, NS, NPH, CP, K)
    sent = jnp.arange(NC * NS * NPH * K, dtype=jnp.int32
                      ).reshape(NC, NS, NPH, 1, K)
    src4 = jnp.concatenate([srcp, sent % N], axis=3)
    dst4 = jnp.concatenate([dstp, N + sent % (NPAD - N)], axis=3)
    z128 = jnp.zeros((NPAD, D), jnp.float32)
    ones128 = jnp.ones((K, D), jnp.float32)

    layers = [(W0, b0, g0, bt0), (W1, b1, g1, bt1),
              (W2, b2, g2, bt2), (W3, b3, g3, bt3)]
    split = [(W[:D], W[D:], b.reshape(1, D), g.reshape(1, D),
              bt.reshape(1, D)) for (W, b, g, bt) in layers]

    dp = _sc_deg(dst4, z128, ones128)
    invd = _tc_invd(dp)

    x = h
    for i in range(3):
        p = _sc_agg(x, src4, dst4, z128)
        ws, wn, b, g, bt = split[i]
        s = _tc_s(x, ws, b)
        x = _tc_zbn(s, p, invd, wn, g, bt)

    p = _sc_agg(x, src4, dst4, z128)
    ws, wn, b, g, bt = split[3]
    s = _tc_s(x, ws, b)
    return _tc_zbn_read(s, p, invd, wn, g, bt, Wr, br.reshape(1, D))

# --- scband reference (transcript-rebuilt; emitter-appended) ---
"""Pipeline reference for scband-activation-graph-sage-net-8418135900206 (READ-ONLY COPY).

The authoritative reference and input builder live on the scoring server;
editing this copy changes nothing except your own understanding.
"""

import jax, jax.numpy as jnp
import numpy as np

N = 10000
E = 320000
D = 128
EPS = 1e-5


def setup_inputs(seed: int = 0) -> dict:
    key = jax.random.key(seed)
    ks = jax.random.split(key, 24)
    inp = {}
    inp["h"] = jax.random.normal(ks[0], (N, D), dtype=jnp.float32)
    inp["edge_index"] = jax.random.randint(ks[1], (2, E), 0, N)
    inp["e"] = jax.random.normal(ks[2], (E, 4), dtype=jnp.float32)
    for i in range(4):
        inp[f"W{i}"] = jax.random.normal(ks[3 + 4 * i], (2 * D, D), dtype=jnp.float32) * (1.0 / np.sqrt(2 * D))
        inp[f"b{i}"] = jnp.zeros((D,), dtype=jnp.float32)
        inp[f"g{i}"] = jnp.ones((D,), dtype=jnp.float32)
        inp[f"bt{i}"] = jnp.zeros((D,), dtype=jnp.float32)
    inp["Wr"] = jax.random.normal(ks[20], (D, D), dtype=jnp.float32) * (1.0 / np.sqrt(D))
    inp["br"] = jnp.zeros((D,), dtype=jnp.float32)
    return inp


def _sage_layer(h, src, dst, W, b, g, bt):
    # mean aggregation over incoming edges (gather + scatter-add)
    msg = h[src]
    agg = jax.ops.segment_sum(msg, dst, num_segments=N)
    deg = jax.ops.segment_sum(jnp.ones((src.shape[0],), dtype=h.dtype), dst, num_segments=N)
    agg = agg / jnp.maximum(deg, 1.0)[:, None]
    # SAGE update: concat(self, neigh) @ W + b
    z = jnp.concatenate([h, agg], axis=1) @ W + b
    # BatchNorm1d over nodes (training-mode batch stats)
    mean = z.mean(axis=0)
    var = z.var(axis=0)
    z = (z - mean) / jnp.sqrt(var + EPS) * g + bt
    return jax.nn.relu(z)


def reference(h, edge_index, e, W0, b0, g0, bt0, W1, b1, g1, bt1, W2, b2, g2, bt2, W3, b3, g3, bt3, Wr, br):
    # e (edge features) is accepted but unused, matching the torch forward
    src = edge_index[0]
    dst = edge_index[1]
    params = [(W0, b0, g0, bt0), (W1, b1, g1, bt1), (W2, b2, g2, bt2), (W3, b3, g3, bt3)]
    x = h  # in_feat_dropout = 0.0 -> identity
    for (W, b, g, bt) in params:
        x = _sage_layer(x, src, dst, W, b, g, bt)
    # readout linear layer
    return x @ Wr + br

if __name__ == "__main__":
    import jax
    _d = setup_inputs()
    print(jax.jit(kernel)(*tuple(_d.values())))

</pallas_src>

<mosaic_0001>
#map = affine_map<(d0, d1) -> (0, 0)>
#map1 = affine_map<(d0, d1) -> (0, 0, 0, 0, 0)>
#map2 = affine_map<(d0, d1) -> (0, 0, 0)>
module attributes {stable_mosaic.version = 14 : i64} {
  func.func @_sc_agg(%arg0: i32, %arg1: i32, %arg2: memref<10000x128xf32, #tpu.memory_space<hbm>>, %arg3: memref<2x16x2x41x128xi32, #tpu.memory_space<hbm>>, %arg4: memref<2x16x2x41x128xi32, #tpu.memory_space<hbm>>, %arg5: memref<10112x128xf32, #tpu.memory_space<hbm>>, %arg6: memref<2x10112x128xf32, #tpu.memory_space<hbm>>, %arg7: memref<41x128xi32, #tpu.memory_space<vmem>>, %arg8: memref<41x128xi32, #tpu.memory_space<vmem>>, %arg9: memref<128x128xf32, #tpu.memory_space<vmem>>, %arg10: memref<128x128xf32, #tpu.memory_space<vmem>>, %arg11: memref<!tpu.dma_semaphore, #tpu.memory_space<semaphore_mem>>, %arg12: memref<!tpu.dma_semaphore, #tpu.memory_space<semaphore_mem>>, %arg13: memref<10112x128xf32, #tpu.memory_space<vmem_shared>>) attributes {dimension_semantics = [#tpu.dimension_semantics<core_parallel>, #tpu.dimension_semantics<subcore_parallel>], iteration_bounds = array<i64: 2, 16>, scalar_prefetch = 0 : i64, scratch_operands = 7 : i64, tpu.core_type = #tpu.core_type<sc_vector_subcore>, window_params = [{transform_indices = #map}, {transform_indices = #map1}, {transform_indices = #map1}, {transform_indices = #map}, {transform_indices = #map2}]} {
    %mul3A = arith.constant 632 : i32
    %mul3A_0 = arith.muli %arg1, %mul3A : i32
    %mul3A_1 = arith.constant 632 : i32
    %mul3A_2 = arith.muli %arg1, %mul3A_1 : i32
    "tpu.region"() ({
      %run_scoped3A_48 = tpu.sem_alloc : memref<!tpu.dma_semaphore, #tpu.memory_space<semaphore_mem>>
      %dma_start3A_49 = arith.constant 0 : i32
      %dma_start3A_50 = tpu.memref_slice %arg13[%mul3A_2, %dma_start3A_49] : memref<10112x128xf32, #tpu.memory_space<vmem_shared>> -> memref<632x128xf32, #tpu.memory_space<vmem_shared>>
      %dma_start3A_51 = arith.constant 0 : i32
      %dma_start3A_52 = tpu.memref_slice %arg5[%mul3A_0, %dma_start3A_51] : memref<10112x128xf32, #tpu.memory_space<hbm>> -> memref<632x128xf32, #tpu.memory_space<hbm>>
      tpu.enqueue_dma source(%dma_start3A_52 : memref<632x128xf32, #tpu.memory_space<hbm>>) target(%dma_start3A_50 : memref<632x128xf32, #tpu.memory_space<vmem_shared>>) target_semaphore(%run_scoped3A_48 : memref<!tpu.dma_semaphore, #tpu.memory_space<semaphore_mem>>)
      %dma_wait3A_53 = arith.constant 0 : i32
      %dma_wait3A_54 = tpu.memref_slice %arg13[%mul3A_2, %dma_wait3A_53] : memref<10112x128xf32, #tpu.memory_space<vmem_shared>> -> memref<632x128xf32, #tpu.memory_space<vmem_shared>>
      %dma_wait3A_55 = arith.constant 0 : i32
      %dma_wait3A_56 = tpu.memref_slice %arg5[%mul3A_0, %dma_wait3A_55] : memref<10112x128xf32, #tpu.memory_space<hbm>> -> memref<632x128xf32, #tpu.memory_space<hbm>>
      tpu.wait_dma2 semaphore(%run_scoped3A_48 : memref<!tpu.dma_semaphore, #tpu.memory_space<semaphore_mem>>) src(%dma_wait3A_56 : memref<632x128xf32, #tpu.memory_space<hbm>>) dst(%dma_wait3A_54 : memref<632x128xf32, #tpu.memory_space<vmem_shared>>)
      tpu.yield
    }) : () -> ()
    %barrier3A = arith.constant 0 : index
    tpu.barrier barrier_id(%barrier3A)
    %run_scoped3A = arith.constant 0 : i32
    "tpu.region"() ({
      %run_scoped3A_48 = tpu.sem_alloc : memref<!tpu.dma_semaphore, #tpu.memory_space<semaphore_mem>>
      %dma_start3A_49 = arith.constant 0 : i32
      %dma_start3A_50 = arith.constant 0 : i32
      %dma_start3A_51 = tpu.memref_slice %arg3[%arg0, %arg1, %run_scoped3A, %dma_start3A_49, %dma_start3A_50] : memref<2x16x2x41x128xi32, #tpu.memory_space<hbm>> -> memref<1x1x1x41x128xi32, #tpu.memory_space<hbm>>
      %dma_start3A_52 = tpu.memref_squeeze %dma_start3A_51 : memref<1x1x1x41x128xi32, #tpu.memory_space<hbm>> -> memref<41x128xi32, #tpu.memory_space<hbm>>
      %dma_start3A_53 = arith.constant 0 : i32
      %dma_start3A_54 = arith.constant 0 : i32
      %dma_start3A_55 = tpu.memref_slice %arg3[%arg0, %arg1, %run_scoped3A, %dma_start3A_53, %dma_start3A_54] : memref<2x16x2x41x128xi32, #tpu.memory_space<hbm>> -> memref<1x1x1x41x128xi32, #tpu.memory_space<hbm>>
      %dma_start3A_56 = tpu.memref_squeeze %dma_start3A_55 : memref<1x1x1x41x128xi32, #tpu.memory_space<hbm>> -> memref<41x128xi32, #tpu.memory_space<hbm>>
      tpu.enqueue_dma source(%dma_start3A_56 : memref<41x128xi32, #tpu.memory_space<hbm>>) target(%arg7 : memref<41x128xi32, #tpu.memory_space<vmem>>) target_semaphore(%run_scoped3A_48 : memref<!tpu.dma_semaphore, #tpu.memory_space<semaphore_mem>>)
      %dma_wait3A_57 = arith.constant 0 : i32
      %dma_wait3A_58 = arith.constant 0 : i32
      %dma_wait3A_59 = tpu.memref_slice %arg3[%arg0, %arg1, %run_scoped3A, %dma_wait3A_57, %dma_wait3A_58] : memref<2x16x2x41x128xi32, #tpu.memory_space<hbm>> -> memref<1x1x1x41x128xi32, #tpu.memory_space<hbm>>
      %dma_wait3A_60 = tpu.memref_squeeze %dma_wait3A_59 : memref<1x1x1x41x128xi32, #tpu.memory_space<hbm>> -> memref<41x128xi32, #tpu.memory_space<hbm>>
      %dma_wait3A_61 = arith.constant 0 : i32
      %dma_wait3A_62 = arith.constant 0 : i32
      %dma_wait3A_63 = tpu.memref_slice %arg3[%arg0, %arg1, %run_scoped3A, %dma_wait3A_61, %dma_wait3A_62] : memref<2x16x2x41x128xi32, #tpu.memory_space<hbm>> -> memref<1x1x1x41x128xi32, #tpu.memory_space<hbm>>
      %dma_wait3A_64 = tpu.memref_squeeze %dma_wait3A_63 : memref<1x1x1x41x128xi32, #tpu.memory_space<hbm>> -> memref<41x128xi32, #tpu.memory_space<hbm>>
      tpu.wait_dma2 semaphore(%run_scoped3A_48 : memref<!tpu.dma_semaphore, #tpu.memory_space<semaphore_mem>>) src(%dma_wait3A_64 : memref<41x128xi32, #tpu.memory_space<hbm>>) dst(%arg7 : memref<41x128xi32, #tpu.memory_space<vmem>>)
      tpu.yield
    }) : () -> ()
    %run_scoped3A_3 = arith.constant 0 : i32
    "tpu.region"() ({
      %run_scoped3A_48 = tpu.sem_alloc : memref<!tpu.dma_semaphore, #tpu.memory_space<semaphore_mem>>
      %dma_start3A_49 = arith.constant 0 : i32
      %dma_start3A_50 = arith.constant 0 : i32
      %dma_start3A_51 = tpu.memref_slice %arg4[%arg0, %arg1, %run_scoped3A_3, %dma_start3A_49, %dma_start3A_50] : memref<2x16x2x41x128xi32, #tpu.memory_space<hbm>> -> memref<1x1x1x41x128xi32, #tpu.memory_space<hbm>>
      %dma_start3A_52 = tpu.memref_squeeze %dma_start3A_51 : memref<1x1x1x41x128xi32, #tpu.memory_space<hbm>> -> memref<41x128xi32, #tpu.memory_space<hbm>>
      %dma_start3A_53 = arith.constant 0 : i32
      %dma_start3A_54 = arith.constant 0 : i32
      %dma_start3A_55 = tpu.memref_slice %arg4[%arg0, %arg1, %run_scoped3A_3, %dma_start3A_53, %dma_start3A_54] : memref<2x16x2x41x128xi32, #tpu.memory_space<hbm>> -> memref<1x1x1x41x128xi32, #tpu.memory_space<hbm>>
      %dma_start3A_56 = tpu.memref_squeeze %dma_start3A_55 : memref<1x1x1x41x128xi32, #tpu.memory_space<hbm>> -> memref<41x128xi32, #tpu.memory_space<hbm>>
      tpu.enqueue_dma source(%dma_start3A_56 : memref<41x128xi32, #tpu.memory_space<hbm>>) target(%arg8 : memref<41x128xi32, #tpu.memory_space<vmem>>) target_semaphore(%run_scoped3A_48 : memref<!tpu.dma_semaphore, #tpu.memory_space<semaphore_mem>>)
      %dma_wait3A_57 = arith.constant 0 : i32
      %dma_wait3A_58 = arith.constant 0 : i32
      %dma_wait3A_59 = tpu.memref_slice %arg4[%arg0, %arg1, %run_scoped3A_3, %dma_wait3A_57, %dma_wait3A_58] : memref<2x16x2x41x128xi32, #tpu.memory_space<hbm>> -> memref<1x1x1x41x128xi32, #tpu.memory_space<hbm>>
      %dma_wait3A_60 = tpu.memref_squeeze %dma_wait3A_59 : memref<1x1x1x41x128xi32, #tpu.memory_space<hbm>> -> memref<41x128xi32, #tpu.memory_space<hbm>>
      %dma_wait3A_61 = arith.constant 0 : i32
      %dma_wait3A_62 = arith.constant 0 : i32
      %dma_wait3A_63 = tpu.memref_slice %arg4[%arg0, %arg1, %run_scoped3A_3, %dma_wait3A_61, %dma_wait3A_62] : memref<2x16x2x41x128xi32, #tpu.memory_space<hbm>> -> memref<1x1x1x41x128xi32, #tpu.memory_space<hbm>>
      %dma_wait3A_64 = tpu.memref_squeeze %dma_wait3A_63 : memref<1x1x1x41x128xi32, #tpu.memory_space<hbm>> -> memref<41x128xi32, #tpu.memory_space<hbm>>
      tpu.wait_dma2 semaphore(%run_scoped3A_48 : memref<!tpu.dma_semaphore, #tpu.memory_space<semaphore_mem>>) src(%dma_wait3A_64 : memref<41x128xi32, #tpu.memory_space<hbm>>) dst(%arg8 : memref<41x128xi32, #tpu.memory_space<vmem>>)
      tpu.yield
    }) : () -> ()
    %dma_start3A = arith.constant 0 : i32
    %dma_start3A_4 = arith.constant 0 : i32
    %dma_start3A_5 = tpu.memref_slice %arg7[%dma_start3A, %dma_start3A_4] : memref<41x128xi32, #tpu.memory_space<vmem>> -> memref<1x128xi32, #tpu.memory_space<vmem>>
    %dma_start3A_6 = tpu.memref_squeeze %dma_start3A_5 : memref<1x128xi32, #tpu.memory_space<vmem>> -> memref<128xi32, #tpu.memory_space<vmem>>
    %dma_start3A_7 = arith.constant 0 : i32
    %dma_start3A_8 = arith.constant 0 : i32
    %dma_start3A_9 = tpu.memref_slice %arg2[%dma_start3A_7, %dma_start3A_8] : memref<10000x128xf32, #tpu.memory_space<hbm>> -> memref<10000x128xf32, #tpu.memory_space<hbm>>
    tpu.enqueue_indirect_dma source(%dma_start3A_9 : memref<10000x128xf32, #tpu.memory_space<hbm>>) target(%arg9 : memref<128x128xf32, #tpu.memory_space<vmem>>) offsets(%dma_start3A_6 : memref<128xi32, #tpu.memory_space<vmem>>) semaphore(%arg11 : memref<!tpu.dma_semaphore, #tpu.memory_space<semaphore_mem>>)
    %scan3A = arith.constant 0 : i32
    %scan3A_10 = arith.constant 0 : i32
    %scan3A_11 = arith.constant 20 : i32
    %scan3A_12 = arith.addi %scan3A_10, %scan3A_11 : i32
    %scan3A_13 = arith.constant 1 : i32
    scf.for %scan3A_48 = %scan3A_10 to %scan3A_12 step %scan3A_13  : i32 {
      %mul3A_49 = arith.constant 2 : i32
      %mul3A_50 = arith.muli %mul3A_49, %scan3A_48 : i32
      %add3A = arith.constant 1 : i32
      %add3A_51 = arith.addi %mul3A_50, %add3A : i32
      %dma_start3A_52 = arith.constant 0 : i32
      %dma_start3A_53 = tpu.memref_slice %arg7[%add3A_51, %dma_start3A_52] : memref<41x128xi32, #tpu.memory_space<vmem>> -> memref<1x128xi32, #tpu.memory_space<vmem>>
      %dma_start3A_54 = tpu.memref_squeeze %dma_start3A_53 : memref<1x128xi32, #tpu.memory_space<vmem>> -> memref<128xi32, #tpu.memory_space<vmem>>
      %dma_start3A_55 = arith.constant 0 : i32
      %dma_start3A_56 = arith.constant 0 : i32
      %dma_start3A_57 = tpu.memref_slice %arg2[%dma_start3A_55, %dma_start3A_56] : memref<10000x128xf32, #tpu.memory_space<hbm>> -> memref<10000x128xf32, #tpu.memory_space<hbm>>
      tpu.enqueue_indirect_dma source(%dma_start3A_57 : memref<10000x128xf32, #tpu.memory_space<hbm>>) target(%arg10 : memref<128x128xf32, #tpu.memory_space<vmem>>) offsets(%dma_start3A_54 : memref<128xi32, #tpu.memory_space<vmem>>) semaphore(%arg12 : memref<!tpu.dma_semaphore, #tpu.memory_space<semaphore_mem>>)
      %dma_wait3A_58 = arith.constant 0 : i32
      %dma_wait3A_59 = tpu.memref_slice %arg7[%mul3A_50, %dma_wait3A_58] : memref<41x128xi32, #tpu.memory_space<vmem>> -> memref<1x128xi32, #tpu.memory_space<vmem>>
      %dma_wait3A_60 = tpu.memref_squeeze %dma_wait3A_59 : memref<1x128xi32, #tpu.memory_space<vmem>> -> memref<128xi32, #tpu.memory_space<vmem>>
      %dma_wait3A_61 = arith.constant 0 : i32
      %dma_wait3A_62 = arith.constant 0 : i32
      %dma_wait3A_63 = tpu.memref_slice %arg2[%dma_wait3A_61, %dma_wait3A_62] : memref<10000x128xf32, #tpu.memory_space<hbm>> -> memref<10000x128xf32, #tpu.memory_space<hbm>>
      tpu.wait_indirect_dma semaphore(%arg11 : memref<!tpu.dma_semaphore, #tpu.memory_space<semaphore_mem>>) src(%dma_wait3A_63 : memref<10000x128xf32, #tpu.memory_space<hbm>>) dst(%arg9 : memref<128x128xf32, #tpu.memory_space<vmem>>)
      "tpu.region"() ({
        %run_scoped3A_82 = tpu.sem_alloc : memref<!tpu.dma_semaphore, #tpu.memory_space<semaphore_mem>>
        %dma_start3A_83 = arith.constant 0 : i32
        %dma_start3A_84 = tpu.memref_slice %arg8[%mul3A_50, %dma_start3A_83] : memref<41x128xi32, #tpu.memory_space<vmem>> -> memref<1x128xi32, #tpu.memory_space<vmem>>
        %dma_start3A_85 = tpu.memref_squeeze %dma_start3A_84 : memref<1x128xi32, #tpu.memory_space<vmem>> -> memref<128xi32, #tpu.memory_space<vmem>>
        %dma_start3A_86 = arith.constant 0 : i32
        %dma_start3A_87 = arith.constant 0 : i32
        %dma_start3A_88 = tpu.memref_slice %arg13[%dma_start3A_86, %dma_start3A_87] : memref<10112x128xf32, #tpu.memory_space<vmem_shared>> -> memref<10112x128xf32, #tpu.memory_space<vmem_shared>>
        tpu.enqueue_indirect_dma source(%arg9 : memref<128x128xf32, #tpu.memory_space<vmem>>) target(%dma_start3A_88 : memref<10112x128xf32, #tpu.memory_space<vmem_shared>>) offsets(%dma_start3A_85 : memref<128xi32, #tpu.memory_space<vmem>>) semaphore(%run_scoped3A_82 : memref<!tpu.dma_semaphore, #tpu.memory_space<semaphore_mem>>) {add = true}
        %dma_wait3A_89 = arith.constant 0 : i32
        %dma_wait3A_90 = tpu.memref_slice %arg8[%mul3A_50, %dma_wait3A_89] : memref<41x128xi32, #tpu.memory_space<vmem>> -> memref<1x128xi32, #tpu.memory_space<vmem>>
        %dma_wait3A_91 = tpu.memref_squeeze %dma_wait3A_90 : memref<1x128xi32, #tpu.memory_space<vmem>> -> memref<128xi32, #tpu.memory_space<vmem>>
        %dma_wait3A_92 = arith.constant 0 : i32
        %dma_wait3A_93 = arith.constant 0 : i32
        %dma_wait3A_94 = tpu.memref_slice %arg13[%dma_wait3A_92, %dma_wait3A_93] : memref<10112x128xf32, #tpu.memory_space<vmem_shared>> -> memref<10112x128xf32, #tpu.memory_space<vmem_shared>>
        tpu.wait_indirect_dma semaphore(%run_scoped3A_82 : memref<!tpu.dma_semaphore, #tpu.memory_space<semaphore_mem>>) src(%arg9 : memref<128x128xf32, #tpu.memory_space<vmem>>) dst(%dma_wait3A_94 : memref<10112x128xf32, #tpu.memory_space<vmem_shared>>)
        tpu.yield
      }) : () -> ()
      %add3A_64 = arith.constant 2 : i32
      %add3A_65 = arith.addi %mul3A_50, %add3A_64 : i32
      %dma_start3A_66 = arith.constant 0 : i32
      %dma_start3A_67 = tpu.memref_slice %arg7[%add3A_65, %dma_start3A_66] : memref<41x128xi32, #tpu.memory_space<vmem>> -> memref<1x128xi32, #tpu.memory_space<vmem>>
      %dma_start3A_68 = tpu.memref_squeeze %dma_start3A_67 : memref<1x128xi32, #tpu.memory_space<vmem>> -> memref<128xi32, #tpu.memory_space<vmem>>
      %dma_start3A_69 = arith.constant 0 : i32
      %dma_start3A_70 = arith.constant 0 : i32
      %dma_start3A_71 = tpu.memref_slice %arg2[%dma_start3A_69, %dma_start3A_70] : memref<10000x128xf32, #tpu.memory_space<hbm>> -> memref<10000x128xf32, #tpu.memory_space<hbm>>
      tpu.enqueue_indirect_dma source(%dma_start3A_71 : memref<10000x128xf32, #tpu.memory_space<hbm>>) target(%arg9 : memref<128x128xf32, #tpu.memory_space<vmem>>) offsets(%dma_start3A_68 : memref<128xi32, #tpu.memory_space<vmem>>) semaphore(%arg11 : memref<!tpu.dma_semaphore, #tpu.memory_space<semaphore_mem>>)
      %add3A_72 = arith.constant 1 : i32
      %add3A_73 = arith.addi %mul3A_50, %add3A_72 : i32
      %dma_wait3A_74 = arith.constant 0 : i32
      %dma_wait3A_75 = tpu.memref_slice %arg7[%add3A_73, %dma_wait3A_74] : memref<41x128xi32, #tpu.memory_space<vmem>> -> memref<1x128xi32, #tpu.memory_space<vmem>>
      %dma_wait3A_76 = tpu.memref_squeeze %dma_wait3A_75 : memref<1x128xi32, #tpu.memory_space<vmem>> -> memref<128xi32, #tpu.memory_space<vmem>>
      %dma_wait3A_77 = arith.constant 0 : i32
      %dma_wait3A_78 = arith.constant 0 : i32
      %dma_wait3A_79 = tpu.memref_slice %arg2[%dma_wait3A_77, %dma_wait3A_78] : memref<10000x128xf32, #tpu.memory_space<hbm>> -> memref<10000x128xf32, #tpu.memory_space<hbm>>
      tpu.wait_indirect_dma semaphore(%arg12 : memref<!tpu.dma_semaphore, #tpu.memory_space<semaphore_mem>>) src(%dma_wait3A_79 : memref<10000x128xf32, #tpu.memory_space<hbm>>) dst(%arg10 : memref<128x128xf32, #tpu.memory_space<vmem>>)
      %add3A_80 = arith.constant 1 : i32
      %add3A_81 = arith.addi %mul3A_50, %add3A_80 : i32
      "tpu.region"() ({
        %run_scoped3A_82 = tpu.sem_alloc : memref<!tpu.dma_semaphore, #tpu.memory_space<semaphore_mem>>
        %dma_start3A_83 = arith.constant 0 : i32
        %dma_start3A_84 = tpu.memref_slice %arg8[%add3A_81, %dma_start3A_83] : memref<41x128xi32, #tpu.memory_space<vmem>> -> memref<1x128xi32, #tpu.memory_space<vmem>>
        %dma_start3A_85 = tpu.memref_squeeze %dma_start3A_84 : memref<1x128xi32, #tpu.memory_space<vmem>> -> memref<128xi32, #tpu.memory_space<vmem>>
        %dma_start3A_86 = arith.constant 0 : i32
        %dma_start3A_87 = arith.constant 0 : i32
        %dma_start3A_88 = tpu.memref_slice %arg13[%dma_start3A_86, %dma_start3A_87] : memref<10112x128xf32, #tpu.memory_space<vmem_shared>> -> memref<10112x128xf32, #tpu.memory_space<vmem_shared>>
        tpu.enqueue_indirect_dma source(%arg10 : memref<128x128xf32, #tpu.memory_space<vmem>>) target(%dma_start3A_88 : memref<10112x128xf32, #tpu.memory_space<vmem_shared>>) offsets(%dma_start3A_85 : memref<128xi32, #tpu.memory_space<vmem>>) semaphore(%run_scoped3A_82 : memref<!tpu.dma_semaphore, #tpu.memory_space<semaphore_mem>>) {add = true}
        %dma_wait3A_89 = arith.constant 0 : i32
        %dma_wait3A_90 = tpu.memref_slice %arg8[%add3A_81, %dma_wait3A_89] : memref<41x128xi32, #tpu.memory_space<vmem>> -> memref<1x128xi32, #tpu.memory_space<vmem>>
        %dma_wait3A_91 = tpu.memref_squeeze %dma_wait3A_90 : memref<1x128xi32, #tpu.memory_space<vmem>> -> memref<128xi32, #tpu.memory_space<vmem>>
        %dma_wait3A_92 = arith.constant 0 : i32
        %dma_wait3A_93 = arith.constant 0 : i32
        %dma_wait3A_94 = tpu.memref_slice %arg13[%dma_wait3A_92, %dma_wait3A_93] : memref<10112x128xf32, #tpu.memory_space<vmem_shared>> -> memref<10112x128xf32, #tpu.memory_space<vmem_shared>>
        tpu.wait_indirect_dma semaphore(%run_scoped3A_82 : memref<!tpu.dma_semaphore, #tpu.memory_space<semaphore_mem>>) src(%arg10 : memref<128x128xf32, #tpu.memory_space<vmem>>) dst(%dma_wait3A_94 : memref<10112x128xf32, #tpu.memory_space<vmem_shared>>)
        tpu.yield
      }) : () -> ()
    }
    %scan3A_14 = arith.constant 20 : i32
    %dma_wait3A = arith.constant 40 : i32
    %dma_wait3A_15 = arith.constant 0 : i32
    %dma_wait3A_16 = tpu.memref_slice %arg7[%dma_wait3A, %dma_wait3A_15] : memref<41x128xi32, #tpu.memory_space<vmem>> -> memref<1x128xi32, #tpu.memory_space<vmem>>
    %dma_wait3A_17 = tpu.memref_squeeze %dma_wait3A_16 : memref<1x128xi32, #tpu.memory_space<vmem>> -> memref<128xi32, #tpu.memory_space<vmem>>
    %dma_wait3A_18 = arith.constant 0 : i32
    %dma_wait3A_19 = arith.constant 0 : i32
    %dma_wait3A_20 = tpu.memref_slice %arg2[%dma_wait3A_18, %dma_wait3A_19] : memref<10000x128xf32, #tpu.memory_space<hbm>> -> memref<10000x128xf32, #tpu.memory_space<hbm>>
    tpu.wait_indirect_dma semaphore(%arg11 : memref<!tpu.dma_semaphore, #tpu.memory_space<semaphore_mem>>) src(%dma_wait3A_20 : memref<10000x128xf32, #tpu.memory_space<hbm>>) dst(%arg9 : memref<128x128xf32, #tpu.memory_space<vmem>>)
    %run_scoped3A_21 = arith.constant 1 : i32
    "tpu.region"() ({
      %run_scoped3A_48 = tpu.sem_alloc : memref<!tpu.dma_semaphore, #tpu.memory_space<semaphore_mem>>
      %dma_start3A_49 = arith.constant 0 : i32
      %dma_start3A_50 = arith.constant 0 : i32
      %dma_start3A_51 = tpu.memref_slice %arg3[%arg0, %arg1, %run_scoped3A_21, %dma_start3A_49, %dma_start3A_50] : memref<2x16x2x41x128xi32, #tpu.memory_space<hbm>> -> memref<1x1x1x41x128xi32, #tpu.memory_space<hbm>>
      %dma_start3A_52 = tpu.memref_squeeze %dma_start3A_51 : memref<1x1x1x41x128xi32, #tpu.memory_space<hbm>> -> memref<41x128xi32, #tpu.memory_space<hbm>>
      %dma_start3A_53 = arith.constant 0 : i32
      %dma_start3A_54 = arith.constant 0 : i32
      %dma_start3A_55 = tpu.memref_slice %arg3[%arg0, %arg1, %run_scoped3A_21, %dma_start3A_53, %dma_start3A_54] : memref<2x16x2x41x128xi32, #tpu.memory_space<hbm>> -> memref<1x1x1x41x128xi32, #tpu.memory_space<hbm>>
      %dma_start3A_56 = tpu.memref_squeeze %dma_start3A_55 : memref<1x1x1x41x128xi32, #tpu.memory_space<hbm>> -> memref<41x128xi32, #tpu.memory_space<hbm>>
      tpu.enqueue_dma source(%dma_start3A_56 : memref<41x128xi32, #tpu.memory_space<hbm>>) target(%arg7 : memref<41x128xi32, #tpu.memory_space<vmem>>) target_semaphore(%run_scoped3A_48 : memref<!tpu.dma_semaphore, #tpu.memory_space<semaphore_mem>>)
      %dma_wait3A_57 = arith.constant 0 : i32
      %dma_wait3A_58 = arith.constant 0 : i32
      %dma_wait3A_59 = tpu.memref_slice %arg3[%arg0, %arg1, %run_scoped3A_21, %dma_wait3A_57, %dma_wait3A_58] : memref<2x16x2x41x128xi32, #tpu.memory_space<hbm>> -> memref<1x1x1x41x128xi32, #tpu.memory_space<hbm>>
      %dma_wait3A_60 = tpu.memref_squeeze %dma_wait3A_59 : memref<1x1x1x41x128xi32, #tpu.memory_space<hbm>> -> memref<41x128xi32, #tpu.memory_space<hbm>>
      %dma_wait3A_61 = arith.constant 0 : i32
      %dma_wait3A_62 = arith.constant 0 : i32
      %dma_wait3A_63 = tpu.memref_slice %arg3[%arg0, %arg1, %run_scoped3A_21, %dma_wait3A_61, %dma_wait3A_62] : memref<2x16x2x41x128xi32, #tpu.memory_space<hbm>> -> memref<1x1x1x41x128xi32, #tpu.memory_space<hbm>>
      %dma_wait3A_64 = tpu.memref_squeeze %dma_wait3A_63 : memref<1x1x1x41x128xi32, #tpu.memory_space<hbm>> -> memref<41x128xi32, #tpu.memory_space<hbm>>
      tpu.wait_dma2 semaphore(%run_scoped3A_48 : memref<!tpu.dma_semaphore, #tpu.memory_space<semaphore_mem>>) src(%dma_wait3A_64 : memref<41x128xi32, #tpu.memory_space<hbm>>) dst(%arg7 : memref<41x128xi32, #tpu.memory_space<vmem>>)
      tpu.yield
    }) : () -> ()
    %run_scoped3A_22 = arith.constant 1 : i32
    "tpu.region"() ({
      %run_scoped3A_48 = tpu.sem_alloc : memref<!tpu.dma_semaphore, #tpu.memory_space<semaphore_mem>>
      %dma_start3A_49 = arith.constant 0 : i32
      %dma_start3A_50 = arith.constant 0 : i32
      %dma_start3A_51 = tpu.memref_slice %arg4[%arg0, %arg1, %run_scoped3A_22, %dma_start3A_49, %dma_start3A_50] : memref<2x16x2x41x128xi32, #tpu.memory_space<hbm>> -> memref<1x1x1x41x128xi32, #tpu.memory_space<hbm>>
      %dma_start3A_52 = tpu.memref_squeeze %dma_start3A_51 : memref<1x1x1x41x128xi32, #tpu.memory_space<hbm>> -> memref<41x128xi32, #tpu.memory_space<hbm>>
      %dma_start3A_53 = arith.constant 0 : i32
      %dma_start3A_54 = arith.constant 0 : i32
      %dma_start3A_55 = tpu.memref_slice %arg4[%arg0, %arg1, %run_scoped3A_22, %dma_start3A_53, %dma_start3A_54] : memref<2x16x2x41x128xi32, #tpu.memory_space<hbm>> -> memref<1x1x1x41x128xi32, #tpu.memory_space<hbm>>
      %dma_start3A_56 = tpu.memref_squeeze %dma_start3A_55 : memref<1x1x1x41x128xi32, #tpu.memory_space<hbm>> -> memref<41x128xi32, #tpu.memory_space<hbm>>
      tpu.enqueue_dma source(%dma_start3A_56 : memref<41x128xi32, #tpu.memory_space<hbm>>) target(%arg8 : memref<41x128xi32, #tpu.memory_space<vmem>>) target_semaphore(%run_scoped3A_48 : memref<!tpu.dma_semaphore, #tpu.memory_space<semaphore_mem>>)
      %dma_wait3A_57 = arith.constant 0 : i32
      %dma_wait3A_58 = arith.constant 0 : i32
      %dma_wait3A_59 = tpu.memref_slice %arg4[%arg0, %arg1, %run_scoped3A_22, %dma_wait3A_57, %dma_wait3A_58] : memref<2x16x2x41x128xi32, #tpu.memory_space<hbm>> -> memref<1x1x1x41x128xi32, #tpu.memory_space<hbm>>
      %dma_wait3A_60 = tpu.memref_squeeze %dma_wait3A_59 : memref<1x1x1x41x128xi32, #tpu.memory_space<hbm>> -> memref<41x128xi32, #tpu.memory_space<hbm>>
      %dma_wait3A_61 = arith.constant 0 : i32
      %dma_wait3A_62 = arith.constant 0 : i32
      %dma_wait3A_63 = tpu.memref_slice %arg4[%arg0, %arg1, %run_scoped3A_22, %dma_wait3A_61, %dma_wait3A_62] : memref<2x16x2x41x128xi32, #tpu.memory_space<hbm>> -> memref<1x1x1x41x128xi32, #tpu.memory_space<hbm>>
      %dma_wait3A_64 = tpu.memref_squeeze %dma_wait3A_63 : memref<1x1x1x41x128xi32, #tpu.memory_space<hbm>> -> memref<41x128xi32, #tpu.memory_space<hbm>>
      tpu.wait_dma2 semaphore(%run_scoped3A_48 : memref<!tpu.dma_semaphore, #tpu.memory_space<semaphore_mem>>) src(%dma_wait3A_64 : memref<41x128xi32, #tpu.memory_space<hbm>>) dst(%arg8 : memref<41x128xi32, #tpu.memory_space<vmem>>)
      tpu.yield
    }) : () -> ()
    %dma_start3A_23 = arith.constant 0 : i32
    %dma_start3A_24 = arith.constant 0 : i32
    %dma_start3A_25 = tpu.memref_slice %arg7[%dma_start3A_23, %dma_start3A_24] : memref<41x128xi32, #tpu.memory_space<vmem>> -> memref<1x128xi32, #tpu.memory_space<vmem>>
    %dma_start3A_26 = tpu.memref_squeeze %dma_start3A_25 : memref<1x128xi32, #tpu.memory_space<vmem>> -> memref<128xi32, #tpu.memory_space<vmem>>
    %dma_start3A_27 = arith.constant 0 : i32
    %dma_start3A_28 = arith.constant 0 : i32
    %dma_start3A_29 = tpu.memref_slice %arg2[%dma_start3A_27, %dma_start3A_28] : memref<10000x128xf32, #tpu.memory_space<hbm>> -> memref<10000x128xf32, #tpu.memory_space<hbm>>
    tpu.enqueue_indirect_dma source(%dma_start3A_29 : memref<10000x128xf32, #tpu.memory_space<hbm>>) target(%arg9 : memref<128x128xf32, #tpu.memory_space<vmem>>) offsets(%dma_start3A_26 : memref<128xi32, #tpu.memory_space<vmem>>) semaphore(%arg11 : memref<!tpu.dma_semaphore, #tpu.memory_space<semaphore_mem>>)
    %scan3A_30 = arith.constant 0 : i32
    %scan3A_31 = arith.constant 0 : i32
    %scan3A_32 = arith.constant 20 : i32
    %scan3A_33 = arith.addi %scan3A_31, %scan3A_32 : i32
    %scan3A_34 = arith.constant 1 : i32
    scf.for %scan3A_48 = %scan3A_31 to %scan3A_33 step %scan3A_34  : i32 {
      %mul3A_49 = arith.constant 2 : i32
      %mul3A_50 = arith.muli %mul3A_49, %scan3A_48 : i32
      %add3A = arith.constant 1 : i32
      %add3A_51 = arith.addi %mul3A_50, %add3A : i32
      %dma_start3A_52 = arith.constant 0 : i32
      %dma_start3A_53 = tpu.memref_slice %arg7[%add3A_51, %dma_start3A_52] : memref<41x128xi32, #tpu.memory_space<vmem>> -> memref<1x128xi32, #tpu.memory_space<vmem>>
      %dma_start3A_54 = tpu.memref_squeeze %dma_start3A_53 : memref<1x128xi32, #tpu.memory_space<vmem>> -> memref<128xi32, #tpu.memory_space<vmem>>
      %dma_start3A_55 = arith.constant 0 : i32
      %dma_start3A_56 = arith.constant 0 : i32
      %dma_start3A_57 = tpu.memref_slice %arg2[%dma_start3A_55, %dma_start3A_56] : memref<10000x128xf32, #tpu.memory_space<hbm>> -> memref<10000x128xf32, #tpu.memory_space<hbm>>
      tpu.enqueue_indirect_dma source(%dma_start3A_57 : memref<10000x128xf32, #tpu.memory_space<hbm>>) target(%arg10 : memref<128x128xf32, #tpu.memory_space<vmem>>) offsets(%dma_start3A_54 : memref<128xi32, #tpu.memory_space<vmem>>) semaphore(%arg12 : memref<!tpu.dma_semaphore, #tpu.memory_space<semaphore_mem>>)
      %dma_wait3A_58 = arith.constant 0 : i32
      %dma_wait3A_59 = tpu.memref_slice %arg7[%mul3A_50, %dma_wait3A_58] : memref<41x128xi32, #tpu.memory_space<vmem>> -> memref<1x128xi32, #tpu.memory_space<vmem>>
      %dma_wait3A_60 = tpu.memref_squeeze %dma_wait3A_59 : memref<1x128xi32, #tpu.memory_space<vmem>> -> memref<128xi32, #tpu.memory_space<vmem>>
      %dma_wait3A_61 = arith.constant 0 : i32
      %dma_wait3A_62 = arith.constant 0 : i32
      %dma_wait3A_63 = tpu.memref_slice %arg2[%dma_wait3A_61, %dma_wait3A_62] : memref<10000x128xf32, #tpu.memory_space<hbm>> -> memref<10000x128xf32, #tpu.memory_space<hbm>>
      tpu.wait_indirect_dma semaphore(%arg11 : memref<!tpu.dma_semaphore, #tpu.memory_space<semaphore_mem>>) src(%dma_wait3A_63 : memref<10000x128xf32, #tpu.memory_space<hbm>>) dst(%arg9 : memref<128x128xf32, #tpu.memory_space<vmem>>)
      "tpu.region"() ({
        %run_scoped3A_82 = tpu.sem_alloc : memref<!tpu.dma_semaphore, #tpu.memory_space<semaphore_mem>>
        %dma_start3A_83 = arith.constant 0 : i32
        %dma_start3A_84 = tpu.memref_slice %arg8[%mul3A_50, %dma_start3A_83] : memref<41x128xi32, #tpu.memory_space<vmem>> -> memref<1x128xi32, #tpu.memory_space<vmem>>
        %dma_start3A_85 = tpu.memref_squeeze %dma_start3A_84 : memref<1x128xi32, #tpu.memory_space<vmem>> -> memref<128xi32, #tpu.memory_space<vmem>>
        %dma_start3A_86 = arith.constant 0 : i32
        %dma_start3A_87 = arith.constant 0 : i32
        %dma_start3A_88 = tpu.memref_slice %arg13[%dma_start3A_86, %dma_start3A_87] : memref<10112x128xf32, #tpu.memory_space<vmem_shared>> -> memref<10112x128xf32, #tpu.memory_space<vmem_shared>>
        tpu.enqueue_indirect_dma source(%arg9 : memref<128x128xf32, #tpu.memory_space<vmem>>) target(%dma_start3A_88 : memref<10112x128xf32, #tpu.memory_space<vmem_shared>>) offsets(%dma_start3A_85 : memref<128xi32, #tpu.memory_space<vmem>>) semaphore(%run_scoped3A_82 : memref<!tpu.dma_semaphore, #tpu.memory_space<semaphore_mem>>) {add = true}
        %dma_wait3A_89 = arith.constant 0 : i32
        %dma_wait3A_90 = tpu.memref_slice %arg8[%mul3A_50, %dma_wait3A_89] : memref<41x128xi32, #tpu.memory_space<vmem>> -> memref<1x128xi32, #tpu.memory_space<vmem>>
        %dma_wait3A_91 = tpu.memref_squeeze %dma_wait3A_90 : memref<1x128xi32, #tpu.memory_space<vmem>> -> memref<128xi32, #tpu.memory_space<vmem>>
        %dma_wait3A_92 = arith.constant 0 : i32
        %dma_wait3A_93 = arith.constant 0 : i32
        %dma_wait3A_94 = tpu.memref_slice %arg13[%dma_wait3A_92, %dma_wait3A_93] : memref<10112x128xf32, #tpu.memory_space<vmem_shared>> -> memref<10112x128xf32, #tpu.memory_space<vmem_shared>>
        tpu.wait_indirect_dma semaphore(%run_scoped3A_82 : memref<!tpu.dma_semaphore, #tpu.memory_space<semaphore_mem>>) src(%arg9 : memref<128x128xf32, #tpu.memory_space<vmem>>) dst(%dma_wait3A_94 : memref<10112x128xf32, #tpu.memory_space<vmem_shared>>)
        tpu.yield
      }) : () -> ()
      %add3A_64 = arith.constant 2 : i32
      %add3A_65 = arith.addi %mul3A_50, %add3A_64 : i32
      %dma_start3A_66 = arith.constant 0 : i32
      %dma_start3A_67 = tpu.memref_slice %arg7[%add3A_65, %dma_start3A_66] : memref<41x128xi32, #tpu.memory_space<vmem>> -> memref<1x128xi32, #tpu.memory_space<vmem>>
      %dma_start3A_68 = tpu.memref_squeeze %dma_start3A_67 : memref<1x128xi32, #tpu.memory_space<vmem>> -> memref<128xi32, #tpu.memory_space<vmem>>
      %dma_start3A_69 = arith.constant 0 : i32
      %dma_start3A_70 = arith.constant 0 : i32
      %dma_start3A_71 = tpu.memref_slice %arg2[%dma_start3A_69, %dma_start3A_70] : memref<10000x128xf32, #tpu.memory_space<hbm>> -> memref<10000x128xf32, #tpu.memory_space<hbm>>
      tpu.enqueue_indirect_dma source(%dma_start3A_71 : memref<10000x128xf32, #tpu.memory_space<hbm>>) target(%arg9 : memref<128x128xf32, #tpu.memory_space<vmem>>) offsets(%dma_start3A_68 : memref<128xi32, #tpu.memory_space<vmem>>) semaphore(%arg11 : memref<!tpu.dma_semaphore, #tpu.memory_space<semaphore_mem>>)
      %add3A_72 = arith.constant 1 : i32
      %add3A_73 = arith.addi %mul3A_50, %add3A_72 : i32
      %dma_wait3A_74 = arith.constant 0 : i32
      %dma_wait3A_75 = tpu.memref_slice %arg7[%add3A_73, %dma_wait3A_74] : memref<41x128xi32, #tpu.memory_space<vmem>> -> memref<1x128xi32, #tpu.memory_space<vmem>>
      %dma_wait3A_76 = tpu.memref_squeeze %dma_wait3A_75 : memref<1x128xi32, #tpu.memory_space<vmem>> -> memref<128xi32, #tpu.memory_space<vmem>>
      %dma_wait3A_77 = arith.constant 0 : i32
      %dma_wait3A_78 = arith.constant 0 : i32
      %dma_wait3A_79 = tpu.memref_slice %arg2[%dma_wait3A_77, %dma_wait3A_78] : memref<10000x128xf32, #tpu.memory_space<hbm>> -> memref<10000x128xf32, #tpu.memory_space<hbm>>
      tpu.wait_indirect_dma semaphore(%arg12 : memref<!tpu.dma_semaphore, #tpu.memory_space<semaphore_mem>>) src(%dma_wait3A_79 : memref<10000x128xf32, #tpu.memory_space<hbm>>) dst(%arg10 : memref<128x128xf32, #tpu.memory_space<vmem>>)
      %add3A_80 = arith.constant 1 : i32
      %add3A_81 = arith.addi %mul3A_50, %add3A_80 : i32
      "tpu.region"() ({
        %run_scoped3A_82 = tpu.sem_alloc : memref<!tpu.dma_semaphore, #tpu.memory_space<semaphore_mem>>
        %dma_start3A_83 = arith.constant 0 : i32
        %dma_start3A_84 = tpu.memref_slice %arg8[%add3A_81, %dma_start3A_83] : memref<41x128xi32, #tpu.memory_space<vmem>> -> memref<1x128xi32, #tpu.memory_space<vmem>>
        %dma_start3A_85 = tpu.memref_squeeze %dma_start3A_84 : memref<1x128xi32, #tpu.memory_space<vmem>> -> memref<128xi32, #tpu.memory_space<vmem>>
        %dma_start3A_86 = arith.constant 0 : i32
        %dma_start3A_87 = arith.constant 0 : i32
        %dma_start3A_88 = tpu.memref_slice %arg13[%dma_start3A_86, %dma_start3A_87] : memref<10112x128xf32, #tpu.memory_space<vmem_shared>> -> memref<10112x128xf32, #tpu.memory_space<vmem_shared>>
        tpu.enqueue_indirect_dma source(%arg10 : memref<128x128xf32, #tpu.memory_space<vmem>>) target(%dma_start3A_88 : memref<10112x128xf32, #tpu.memory_space<vmem_shared>>) offsets(%dma_start3A_85 : memref<128xi32, #tpu.memory_space<vmem>>) semaphore(%run_scoped3A_82 : memref<!tpu.dma_semaphore, #tpu.memory_space<semaphore_mem>>) {add = true}
        %dma_wait3A_89 = arith.constant 0 : i32
        %dma_wait3A_90 = tpu.memref_slice %arg8[%add3A_81, %dma_wait3A_89] : memref<41x128xi32, #tpu.memory_space<vmem>> -> memref<1x128xi32, #tpu.memory_space<vmem>>
        %dma_wait3A_91 = tpu.memref_squeeze %dma_wait3A_90 : memref<1x128xi32, #tpu.memory_space<vmem>> -> memref<128xi32, #tpu.memory_space<vmem>>
        %dma_wait3A_92 = arith.constant 0 : i32
        %dma_wait3A_93 = arith.constant 0 : i32
        %dma_wait3A_94 = tpu.memref_slice %arg13[%dma_wait3A_92, %dma_wait3A_93] : memref<10112x128xf32, #tpu.memory_space<vmem_shared>> -> memref<10112x128xf32, #tpu.memory_space<vmem_shared>>
        tpu.wait_indirect_dma semaphore(%run_scoped3A_82 : memref<!tpu.dma_semaphore, #tpu.memory_space<semaphore_mem>>) src(%arg10 : memref<128x128xf32, #tpu.memory_space<vmem>>) dst(%dma_wait3A_94 : memref<10112x128xf32, #tpu.memory_space<vmem_shared>>)
        tpu.yield
      }) : () -> ()
    }
    %scan3A_35 = arith.constant 20 : i32
    %dma_wait3A_36 = arith.constant 40 : i32
    %dma_wait3A_37 = arith.constant 0 : i32
    %dma_wait3A_38 = tpu.memref_slice %arg7[%dma_wait3A_36, %dma_wait3A_37] : memref<41x128xi32, #tpu.memory_space<vmem>> -> memref<1x128xi32, #tpu.memory_space<vmem>>
    %dma_wait3A_39 = tpu.memref_squeeze %dma_wait3A_38 : memref<1x128xi32, #tpu.memory_space<vmem>> -> memref<128xi32, #tpu.memory_space<vmem>>
    %dma_wait3A_40 = arith.constant 0 : i32
    %dma_wait3A_41 = arith.constant 0 : i32
    %dma_wait3A_42 = tpu.memref_slice %arg2[%dma_wait3A_40, %dma_wait3A_41] : memref<10000x128xf32, #tpu.memory_space<hbm>> -> memref<10000x128xf32, #tpu.memory_space<hbm>>
    tpu.wait_indirect_dma semaphore(%arg11 : memref<!tpu.dma_semaphore, #tpu.memory_space<semaphore_mem>>) src(%dma_wait3A_42 : memref<10000x128xf32, #tpu.memory_space<hbm>>) dst(%arg9 : memref<128x128xf32, #tpu.memory_space<vmem>>)
    %barrier3A_43 = arith.constant 0 : index
    tpu.barrier barrier_id(%barrier3A_43)
    %mul3A_44 = arith.constant 632 : i32
    %mul3A_45 = arith.muli %arg1, %mul3A_44 : i32
    %mul3A_46 = arith.constant 632 : i32
    %mul3A_47 = arith.muli %arg1, %mul3A_46 : i32
    "tpu.region"() ({
      %run_scoped3A_48 = tpu.sem_alloc : memref<!tpu.dma_semaphore, #tpu.memory_space<semaphore_mem>>
      %dma_start3A_49 = arith.constant 0 : i32
      %dma_start3A_50 = tpu.memref_slice %arg6[%arg0, %mul3A_47, %dma_start3A_49] : memref<2x10112x128xf32, #tpu.memory_space<hbm>> -> memref<1x632x128xf32, #tpu.memory_space<hbm>>
      %dma_start3A_51 = tpu.memref_squeeze %dma_start3A_50 : memref<1x632x128xf32, #tpu.memory_space<hbm>> -> memref<632x128xf32, #tpu.memory_space<hbm>>
      %dma_start3A_52 = arith.constant 0 : i32
      %dma_start3A_53 = tpu.memref_slice %arg13[%mul3A_45, %dma_start3A_52] : memref<10112x128xf32, #tpu.memory_space<vmem_shared>> -> memref<632x128xf32, #tpu.memory_space<vmem_shared>>
      tpu.enqueue_dma source(%dma_start3A_53 : memref<632x128xf32, #tpu.memory_space<vmem_shared>>) target(%dma_start3A_51 : memref<632x128xf32, #tpu.memory_space<hbm>>) target_semaphore(%run_scoped3A_48 : memref<!tpu.dma_semaphore, #tpu.memory_space<semaphore_mem>>)
      %dma_wait3A_54 = arith.constant 0 : i32
      %dma_wait3A_55 = tpu.memref_slice %arg6[%arg0, %mul3A_47, %dma_wait3A_54] : memref<2x10112x128xf32, #tpu.memory_space<hbm>> -> memref<1x632x128xf32, #tpu.memory_space<hbm>>
      %dma_wait3A_56 = tpu.memref_squeeze %dma_wait3A_55 : memref<1x632x128xf32, #tpu.memory_space<hbm>> -> memref<632x128xf32, #tpu.memory_space<hbm>>
      %dma_wait3A_57 = arith.constant 0 : i32
      %dma_wait3A_58 = tpu.memref_slice %arg13[%mul3A_45, %dma_wait3A_57] : memref<10112x128xf32, #tpu.memory_space<vmem_shared>> -> memref<632x128xf32, #tpu.memory_space<vmem_shared>>
      tpu.wait_dma2 semaphore(%run_scoped3A_48 : memref<!tpu.dma_semaphore, #tpu.memory_space<semaphore_mem>>) src(%dma_wait3A_58 : memref<632x128xf32, #tpu.memory_space<vmem_shared>>) dst(%dma_wait3A_56 : memref<632x128xf32, #tpu.memory_space<hbm>>)
      tpu.yield
    }) : () -> ()
    return
  }
}

#map = affine_map<(d0, d1) -> (0, 0)>
#map1 = affine_map<(d0, d1) -> (0, 0, 0, 0, 0)>
#map2 = affine_map<(d0, d1) -> (0, 0, 0)>
module attributes {stable_mosaic.version = 14 : i64} {
  func.func @_sc_agg(%arg0: i32, %arg1: i32, %arg2: memref<10000x128xf32, #tpu.memory_space<hbm>>, %arg3: memref<2x16x2x41x128xi32, #tpu.memory_space<hbm>>, %arg4: memref<2x16x2x41x128xi32, #tpu.memory_space<hbm>>, %arg5: memref<10112x128xf32, #tpu.memory_space<hbm>>, %arg6: memref<2x10112x128xf32, #tpu.memory_space<hbm>>, %arg7: memref<41x128xi32, #tpu.memory_space<vmem>>, %arg8: memref<41x128xi32, #tpu.memory_space<vmem>>, %arg9: memref<128x128xf32, #tpu.memory_space<vmem>>, %arg10: memref<128x128xf32, #tpu.memory_space<vmem>>, %arg11: memref<!tpu.dma_semaphore, #tpu.memory_space<semaphore_mem>>, %arg12: memref<!tpu.dma_semaphore, #tpu.memory_space<semaphore_mem>>, %arg13: memref<10112x128xf32, #tpu.memory_space<vmem_shared>>) attributes {dimension_semantics = [#tpu.dimension_semantics<core_parallel>, #tpu.dimension_semantics<subcore_parallel>], iteration_bounds = array<i64: 2, 16>, scalar_prefetch = 0 : i64, scratch_operands = 7 : i64, tpu.core_type = #tpu.core_type<sc_vector_subcore>, window_params = [{transform_indices = #map}, {transform_indices = #map1}, {transform_indices = #map1}, {transform_indices = #map}, {transform_indices = #map2}]} {
    %mul3A = arith.constant 632 : i32
    %mul3A_0 = arith.muli %arg1, %mul3A : i32
    %mul3A_1 = arith.constant 632 : i32
    %mul3A_2 = arith.muli %arg1, %mul3A_1 : i32
    "tpu.region"() ({
      %run_scoped3A_48 = tpu.sem_alloc : memref<!tpu.dma_semaphore, #tpu.memory_space<semaphore_mem>>
      %dma_start3A_49 = arith.constant 0 : i32
      %dma_start3A_50 = tpu.memref_slice %arg13[%mul3A_2, %dma_start3A_49] : memref<10112x128xf32, #tpu.memory_space<vmem_shared>> -> memref<632x128xf32, #tpu.memory_space<vmem_shared>>
      %dma_start3A_51 = arith.constant 0 : i32
      %dma_start3A_52 = tpu.memref_slice %arg5[%mul3A_0, %dma_start3A_51] : memref<10112x128xf32, #tpu.memory_space<hbm>> -> memref<632x128xf32, #tpu.memory_space<hbm>>
      tpu.enqueue_dma source(%dma_start3A_52 : memref<632x128xf32, #tpu.memory_space<hbm>>) target(%dma_start3A_50 : memref<632x128xf32, #tpu.memory_space<vmem_shared>>) target_semaphore(%run_scoped3A_48 : memref<!tpu.dma_semaphore, #tpu.memory_space<semaphore_mem>>)
      %dma_wait3A_53 = arith.constant 0 : i32
      %dma_wait3A_54 = tpu.memref_slice %arg13[%mul3A_2, %dma_wait3A_53] : memref<10112x128xf32, #tpu.memory_space<vmem_shared>> -> memref<632x128xf32, #tpu.memory_space<vmem_shared>>
      %dma_wait3A_55 = arith.constant 0 : i32
      %dma_wait3A_56 = tpu.memref_slice %arg5[%mul3A_0, %dma_wait3A_55] : memref<10112x128xf32, #tpu.memory_space<hbm>> -> memref<632x128xf32, #tpu.memory_space<hbm>>
      tpu.wait_dma2 semaphore(%run_scoped3A_48 : memref<!tpu.dma_semaphore, #tpu.memory_space<semaphore_mem>>) src(%dma_wait3A_56 : memref<632x128xf32, #tpu.memory_space<hbm>>) dst(%dma_wait3A_54 : memref<632x128xf32, #tpu.memory_space<vmem_shared>>)
      tpu.yield
    }) : () -> ()
    %barrier3A = arith.constant 0 : index
    tpu.barrier barrier_id(%barrier3A)
    %run_scoped3A = arith.constant 0 : i32
    "tpu.region"() ({
      %run_scoped3A_48 = tpu.sem_alloc : memref<!tpu.dma_semaphore, #tpu.memory_space<semaphore_mem>>
      %dma_start3A_49 = arith.constant 0 : i32
      %dma_start3A_50 = arith.constant 0 : i32
      %dma_start3A_51 = tpu.memref_slice %arg3[%arg0, %arg1, %run_scoped3A, %dma_start3A_49, %dma_start3A_50] : memref<2x16x2x41x128xi32, #tpu.memory_space<hbm>> -> memref<1x1x1x41x128xi32, #tpu.memory_space<hbm>>
      %dma_start3A_52 = tpu.memref_squeeze %dma_start3A_51 : memref<1x1x1x41x128xi32, #tpu.memory_space<hbm>> -> memref<41x128xi32, #tpu.memory_space<hbm>>
      %dma_start3A_53 = arith.constant 0 : i32
      %dma_start3A_54 = arith.constant 0 : i32
      %dma_start3A_55 = tpu.memref_slice %arg3[%arg0, %arg1, %run_scoped3A, %dma_start3A_53, %dma_start3A_54] : memref<2x16x2x41x128xi32, #tpu.memory_space<hbm>> -> memref<1x1x1x41x128xi32, #tpu.memory_space<hbm>>
      %dma_start3A_56 = tpu.memref_squeeze %dma_start3A_55 : memref<1x1x1x41x128xi32, #tpu.memory_space<hbm>> -> memref<41x128xi32, #tpu.memory_space<hbm>>
      tpu.enqueue_dma source(%dma_start3A_56 : memref<41x128xi32, #tpu.memory_space<hbm>>) target(%arg7 : memref<41x128xi32, #tpu.memory_space<vmem>>) target_semaphore(%run_scoped3A_48 : memref<!tpu.dma_semaphore, #tpu.memory_space<semaphore_mem>>)
      %dma_wait3A_57 = arith.constant 0 : i32
      %dma_wait3A_58 = arith.constant 0 : i32
      %dma_wait3A_59 = tpu.memref_slice %arg3[%arg0, %arg1, %run_scoped3A, %dma_wait3A_57, %dma_wait3A_58] : memref<2x16x2x41x128xi32, #tpu.memory_space<hbm>> -> memref<1x1x1x41x128xi32, #tpu.memory_space<hbm>>
      %dma_wait3A_60 = tpu.memref_squeeze %dma_wait3A_59 : memref<1x1x1x41x128xi32, #tpu.memory_space<hbm>> -> memref<41x128xi32, #tpu.memory_space<hbm>>
      %dma_wait3A_61 = arith.constant 0 : i32
      %dma_wait3A_62 = arith.constant 0 : i32
      %dma_wait3A_63 = tpu.memref_slice %arg3[%arg0, %arg1, %run_scoped3A, %dma_wait3A_61, %dma_wait3A_62] : memref<2x16x2x41x128xi32, #tpu.memory_space<hbm>> -> memref<1x1x1x41x128xi32, #tpu.memory_space<hbm>>
      %dma_wait3A_64 = tpu.memref_squeeze %dma_wait3A_63 : memref<1x1x1x41x128xi32, #tpu.memory_space<hbm>> -> memref<41x128xi32, #tpu.memory_space<hbm>>
      tpu.wait_dma2 semaphore(%run_scoped3A_48 : memref<!tpu.dma_semaphore, #tpu.memory_space<semaphore_mem>>) src(%dma_wait3A_64 : memref<41x128xi32, #tpu.memory_space<hbm>>) dst(%arg7 : memref<41x128xi32, #tpu.memory_space<vmem>>)
      tpu.yield
    }) : () -> ()
    %run_scoped3A_3 = arith.constant 0 : i32
    "tpu.region"() ({
      %run_scoped3A_48 = tpu.sem_alloc : memref<!tpu.dma_semaphore, #tpu.memory_space<semaphore_mem>>
      %dma_start3A_49 = arith.constant 0 : i32
      %dma_start3A_50 = arith.constant 0 : i32
      %dma_start3A_51 = tpu.memref_slice %arg4[%arg0, %arg1, %run_scoped3A_3, %dma_start3A_49, %dma_start3A_50] : memref<2x16x2x41x128xi32, #tpu.memory_space<hbm>> -> memref<1x1x1x41x128xi32, #tpu.memory_space<hbm>>
      %dma_start3A_52 = tpu.memref_squeeze %dma_start3A_51 : memref<1x1x1x41x128xi32, #tpu.memory_space<hbm>> -> memref<41x128xi32, #tpu.memory_space<hbm>>
      %dma_start3A_53 = arith.constant 0 : i32
      %dma_start3A_54 = arith.constant 0 : i32
      %dma_start3A_55 = tpu.memref_slice %arg4[%arg0, %arg1, %run_scoped3A_3, %dma_start3A_53, %dma_start3A_54] : memref<2x16x2x41x128xi32, #tpu.memory_space<hbm>> -> memref<1x1x1x41x128xi32, #tpu.memory_space<hbm>>
      %dma_start3A_56 = tpu.memref_squeeze %dma_start3A_55 : memref<1x1x1x41x128xi32, #tpu.memory_space<hbm>> -> memref<41x128xi32, #tpu.memory_space<hbm>>
      tpu.enqueue_dma source(%dma_start3A_56 : memref<41x128xi32, #tpu.memory_space<hbm>>) target(%arg8 : memref<41x128xi32, #tpu.memory_space<vmem>>) target_semaphore(%run_scoped3A_48 : memref<!tpu.dma_semaphore, #tpu.memory_space<semaphore_mem>>)
      %dma_wait3A_57 = arith.constant 0 : i32
      %dma_wait3A_58 = arith.constant 0 : i32
      %dma_wait3A_59 = tpu.memref_slice %arg4[%arg0, %arg1, %run_scoped3A_3, %dma_wait3A_57, %dma_wait3A_58] : memref<2x16x2x41x128xi32, #tpu.memory_space<hbm>> -> memref<1x1x1x41x128xi32, #tpu.memory_space<hbm>>
      %dma_wait3A_60 = tpu.memref_squeeze %dma_wait3A_59 : memref<1x1x1x41x128xi32, #tpu.memory_space<hbm>> -> memref<41x128xi32, #tpu.memory_space<hbm>>
      %dma_wait3A_61 = arith.constant 0 : i32
      %dma_wait3A_62 = arith.constant 0 : i32
      %dma_wait3A_63 = tpu.memref_slice %arg4[%arg0, %arg1, %run_scoped3A_3, %dma_wait3A_61, %dma_wait3A_62] : memref<2x16x2x41x128xi32, #tpu.memory_space<hbm>> -> memref<1x1x1x41x128xi32, #tpu.memory_space<hbm>>
      %dma_wait3A_64 = tpu.memref_squeeze %dma_wait3A_63 : memref<1x1x1x41x128xi32, #tpu.memory_space<hbm>> -> memref<41x128xi32, #tpu.memory_space<hbm>>
      tpu.wait_dma2 semaphore(%run_scoped3A_48 : memref<!tpu.dma_semaphore, #tpu.memory_space<semaphore_mem>>) src(%dma_wait3A_64 : memref<41x128xi32, #tpu.memory_space<hbm>>) dst(%arg8 : memref<41x128xi32, #tpu.memory_space<vmem>>)
      tpu.yield
    }) : () -> ()
    %dma_start3A = arith.constant 0 : i32
    %dma_start3A_4 = arith.constant 0 : i32
    %dma_start3A_5 = tpu.memref_slice %arg7[%dma_start3A, %dma_start3A_4] : memref<41x128xi32, #tpu.memory_space<vmem>> -> memref<1x128xi32, #tpu.memory_space<vmem>>
    %dma_start3A_6 = tpu.memref_squeeze %dma_start3A_5 : memref<1x128xi32, #tpu.memory_space<vmem>> -> memref<128xi32, #tpu.memory_space<vmem>>
    %dma_start3A_7 = arith.constant 0 : i32
    %dma_start3A_8 = arith.constant 0 : i32
    %dma_start3A_9 = tpu.memref_slice %arg2[%dma_start3A_7, %dma_start3A_8] : memref<10000x128xf32, #tpu.memory_space<hbm>> -> memref<10000x128xf32, #tpu.memory_space<hbm>>
    tpu.enqueue_indirect_dma source(%dma_start3A_9 : memref<10000x128xf32, #tpu.memory_space<hbm>>) target(%arg9 : memref<128x128xf32, #tpu.memory_space<vmem>>) offsets(%dma_start3A_6 : memref<128xi32, #tpu.memory_space<vmem>>) semaphore(%arg11 : memref<!tpu.dma_semaphore, #tpu.memory_space<semaphore_mem>>)
    %scan3A = arith.constant 0 : i32
    %scan3A_10 = arith.constant 0 : i32
    %scan3A_11 = arith.constant 20 : i32
    %scan3A_12 = arith.addi %scan3A_10, %scan3A_11 : i32
    %scan3A_13 = arith.constant 1 : i32
    scf.for %scan3A_48 = %scan3A_10 to %scan3A_12 step %scan3A_13  : i32 {
      %mul3A_49 = arith.constant 2 : i32
      %mul3A_50 = arith.muli %mul3A_49, %scan3A_48 : i32
      %add3A = arith.constant 1 : i32
      %add3A_51 = arith.addi %mul3A_50, %add3A : i32
      %dma_start3A_52 = arith.constant 0 : i32
      %dma_start3A_53 = tpu.memref_slice %arg7[%add3A_51, %dma_start3A_52] : memref<41x128xi32, #tpu.memory_space<vmem>> -> memref<1x128xi32, #tpu.memory_space<vmem>>
      %dma_start3A_54 = tpu.memref_squeeze %dma_start3A_53 : memref<1x128xi32, #tpu.memory_space<vmem>> -> memref<128xi32, #tpu.memory_space<vmem>>
      %dma_start3A_55 = arith.constant 0 : i32
      %dma_start3A_56 = arith.constant 0 : i32
      %dma_start3A_57 = tpu.memref_slice %arg2[%dma_start3A_55, %dma_start3A_56] : memref<10000x128xf32, #tpu.memory_space<hbm>> -> memref<10000x128xf32, #tpu.memory_space<hbm>>
      tpu.enqueue_indirect_dma source(%dma_start3A_57 : memref<10000x128xf32, #tpu.memory_space<hbm>>) target(%arg10 : memref<128x128xf32, #tpu.memory_space<vmem>>) offsets(%dma_start3A_54 : memref<128xi32, #tpu.memory_space<vmem>>) semaphore(%arg12 : memref<!tpu.dma_semaphore, #tpu.memory_space<semaphore_mem>>)
      %dma_wait3A_58 = arith.constant 0 : i32
      %dma_wait3A_59 = tpu.memref_slice %arg7[%mul3A_50, %dma_wait3A_58] : memref<41x128xi32, #tpu.memory_space<vmem>> -> memref<1x128xi32, #tpu.memory_space<vmem>>
      %dma_wait3A_60 = tpu.memref_squeeze %dma_wait3A_59 : memref<1x128xi32, #tpu.memory_space<vmem>> -> memref<128xi32, #tpu.memory_space<vmem>>
      %dma_wait3A_61 = arith.constant 0 : i32
      %dma_wait3A_62 = arith.constant 0 : i32
      %dma_wait3A_63 = tpu.memref_slice %arg2[%dma_wait3A_61, %dma_wait3A_62] : memref<10000x128xf32, #tpu.memory_space<hbm>> -> memref<10000x128xf32, #tpu.memory_space<hbm>>
      tpu.wait_indirect_dma semaphore(%arg11 : memref<!tpu.dma_semaphore, #tpu.memory_space<semaphore_mem>>) src(%dma_wait3A_63 : memref<10000x128xf32, #tpu.memory_space<hbm>>) dst(%arg9 : memref<128x128xf32, #tpu.memory_space<vmem>>)
      "tpu.region"() ({
        %run_scoped3A_82 = tpu.sem_alloc : memref<!tpu.dma_semaphore, #tpu.memory_space<semaphore_mem>>
        %dma_start3A_83 = arith.constant 0 : i32
        %dma_start3A_84 = tpu.memref_slice %arg8[%mul3A_50, %dma_start3A_83] : memref<41x128xi32, #tpu.memory_space<vmem>> -> memref<1x128xi32, #tpu.memory_space<vmem>>
        %dma_start3A_85 = tpu.memref_squeeze %dma_start3A_84 : memref<1x128xi32, #tpu.memory_space<vmem>> -> memref<128xi32, #tpu.memory_space<vmem>>
        %dma_start3A_86 = arith.constant 0 : i32
        %dma_start3A_87 = arith.constant 0 : i32
        %dma_start3A_88 = tpu.memref_slice %arg13[%dma_start3A_86, %dma_start3A_87] : memref<10112x128xf32, #tpu.memory_space<vmem_shared>> -> memref<10112x128xf32, #tpu.memory_space<vmem_shared>>
        tpu.enqueue_indirect_dma source(%arg9 : memref<128x128xf32, #tpu.memory_space<vmem>>) target(%dma_start3A_88 : memref<10112x128xf32, #tpu.memory_space<vmem_shared>>) offsets(%dma_start3A_85 : memref<128xi32, #tpu.memory_space<vmem>>) semaphore(%run_scoped3A_82 : memref<!tpu.dma_semaphore, #tpu.memory_space<semaphore_mem>>) {add = true}
        %dma_wait3A_89 = arith.constant 0 : i32
        %dma_wait3A_90 = tpu.memref_slice %arg8[%mul3A_50, %dma_wait3A_89] : memref<41x128xi32, #tpu.memory_space<vmem>> -> memref<1x128xi32, #tpu.memory_space<vmem>>
        %dma_wait3A_91 = tpu.memref_squeeze %dma_wait3A_90 : memref<1x128xi32, #tpu.memory_space<vmem>> -> memref<128xi32, #tpu.memory_space<vmem>>
        %dma_wait3A_92 = arith.constant 0 : i32
        %dma_wait3A_93 = arith.constant 0 : i32
        %dma_wait3A_94 = tpu.memref_slice %arg13[%dma_wait3A_92, %dma_wait3A_93] : memref<10112x128xf32, #tpu.memory_space<vmem_shared>> -> memref<10112x128xf32, #tpu.memory_space<vmem_shared>>
        tpu.wait_indirect_dma semaphore(%run_scoped3A_82 : memref<!tpu.dma_semaphore, #tpu.memory_space<semaphore_mem>>) src(%arg9 : memref<128x128xf32, #tpu.memory_space<vmem>>) dst(%dma_wait3A_94 : memref<10112x128xf32, #tpu.memory_space<vmem_shared>>)
        tpu.yield
      }) : () -> ()
      %add3A_64 = arith.constant 2 : i32
      %add3A_65 = arith.addi %mul3A_50, %add3A_64 : i32
      %dma_start3A_66 = arith.constant 0 : i32
      %dma_start3A_67 = tpu.memref_slice %arg7[%add3A_65, %dma_start3A_66] : memref<41x128xi32, #tpu.memory_space<vmem>> -> memref<1x128xi32, #tpu.memory_space<vmem>>
      %dma_start3A_68 = tpu.memref_squeeze %dma_start3A_67 : memref<1x128xi32, #tpu.memory_space<vmem>> -> memref<128xi32, #tpu.memory_space<vmem>>
      %dma_start3A_69 = arith.constant 0 : i32
      %dma_start3A_70 = arith.constant 0 : i32
      %dma_start3A_71 = tpu.memref_slice %arg2[%dma_start3A_69, %dma_start3A_70] : memref<10000x128xf32, #tpu.memory_space<hbm>> -> memref<10000x128xf32, #tpu.memory_space<hbm>>
      tpu.enqueue_indirect_dma source(%dma_start3A_71 : memref<10000x128xf32, #tpu.memory_space<hbm>>) target(%arg9 : memref<128x128xf32, #tpu.memory_space<vmem>>) offsets(%dma_start3A_68 : memref<128xi32, #tpu.memory_space<vmem>>) semaphore(%arg11 : memref<!tpu.dma_semaphore, #tpu.memory_space<semaphore_mem>>)
      %add3A_72 = arith.constant 1 : i32
      %add3A_73 = arith.addi %mul3A_50, %add3A_72 : i32
      %dma_wait3A_74 = arith.constant 0 : i32
      %dma_wait3A_75 = tpu.memref_slice %arg7[%add3A_73, %dma_wait3A_74] : memref<41x128xi32, #tpu.memory_space<vmem>> -> memref<1x128xi32, #tpu.memory_space<vmem>>
      %dma_wait3A_76 = tpu.memref_squeeze %dma_wait3A_75 : memref<1x128xi32, #tpu.memory_space<vmem>> -> memref<128xi32, #tpu.memory_space<vmem>>
      %dma_wait3A_77 = arith.constant 0 : i32
      %dma_wait3A_78 = arith.constant 0 : i32
      %dma_wait3A_79 = tpu.memref_slice %arg2[%dma_wait3A_77, %dma_wait3A_78] : memref<10000x128xf32, #tpu.memory_space<hbm>> -> memref<10000x128xf32, #tpu.memory_space<hbm>>
      tpu.wait_indirect_dma semaphore(%arg12 : memref<!tpu.dma_semaphore, #tpu.memory_space<semaphore_mem>>) src(%dma_wait3A_79 : memref<10000x128xf32, #tpu.memory_space<hbm>>) dst(%arg10 : memref<128x128xf32, #tpu.memory_space<vmem>>)
      %add3A_80 = arith.constant 1 : i32
      %add3A_81 = arith.addi %mul3A_50, %add3A_80 : i32
      "tpu.region"() ({
        %run_scoped3A_82 = tpu.sem_alloc : memref<!tpu.dma_semaphore, #tpu.memory_space<semaphore_mem>>
        %dma_start3A_83 = arith.constant 0 : i32
        %dma_start3A_84 = tpu.memref_slice %arg8[%add3A_81, %dma_start3A_83] : memref<41x128xi32, #tpu.memory_space<vmem>> -> memref<1x128xi32, #tpu.memory_space<vmem>>
        %dma_start3A_85 = tpu.memref_squeeze %dma_start3A_84 : memref<1x128xi32, #tpu.memory_space<vmem>> -> memref<128xi32, #tpu.memory_space<vmem>>
        %dma_start3A_86 = arith.constant 0 : i32
        %dma_start3A_87 = arith.constant 0 : i32
        %dma_start3A_88 = tpu.memref_slice %arg13[%dma_start3A_86, %dma_start3A_87] : memref<10112x128xf32, #tpu.memory_space<vmem_shared>> -> memref<10112x128xf32, #tpu.memory_space<vmem_shared>>
        tpu.enqueue_indirect_dma source(%arg10 : memref<128x128xf32, #tpu.memory_space<vmem>>) target(%dma_start3A_88 : memref<10112x128xf32, #tpu.memory_space<vmem_shared>>) offsets(%dma_start3A_85 : memref<128xi32, #tpu.memory_space<vmem>>) semaphore(%run_scoped3A_82 : memref<!tpu.dma_semaphore, #tpu.memory_space<semaphore_mem>>) {add = true}
        %dma_wait3A_89 = arith.constant 0 : i32
        %dma_wait3A_90 = tpu.memref_slice %arg8[%add3A_81, %dma_wait3A_89] : memref<41x128xi32, #tpu.memory_space<vmem>> -> memref<1x128xi32, #tpu.memory_space<vmem>>
        %dma_wait3A_91 = tpu.memref_squeeze %dma_wait3A_90 : memref<1x128xi32, #tpu.memory_space<vmem>> -> memref<128xi32, #tpu.memory_space<vmem>>
        %dma_wait3A_92 = arith.constant 0 : i32
        %dma_wait3A_93 = arith.constant 0 : i32
        %dma_wait3A_94 = tpu.memref_slice %arg13[%dma_wait3A_92, %dma_wait3A_93] : memref<10112x128xf32, #tpu.memory_space<vmem_shared>> -> memref<10112x128xf32, #tpu.memory_space<vmem_shared>>
        tpu.wait_indirect_dma semaphore(%run_scoped3A_82 : memref<!tpu.dma_semaphore, #tpu.memory_space<semaphore_mem>>) src(%arg10 : memref<128x128xf32, #tpu.memory_space<vmem>>) dst(%dma_wait3A_94 : memref<10112x128xf32, #tpu.memory_space<vmem_shared>>)
        tpu.yield
      }) : () -> ()
    }
    %scan3A_14 = arith.constant 20 : i32
    %dma_wait3A = arith.constant 40 : i32
    %dma_wait3A_15 = arith.constant 0 : i32
    %dma_wait3A_16 = tpu.memref_slice %arg7[%dma_wait3A, %dma_wait3A_15] : memref<41x128xi32, #tpu.memory_space<vmem>> -> memref<1x128xi32, #tpu.memory_space<vmem>>
    %dma_wait3A_17 = tpu.memref_squeeze %dma_wait3A_16 : memref<1x128xi32, #tpu.memory_space<vmem>> -> memref<128xi32, #tpu.memory_space<vmem>>
    %dma_wait3A_18 = arith.constant 0 : i32
    %dma_wait3A_19 = arith.constant 0 : i32
    %dma_wait3A_20 = tpu.memref_slice %arg2[%dma_wait3A_18, %dma_wait3A_19] : memref<10000x128xf32, #tpu.memory_space<hbm>> -> memref<10000x128xf32, #tpu.memory_space<hbm>>
    tpu.wait_indirect_dma semaphore(%arg11 : memref<!tpu.dma_semaphore, #tpu.memory_space<semaphore_mem>>) src(%dma_wait3A_20 : memref<10000x128xf32, #tpu.memory_space<hbm>>) dst(%arg9 : memref<128x128xf32, #tpu.memory_space<vmem>>)
    %run_scoped3A_21 = arith.constant 1 : i32
    "tpu.region"() ({
      %run_scoped3A_48 = tpu.sem_alloc : memref<!tpu.dma_semaphore, #tpu.memory_space<semaphore_mem>>
      %dma_start3A_49 = arith.constant 0 : i32
      %dma_start3A_50 = arith.constant 0 : i32
      %dma_start3A_51 = tpu.memref_slice %arg3[%arg0, %arg1, %run_scoped3A_21, %dma_start3A_49, %dma_start3A_50] : memref<2x16x2x41x128xi32, #tpu.memory_space<hbm>> -> memref<1x1x1x41x128xi32, #tpu.memory_space<hbm>>
      %dma_start3A_52 = tpu.memref_squeeze %dma_start3A_51 : memref<1x1x1x41x128xi32, #tpu.memory_space<hbm>> -> memref<41x128xi32, #tpu.memory_space<hbm>>
      %dma_start3A_53 = arith.constant 0 : i32
      %dma_start3A_54 = arith.constant 0 : i32
      %dma_start3A_55 = tpu.memref_slice %arg3[%arg0, %arg1, %run_scoped3A_21, %dma_start3A_53, %dma_start3A_54] : memref<2x16x2x41x128xi32, #tpu.memory_space<hbm>> -> memref<1x1x1x41x128xi32, #tpu.memory_space<hbm>>
      %dma_start3A_56 = tpu.memref_squeeze %dma_start3A_55 : memref<1x1x1x41x128xi32, #tpu.memory_space<hbm>> -> memref<41x128xi32, #tpu.memory_space<hbm>>
      tpu.enqueue_dma source(%dma_start3A_56 : memref<41x128xi32, #tpu.memory_space<hbm>>) target(%arg7 : memref<41x128xi32, #tpu.memory_space<vmem>>) target_semaphore(%run_scoped3A_48 : memref<!tpu.dma_semaphore, #tpu.memory_space<semaphore_mem>>)
      %dma_wait3A_57 = arith.constant 0 : i32
      %dma_wait3A_58 = arith.constant 0 : i32
      %dma_wait3A_59 = tpu.memref_slice %arg3[%arg0, %arg1, %run_scoped3A_21, %dma_wait3A_57, %dma_wait3A_58] : memref<2x16x2x41x128xi32, #tpu.memory_space<hbm>> -> memref<1x1x1x41x128xi32, #tpu.memory_space<hbm>>
      %dma_wait3A_60 = tpu.memref_squeeze %dma_wait3A_59 : memref<1x1x1x41x128xi32, #tpu.memory_space<hbm>> -> memref<41x128xi32, #tpu.memory_space<hbm>>
      %dma_wait3A_61 = arith.constant 0 : i32
      %dma_wait3A_62 = arith.constant 0 : i32
      %dma_wait3A_63 = tpu.memref_slice %arg3[%arg0, %arg1, %run_scoped3A_21, %dma_wait3A_61, %dma_wait3A_62] : memref<2x16x2x41x128xi32, #tpu.memory_space<hbm>> -> memref<1x1x1x41x128xi32, #tpu.memory_space<hbm>>
      %dma_wait3A_64 = tpu.memref_squeeze %dma_wait3A_63 : memref<1x1x1x41x128xi32, #tpu.memory_space<hbm>> -> memref<41x128xi32, #tpu.memory_space<hbm>>
      tpu.wait_dma2 semaphore(%run_scoped3A_48 : memref<!tpu.dma_semaphore, #tpu.memory_space<semaphore_mem>>) src(%dma_wait3A_64 : memref<41x128xi32, #tpu.memory_space<hbm>>) dst(%arg7 : memref<41x128xi32, #tpu.memory_space<vmem>>)
      tpu.yield
    }) : () -> ()
    %run_scoped3A_22 = arith.constant 1 : i32
    "tpu.region"() ({
      %run_scoped3A_48 = tpu.sem_alloc : memref<!tpu.dma_semaphore, #tpu.memory_space<semaphore_mem>>
      %dma_start3A_49 = arith.constant 0 : i32
      %dma_start3A_50 = arith.constant 0 : i32
      %dma_start3A_51 = tpu.memref_slice %arg4[%arg0, %arg1, %run_scoped3A_22, %dma_start3A_49, %dma_start3A_50] : memref<2x16x2x41x128xi32, #tpu.memory_space<hbm>> -> memref<1x1x1x41x128xi32, #tpu.memory_space<hbm>>
      %dma_start3A_52 = tpu.memref_squeeze %dma_start3A_51 : memref<1x1x1x41x128xi32, #tpu.memory_space<hbm>> -> memref<41x128xi32, #tpu.memory_space<hbm>>
      %dma_start3A_53 = arith.constant 0 : i32
      %dma_start3A_54 = arith.constant 0 : i32
      %dma_start3A_55 = tpu.memref_slice %arg4[%arg0, %arg1, %run_scoped3A_22, %dma_start3A_53, %dma_start3A_54] : memref<2x16x2x41x128xi32, #tpu.memory_space<hbm>> -> memref<1x1x1x41x128xi32, #tpu.memory_space<hbm>>
      %dma_start3A_56 = tpu.memref_squeeze %dma_start3A_55 : memref<1x1x1x41x128xi32, #tpu.memory_space<hbm>> -> memref<41x128xi32, #tpu.memory_space<hbm>>
      tpu.enqueue_dma source(%dma_start3A_56 : memref<41x128xi32, #tpu.memory_space<hbm>>) target(%arg8 : memref<41x128xi32, #tpu.memory_space<vmem>>) target_semaphore(%run_scoped3A_48 : memref<!tpu.dma_semaphore, #tpu.memory_space<semaphore_mem>>)
      %dma_wait3A_57 = arith.constant 0 : i32
      %dma_wait3A_58 = arith.constant 0 : i32
      %dma_wait3A_59 = tpu.memref_slice %arg4[%arg0, %arg1, %run_scoped3A_22, %dma_wait3A_57, %dma_wait3A_58] : memref<2x16x2x41x128xi32, #tpu.memory_space<hbm>> -> memref<1x1x1x41x128xi32, #tpu.memory_space<hbm>>
      %dma_wait3A_60 = tpu.memref_squeeze %dma_wait3A_59 : memref<1x1x1x41x128xi32, #tpu.memory_space<hbm>> -> memref<41x128xi32, #tpu.memory_space<hbm>>
      %dma_wait3A_61 = arith.constant 0 : i32
      %dma_wait3A_62 = arith.constant 0 : i32
      %dma_wait3A_63 = tpu.memref_slice %arg4[%arg0, %arg1, %run_scoped3A_22, %dma_wait3A_61, %dma_wait3A_62] : memref<2x16x2x41x128xi32, #tpu.memory_space<hbm>> -> memref<1x1x1x41x128xi32, #tpu.memory_space<hbm>>
      %dma_wait3A_64 = tpu.memref_squeeze %dma_wait3A_63 : memref<1x1x1x41x128xi32, #tpu.memory_space<hbm>> -> memref<41x128xi32, #tpu.memory_space<hbm>>
      tpu.wait_dma2 semaphore(%run_scoped3A_48 : memref<!tpu.dma_semaphore, #tpu.memory_space<semaphore_mem>>) src(%dma_wait3A_64 : memref<41x128xi32, #tpu.memory_space<hbm>>) dst(%arg8 : memref<41x128xi32, #tpu.memory_space<vmem>>)
      tpu.yield
    }) : () -> ()
    %dma_start3A_23 = arith.constant 0 : i32
    %dma_start3A_24 = arith.constant 0 : i32
    %dma_start3A_25 = tpu.memref_slice %arg7[%dma_start3A_23, %dma_start3A_24] : memref<41x128xi32, #tpu.memory_space<vmem>> -> memref<1x128xi32, #tpu.memory_space<vmem>>
    %dma_start3A_26 = tpu.memref_squeeze %dma_start3A_25 : memref<1x128xi32, #tpu.memory_space<vmem>> -> memref<128xi32, #tpu.memory_space<vmem>>
    %dma_start3A_27 = arith.constant 0 : i32
    %dma_start3A_28 = arith.constant 0 : i32
    %dma_start3A_29 = tpu.memref_slice %arg2[%dma_start3A_27, %dma_start3A_28] : memref<10000x128xf32, #tpu.memory_space<hbm>> -> memref<10000x128xf32, #tpu.memory_space<hbm>>
    tpu.enqueue_indirect_dma source(%dma_start3A_29 : memref<10000x128xf32, #tpu.memory_space<hbm>>) target(%arg9 : memref<128x128xf32, #tpu.memory_space<vmem>>) offsets(%dma_start3A_26 : memref<128xi32, #tpu.memory_space<vmem>>) semaphore(%arg11 : memref<!tpu.dma_semaphore, #tpu.memory_space<semaphore_mem>>)
    %scan3A_30 = arith.constant 0 : i32
    %scan3A_31 = arith.constant 0 : i32
    %scan3A_32 = arith.constant 20 : i32
    %scan3A_33 = arith.addi %scan3A_31, %scan3A_32 : i32
    %scan3A_34 = arith.constant 1 : i32
    scf.for %scan3A_48 = %scan3A_31 to %scan3A_33 step %scan3A_34  : i32 {
      %mul3A_49 = arith.constant 2 : i32
      %mul3A_50 = arith.muli %mul3A_49, %scan3A_48 : i32
      %add3A = arith.constant 1 : i32
      %add3A_51 = arith.addi %mul3A_50, %add3A : i32
      %dma_start3A_52 = arith.constant 0 : i32
      %dma_start3A_53 = tpu.memref_slice %arg7[%add3A_51, %dma_start3A_52] : memref<41x128xi32, #tpu.memory_space<vmem>> -> memref<1x128xi32, #tpu.memory_space<vmem>>
      %dma_start3A_54 = tpu.memref_squeeze %dma_start3A_53 : memref<1x128xi32, #tpu.memory_space<vmem>> -> memref<128xi32, #tpu.memory_space<vmem>>
      %dma_start3A_55 = arith.constant 0 : i32
      %dma_start3A_56 = arith.constant 0 : i32
      %dma_start3A_57 = tpu.memref_slice %arg2[%dma_start3A_55, %dma_start3A_56] : memref<10000x128xf32, #tpu.memory_space<hbm>> -> memref<10000x128xf32, #tpu.memory_space<hbm>>
      tpu.enqueue_indirect_dma source(%dma_start3A_57 : memref<10000x128xf32, #tpu.memory_space<hbm>>) target(%arg10 : memref<128x128xf32, #tpu.memory_space<vmem>>) offsets(%dma_start3A_54 : memref<128xi32, #tpu.memory_space<vmem>>) semaphore(%arg12 : memref<!tpu.dma_semaphore, #tpu.memory_space<semaphore_mem>>)
      %dma_wait3A_58 = arith.constant 0 : i32
      %dma_wait3A_59 = tpu.memref_slice %arg7[%mul3A_50, %dma_wait3A_58] : memref<41x128xi32, #tpu.memory_space<vmem>> -> memref<1x128xi32, #tpu.memory_space<vmem>>
      %dma_wait3A_60 = tpu.memref_squeeze %dma_wait3A_59 : memref<1x128xi32, #tpu.memory_space<vmem>> -> memref<128xi32, #tpu.memory_space<vmem>>
      %dma_wait3A_61 = arith.constant 0 : i32
      %dma_wait3A_62 = arith.constant 0 : i32
      %dma_wait3A_63 = tpu.memref_slice %arg2[%dma_wait3A_61, %dma_wait3A_62] : memref<10000x128xf32, #tpu.memory_space<hbm>> -> memref<10000x128xf32, #tpu.memory_space<hbm>>
      tpu.wait_indirect_dma semaphore(%arg11 : memref<!tpu.dma_semaphore, #tpu.memory_space<semaphore_mem>>) src(%dma_wait3A_63 : memref<10000x128xf32, #tpu.memory_space<hbm>>) dst(%arg9 : memref<128x128xf32, #tpu.memory_space<vmem>>)
      "tpu.region"() ({
        %run_scoped3A_82 = tpu.sem_alloc : memref<!tpu.dma_semaphore, #tpu.memory_space<semaphore_mem>>
        %dma_start3A_83 = arith.constant 0 : i32
        %dma_start3A_84 = tpu.memref_slice %arg8[%mul3A_50, %dma_start3A_83] : memref<41x128xi32, #tpu.memory_space<vmem>> -> memref<1x128xi32, #tpu.memory_space<vmem>>
        %dma_start3A_85 = tpu.memref_squeeze %dma_start3A_84 : memref<1x128xi32, #tpu.memory_space<vmem>> -> memref<128xi32, #tpu.memory_space<vmem>>
        %dma_start3A_86 = arith.constant 0 : i32
        %dma_start3A_87 = arith.constant 0 : i32
        %dma_start3A_88 = tpu.memref_slice %arg13[%dma_start3A_86, %dma_start3A_87] : memref<10112x128xf32, #tpu.memory_space<vmem_shared>> -> memref<10112x128xf32, #tpu.memory_space<vmem_shared>>
        tpu.enqueue_indirect_dma source(%arg9 : memref<128x128xf32, #tpu.memory_space<vmem>>) target(%dma_start3A_88 : memref<10112x128xf32, #tpu.memory_space<vmem_shared>>) offsets(%dma_start3A_85 : memref<128xi32, #tpu.memory_space<vmem>>) semaphore(%run_scoped3A_82 : memref<!tpu.dma_semaphore, #tpu.memory_space<semaphore_mem>>) {add = true}
        %dma_wait3A_89 = arith.constant 0 : i32
        %dma_wait3A_90 = tpu.memref_slice %arg8[%mul3A_50, %dma_wait3A_89] : memref<41x128xi32, #tpu.memory_space<vmem>> -> memref<1x128xi32, #tpu.memory_space<vmem>>
        %dma_wait3A_91 = tpu.memref_squeeze %dma_wait3A_90 : memref<1x128xi32, #tpu.memory_space<vmem>> -> memref<128xi32, #tpu.memory_space<vmem>>
        %dma_wait3A_92 = arith.constant 0 : i32
        %dma_wait3A_93 = arith.constant 0 : i32
        %dma_wait3A_94 = tpu.memref_slice %arg13[%dma_wait3A_92, %dma_wait3A_93] : memref<10112x128xf32, #tpu.memory_space<vmem_shared>> -> memref<10112x128xf32, #tpu.memory_space<vmem_shared>>
        tpu.wait_indirect_dma semaphore(%run_scoped3A_82 : memref<!tpu.dma_semaphore, #tpu.memory_space<semaphore_mem>>) src(%arg9 : memref<128x128xf32, #tpu.memory_space<vmem>>) dst(%dma_wait3A_94 : memref<10112x128xf32, #tpu.memory_space<vmem_shared>>)
        tpu.yield
      }) : () -> ()
      %add3A_64 = arith.constant 2 : i32
      %add3A_65 = arith.addi %mul3A_50, %add3A_64 : i32
      %dma_start3A_66 = arith.constant 0 : i32
      %dma_start3A_67 = tpu.memref_slice %arg7[%add3A_65, %dma_start3A_66] : memref<41x128xi32, #tpu.memory_space<vmem>> -> memref<1x128xi32, #tpu.memory_space<vmem>>
      %dma_start3A_68 = tpu.memref_squeeze %dma_start3A_67 : memref<1x128xi32, #tpu.memory_space<vmem>> -> memref<128xi32, #tpu.memory_space<vmem>>
      %dma_start3A_69 = arith.constant 0 : i32
      %dma_start3A_70 = arith.constant 0 : i32
      %dma_start3A_71 = tpu.memref_slice %arg2[%dma_start3A_69, %dma_start3A_70] : memref<10000x128xf32, #tpu.memory_space<hbm>> -> memref<10000x128xf32, #tpu.memory_space<hbm>>
      tpu.enqueue_indirect_dma source(%dma_start3A_71 : memref<10000x128xf32, #tpu.memory_space<hbm>>) target(%arg9 : memref<128x128xf32, #tpu.memory_space<vmem>>) offsets(%dma_start3A_68 : memref<128xi32, #tpu.memory_space<vmem>>) semaphore(%arg11 : memref<!tpu.dma_semaphore, #tpu.memory_space<semaphore_mem>>)
      %add3A_72 = arith.constant 1 : i32
      %add3A_73 = arith.addi %mul3A_50, %add3A_72 : i32
      %dma_wait3A_74 = arith.constant 0 : i32
      %dma_wait3A_75 = tpu.memref_slice %arg7[%add3A_73, %dma_wait3A_74] : memref<41x128xi32, #tpu.memory_space<vmem>> -> memref<1x128xi32, #tpu.memory_space<vmem>>
      %dma_wait3A_76 = tpu.memref_squeeze %dma_wait3A_75 : memref<1x128xi32, #tpu.memory_space<vmem>> -> memref<128xi32, #tpu.memory_space<vmem>>
      %dma_wait3A_77 = arith.constant 0 : i32
      %dma_wait3A_78 = arith.constant 0 : i32
      %dma_wait3A_79 = tpu.memref_slice %arg2[%dma_wait3A_77, %dma_wait3A_78] : memref<10000x128xf32, #tpu.memory_space<hbm>> -> memref<10000x128xf32, #tpu.memory_space<hbm>>
      tpu.wait_indirect_dma semaphore(%arg12 : memref<!tpu.dma_semaphore, #tpu.memory_space<semaphore_mem>>) src(%dma_wait3A_79 : memref<10000x128xf32, #tpu.memory_space<hbm>>) dst(%arg10 : memref<128x128xf32, #tpu.memory_space<vmem>>)
      %add3A_80 = arith.constant 1 : i32
      %add3A_81 = arith.addi %mul3A_50, %add3A_80 : i32
      "tpu.region"() ({
        %run_scoped3A_82 = tpu.sem_alloc : memref<!tpu.dma_semaphore, #tpu.memory_space<semaphore_mem>>
        %dma_start3A_83 = arith.constant 0 : i32
        %dma_start3A_84 = tpu.memref_slice %arg8[%add3A_81, %dma_start3A_83] : memref<41x128xi32, #tpu.memory_space<vmem>> -> memref<1x128xi32, #tpu.memory_space<vmem>>
        %dma_start3A_85 = tpu.memref_squeeze %dma_start3A_84 : memref<1x128xi32, #tpu.memory_space<vmem>> -> memref<128xi32, #tpu.memory_space<vmem>>
        %dma_start3A_86 = arith.constant 0 : i32
        %dma_start3A_87 = arith.constant 0 : i32
        %dma_start3A_88 = tpu.memref_slice %arg13[%dma_start3A_86, %dma_start3A_87] : memref<10112x128xf32, #tpu.memory_space<vmem_shared>> -> memref<10112x128xf32, #tpu.memory_space<vmem_shared>>
        tpu.enqueue_indirect_dma source(%arg10 : memref<128x128xf32, #tpu.memory_space<vmem>>) target(%dma_start3A_88 : memref<10112x128xf32, #tpu.memory_space<vmem_shared>>) offsets(%dma_start3A_85 : memref<128xi32, #tpu.memory_space<vmem>>) semaphore(%run_scoped3A_82 : memref<!tpu.dma_semaphore, #tpu.memory_space<semaphore_mem>>) {add = true}
        %dma_wait3A_89 = arith.constant 0 : i32
        %dma_wait3A_90 = tpu.memref_slice %arg8[%add3A_81, %dma_wait3A_89] : memref<41x128xi32, #tpu.memory_space<vmem>> -> memref<1x128xi32, #tpu.memory_space<vmem>>
        %dma_wait3A_91 = tpu.memref_squeeze %dma_wait3A_90 : memref<1x128xi32, #tpu.memory_space<vmem>> -> memref<128xi32, #tpu.memory_space<vmem>>
        %dma_wait3A_92 = arith.constant 0 : i32
        %dma_wait3A_93 = arith.constant 0 : i32
        %dma_wait3A_94 = tpu.memref_slice %arg13[%dma_wait3A_92, %dma_wait3A_93] : memref<10112x128xf32, #tpu.memory_space<vmem_shared>> -> memref<10112x128xf32, #tpu.memory_space<vmem_shared>>
        tpu.wait_indirect_dma semaphore(%run_scoped3A_82 : memref<!tpu.dma_semaphore, #tpu.memory_space<semaphore_mem>>) src(%arg10 : memref<128x128xf32, #tpu.memory_space<vmem>>) dst(%dma_wait3A_94 : memref<10112x128xf32, #tpu.memory_space<vmem_shared>>)
        tpu.yield
      }) : () -> ()
    }
    %scan3A_35 = arith.constant 20 : i32
    %dma_wait3A_36 = arith.constant 40 : i32
    %dma_wait3A_37 = arith.constant 0 : i32
    %dma_wait3A_38 = tpu.memref_slice %arg7[%dma_wait3A_36, %dma_wait3A_37] : memref<41x128xi32, #tpu.memory_space<vmem>> -> memref<1x128xi32, #tpu.memory_space<vmem>>
    %dma_wait3A_39 = tpu.memref_squeeze %dma_wait3A_38 : memref<1x128xi32, #tpu.memory_space<vmem>> -> memref<128xi32, #tpu.memory_space<vmem>>
    %dma_wait3A_40 = arith.constant 0 : i32
    %dma_wait3A_41 = arith.constant 0 : i32
    %dma_wait3A_42 = tpu.memref_slice %arg2[%dma_wait3A_40, %dma_wait3A_41] : memref<10000x128xf32, #tpu.memory_space<hbm>> -> memref<10000x128xf32, #tpu.memory_space<hbm>>
    tpu.wait_indirect_dma semaphore(%arg11 : memref<!tpu.dma_semaphore, #tpu.memory_space<semaphore_mem>>) src(%dma_wait3A_42 : memref<10000x128xf32, #tpu.memory_space<hbm>>) dst(%arg9 : memref<128x128xf32, #tpu.memory_space<vmem>>)
    %barrier3A_43 = arith.constant 0 : index
    tpu.barrier barrier_id(%barrier3A_43)
    %mul3A_44 = arith.constant 632 : i32
    %mul3A_45 = arith.muli %arg1, %mul3A_44 : i32
    %mul3A_46 = arith.constant 632 : i32
    %mul3A_47 = arith.muli %arg1, %mul3A_46 : i32
    "tpu.region"() ({
      %run_scoped3A_48 = tpu.sem_alloc : memref<!tpu.dma_semaphore, #tpu.memory_space<semaphore_mem>>
      %dma_start3A_49 = arith.constant 0 : i32
      %dma_start3A_50 = tpu.memref_slice %arg6[%arg0, %mul3A_47, %dma_start3A_49] : memref<2x10112x128xf32, #tpu.memory_space<hbm>> -> memref<1x632x128xf32, #tpu.memory_space<hbm>>
      %dma_start3A_51 = tpu.memref_squeeze %dma_start3A_50 : memref<1x632x128xf32, #tpu.memory_space<hbm>> -> memref<632x128xf32, #tpu.memory_space<hbm>>
      %dma_start3A_52 = arith.constant 0 : i32
      %dma_start3A_53 = tpu.memref_slice %arg13[%mul3A_45, %dma_start3A_52] : memref<10112x128xf32, #tpu.memory_space<vmem_shared>> -> memref<632x128xf32, #tpu.memory_space<vmem_shared>>
      tpu.enqueue_dma source(%dma_start3A_53 : memref<632x128xf32, #tpu.memory_space<vmem_shared>>) target(%dma_start3A_51 : memref<632x128xf32, #tpu.memory_space<hbm>>) target_semaphore(%run_scoped3A_48 : memref<!tpu.dma_semaphore, #tpu.memory_space<semaphore_mem>>)
      %dma_wait3A_54 = arith.constant 0 : i32
      %dma_wait3A_55 = tpu.memref_slice %arg6[%arg0, %mul3A_47, %dma_wait3A_54] : memref<2x10112x128xf32, #tpu.memory_space<hbm>> -> memref<1x632x128xf32, #tpu.memory_space<hbm>>
      %dma_wait3A_56 = tpu.memref_squeeze %dma_wait3A_55 : memref<1x632x128xf32, #tpu.memory_space<hbm>> -> memref<632x128xf32, #tpu.memory_space<hbm>>
      %dma_wait3A_57 = arith.constant 0 : i32
      %dma_wait3A_58 = tpu.memref_slice %arg13[%mul3A_45, %dma_wait3A_57] : memref<10112x128xf32, #tpu.memory_space<vmem_shared>> -> memref<632x128xf32, #tpu.memory_space<vmem_shared>>
      tpu.wait_dma2 semaphore(%run_scoped3A_48 : memref<!tpu.dma_semaphore, #tpu.memory_space<semaphore_mem>>) src(%dma_wait3A_58 : memref<632x128xf32, #tpu.memory_space<vmem_shared>>) dst(%dma_wait3A_56 : memref<632x128xf32, #tpu.memory_space<hbm>>)
      tpu.yield
    }) : () -> ()
    return
  }
}

#map = affine_map<(d0, d1) -> (0, 0, 0, 0, 0)>
#map1 = affine_map<(d0, d1) -> (0, 0)>
#map2 = affine_map<(d0, d1) -> (0, 0, 0)>
module attributes {stable_mosaic.version = 14 : i64} {
  func.func @_sc_deg(%arg0: i32, %arg1: i32, %arg2: memref<2x16x2x41x128xi32, #tpu.memory_space<hbm>>, %arg3: memref<10112x128xf32, #tpu.memory_space<hbm>>, %arg4: memref<128x128xf32, #tpu.memory_space<hbm>>, %arg5: memref<2x10112x128xf32, #tpu.memory_space<hbm>>, %arg6: memref<41x128xi32, #tpu.memory_space<vmem>>, %arg7: memref<128x128xf32, #tpu.memory_space<vmem>>, %arg8: memref<10112x128xf32, #tpu.memory_space<vmem_shared>>) attributes {dimension_semantics = [#tpu.dimension_semantics<core_parallel>, #tpu.dimension_semantics<subcore_parallel>], iteration_bounds = array<i64: 2, 16>, scalar_prefetch = 0 : i64, scratch_operands = 3 : i64, tpu.core_type = #tpu.core_type<sc_vector_subcore>, window_params = [{transform_indices = #map}, {transform_indices = #map1}, {transform_indices = #map1}, {transform_indices = #map2}]} {
    %mul3A = arith.constant 632 : i32
    %mul3A_0 = arith.muli %arg1, %mul3A : i32
    %mul3A_1 = arith.constant 632 : i32
    %mul3A_2 = arith.muli %arg1, %mul3A_1 : i32
    "tpu.region"() ({
      %run_scoped3A_20 = tpu.sem_alloc : memref<!tpu.dma_semaphore, #tpu.memory_space<semaphore_mem>>
      %dma_start3A = arith.constant 0 : i32
      %dma_start3A_21 = tpu.memref_slice %arg8[%mul3A_2, %dma_start3A] : memref<10112x128xf32, #tpu.memory_space<vmem_shared>> -> memref<632x128xf32, #tpu.memory_space<vmem_shared>>
      %dma_start3A_22 = arith.constant 0 : i32
      %dma_start3A_23 = tpu.memref_slice %arg3[%mul3A_0, %dma_start3A_22] : memref<10112x128xf32, #tpu.memory_space<hbm>> -> memref<632x128xf32, #tpu.memory_space<hbm>>
      tpu.enqueue_dma source(%dma_start3A_23 : memref<632x128xf32, #tpu.memory_space<hbm>>) target(%dma_start3A_21 : memref<632x128xf32, #tpu.memory_space<vmem_shared>>) target_semaphore(%run_scoped3A_20 : memref<!tpu.dma_semaphore, #tpu.memory_space<semaphore_mem>>)
      %dma_wait3A = arith.constant 0 : i32
      %dma_wait3A_24 = tpu.memref_slice %arg8[%mul3A_2, %dma_wait3A] : memref<10112x128xf32, #tpu.memory_space<vmem_shared>> -> memref<632x128xf32, #tpu.memory_space<vmem_shared>>
      %dma_wait3A_25 = arith.constant 0 : i32
      %dma_wait3A_26 = tpu.memref_slice %arg3[%mul3A_0, %dma_wait3A_25] : memref<10112x128xf32, #tpu.memory_space<hbm>> -> memref<632x128xf32, #tpu.memory_space<hbm>>
      tpu.wait_dma2 semaphore(%run_scoped3A_20 : memref<!tpu.dma_semaphore, #tpu.memory_space<semaphore_mem>>) src(%dma_wait3A_26 : memref<632x128xf32, #tpu.memory_space<hbm>>) dst(%dma_wait3A_24 : memref<632x128xf32, #tpu.memory_space<vmem_shared>>)
      tpu.yield
    }) : () -> ()
    "tpu.region"() ({
      %run_scoped3A_20 = tpu.sem_alloc : memref<!tpu.dma_semaphore, #tpu.memory_space<semaphore_mem>>
      tpu.enqueue_dma source(%arg4 : memref<128x128xf32, #tpu.memory_space<hbm>>) target(%arg7 : memref<128x128xf32, #tpu.memory_space<vmem>>) target_semaphore(%run_scoped3A_20 : memref<!tpu.dma_semaphore, #tpu.memory_space<semaphore_mem>>)
      tpu.wait_dma2 semaphore(%run_scoped3A_20 : memref<!tpu.dma_semaphore, #tpu.memory_space<semaphore_mem>>) src(%arg4 : memref<128x128xf32, #tpu.memory_space<hbm>>) dst(%arg7 : memref<128x128xf32, #tpu.memory_space<vmem>>)
      tpu.yield
    }) : () -> ()
    %barrier3A = arith.constant 0 : index
    tpu.barrier barrier_id(%barrier3A)
    %run_scoped3A = arith.constant 0 : i32
    "tpu.region"() ({
      %run_scoped3A_20 = tpu.sem_alloc : memref<!tpu.dma_semaphore, #tpu.memory_space<semaphore_mem>>
      %dma_start3A = arith.constant 0 : i32
      %dma_start3A_21 = arith.constant 0 : i32
      %dma_start3A_22 = tpu.memref_slice %arg2[%arg0, %arg1, %run_scoped3A, %dma_start3A, %dma_start3A_21] : memref<2x16x2x41x128xi32, #tpu.memory_space<hbm>> -> memref<1x1x1x41x128xi32, #tpu.memory_space<hbm>>
      %dma_start3A_23 = tpu.memref_squeeze %dma_start3A_22 : memref<1x1x1x41x128xi32, #tpu.memory_space<hbm>> -> memref<41x128xi32, #tpu.memory_space<hbm>>
      %dma_start3A_24 = arith.constant 0 : i32
      %dma_start3A_25 = arith.constant 0 : i32
      %dma_start3A_26 = tpu.memref_slice %arg2[%arg0, %arg1, %run_scoped3A, %dma_start3A_24, %dma_start3A_25] : memref<2x16x2x41x128xi32, #tpu.memory_space<hbm>> -> memref<1x1x1x41x128xi32, #tpu.memory_space<hbm>>
      %dma_start3A_27 = tpu.memref_squeeze %dma_start3A_26 : memref<1x1x1x41x128xi32, #tpu.memory_space<hbm>> -> memref<41x128xi32, #tpu.memory_space<hbm>>
      tpu.enqueue_dma source(%dma_start3A_27 : memref<41x128xi32, #tpu.memory_space<hbm>>) target(%arg6 : memref<41x128xi32, #tpu.memory_space<vmem>>) target_semaphore(%run_scoped3A_20 : memref<!tpu.dma_semaphore, #tpu.memory_space<semaphore_mem>>)
      %dma_wait3A = arith.constant 0 : i32
      %dma_wait3A_28 = arith.constant 0 : i32
      %dma_wait3A_29 = tpu.memref_slice %arg2[%arg0, %arg1, %run_scoped3A, %dma_wait3A, %dma_wait3A_28] : memref<2x16x2x41x128xi32, #tpu.memory_space<hbm>> -> memref<1x1x1x41x128xi32, #tpu.memory_space<hbm>>
      %dma_wait3A_30 = tpu.memref_squeeze %dma_wait3A_29 : memref<1x1x1x41x128xi32, #tpu.memory_space<hbm>> -> memref<41x128xi32, #tpu.memory_space<hbm>>
      %dma_wait3A_31 = arith.constant 0 : i32
      %dma_wait3A_32 = arith.constant 0 : i32
      %dma_wait3A_33 = tpu.memref_slice %arg2[%arg0, %arg1, %run_scoped3A, %dma_wait3A_31, %dma_wait3A_32] : memref<2x16x2x41x128xi32, #tpu.memory_space<hbm>> -> memref<1x1x1x41x128xi32, #tpu.memory_space<hbm>>
      %dma_wait3A_34 = tpu.memref_squeeze %dma_wait3A_33 : memref<1x1x1x41x128xi32, #tpu.memory_space<hbm>> -> memref<41x128xi32, #tpu.memory_space<hbm>>
      tpu.wait_dma2 semaphore(%run_scoped3A_20 : memref<!tpu.dma_semaphore, #tpu.memory_space<semaphore_mem>>) src(%dma_wait3A_34 : memref<41x128xi32, #tpu.memory_space<hbm>>) dst(%arg6 : memref<41x128xi32, #tpu.memory_space<vmem>>)
      tpu.yield
    }) : () -> ()
    %scan3A = arith.constant 0 : i32
    %scan3A_3 = arith.constant 0 : i32
    %scan3A_4 = arith.constant 40 : i32
    %scan3A_5 = arith.addi %scan3A_3, %scan3A_4 : i32
    %scan3A_6 = arith.constant 1 : i32
    scf.for %scan3A_20 = %scan3A_3 to %scan3A_5 step %scan3A_6  : i32 {
      "tpu.region"() ({
        %run_scoped3A_21 = tpu.sem_alloc : memref<!tpu.dma_semaphore, #tpu.memory_space<semaphore_mem>>
        %dma_start3A = arith.constant 0 : i32
        %dma_start3A_22 = tpu.memref_slice %arg6[%scan3A_20, %dma_start3A] : memref<41x128xi32, #tpu.memory_space<vmem>> -> memref<1x128xi32, #tpu.memory_space<vmem>>
        %dma_start3A_23 = tpu.memref_squeeze %dma_start3A_22 : memref<1x128xi32, #tpu.memory_space<vmem>> -> memref<128xi32, #tpu.memory_space<vmem>>
        %dma_start3A_24 = arith.constant 0 : i32
        %dma_start3A_25 = arith.constant 0 : i32
        %dma_start3A_26 = tpu.memref_slice %arg8[%dma_start3A_24, %dma_start3A_25] : memref<10112x128xf32, #tpu.memory_space<vmem_shared>> -> memref<10112x128xf32, #tpu.memory_space<vmem_shared>>
        tpu.enqueue_indirect_dma source(%arg7 : memref<128x128xf32, #tpu.memory_space<vmem>>) target(%dma_start3A_26 : memref<10112x128xf32, #tpu.memory_space<vmem_shared>>) offsets(%dma_start3A_23 : memref<128xi32, #tpu.memory_space<vmem>>) semaphore(%run_scoped3A_21 : memref<!tpu.dma_semaphore, #tpu.memory_space<semaphore_mem>>) {add = true}
        %dma_wait3A = arith.constant 0 : i32
        %dma_wait3A_27 = tpu.memref_slice %arg6[%scan3A_20, %dma_wait3A] : memref<41x128xi32, #tpu.memory_space<vmem>> -> memref<1x128xi32, #tpu.memory_space<vmem>>
        %dma_wait3A_28 = tpu.memref_squeeze %dma_wait3A_27 : memref<1x128xi32, #tpu.memory_space<vmem>> -> memref<128xi32, #tpu.memory_space<vmem>>
        %dma_wait3A_29 = arith.constant 0 : i32
        %dma_wait3A_30 = arith.constant 0 : i32
        %dma_wait3A_31 = tpu.memref_slice %arg8[%dma_wait3A_29, %dma_wait3A_30] : memref<10112x128xf32, #tpu.memory_space<vmem_shared>> -> memref<10112x128xf32, #tpu.memory_space<vmem_shared>>
        tpu.wait_indirect_dma semaphore(%run_scoped3A_21 : memref<!tpu.dma_semaphore, #tpu.memory_space<semaphore_mem>>) src(%arg7 : memref<128x128xf32, #tpu.memory_space<vmem>>) dst(%dma_wait3A_31 : memref<10112x128xf32, #tpu.memory_space<vmem_shared>>)
        tpu.yield
      }) : () -> ()
    }
    %scan3A_7 = arith.constant 40 : i32
    %run_scoped3A_8 = arith.constant 1 : i32
    "tpu.region"() ({
      %run_scoped3A_20 = tpu.sem_alloc : memref<!tpu.dma_semaphore, #tpu.memory_space<semaphore_mem>>
      %dma_start3A = arith.constant 0 : i32
      %dma_start3A_21 = arith.constant 0 : i32
      %dma_start3A_22 = tpu.memref_slice %arg2[%arg0, %arg1, %run_scoped3A_8, %dma_start3A, %dma_start3A_21] : memref<2x16x2x41x128xi32, #tpu.memory_space<hbm>> -> memref<1x1x1x41x128xi32, #tpu.memory_space<hbm>>
      %dma_start3A_23 = tpu.memref_squeeze %dma_start3A_22 : memref<1x1x1x41x128xi32, #tpu.memory_space<hbm>> -> memref<41x128xi32, #tpu.memory_space<hbm>>
      %dma_start3A_24 = arith.constant 0 : i32
      %dma_start3A_25 = arith.constant 0 : i32
      %dma_start3A_26 = tpu.memref_slice %arg2[%arg0, %arg1, %run_scoped3A_8, %dma_start3A_24, %dma_start3A_25] : memref<2x16x2x41x128xi32, #tpu.memory_space<hbm>> -> memref<1x1x1x41x128xi32, #tpu.memory_space<hbm>>
      %dma_start3A_27 = tpu.memref_squeeze %dma_start3A_26 : memref<1x1x1x41x128xi32, #tpu.memory_space<hbm>> -> memref<41x128xi32, #tpu.memory_space<hbm>>
      tpu.enqueue_dma source(%dma_start3A_27 : memref<41x128xi32, #tpu.memory_space<hbm>>) target(%arg6 : memref<41x128xi32, #tpu.memory_space<vmem>>) target_semaphore(%run_scoped3A_20 : memref<!tpu.dma_semaphore, #tpu.memory_space<semaphore_mem>>)
      %dma_wait3A = arith.constant 0 : i32
      %dma_wait3A_28 = arith.constant 0 : i32
      %dma_wait3A_29 = tpu.memref_slice %arg2[%arg0, %arg1, %run_scoped3A_8, %dma_wait3A, %dma_wait3A_28] : memref<2x16x2x41x128xi32, #tpu.memory_space<hbm>> -> memref<1x1x1x41x128xi32, #tpu.memory_space<hbm>>
      %dma_wait3A_30 = tpu.memref_squeeze %dma_wait3A_29 : memref<1x1x1x41x128xi32, #tpu.memory_space<hbm>> -> memref<41x128xi32, #tpu.memory_space<hbm>>
      %dma_wait3A_31 = arith.constant 0 : i32
      %dma_wait3A_32 = arith.constant 0 : i32
      %dma_wait3A_33 = tpu.memref_slice %arg2[%arg0, %arg1, %run_scoped3A_8, %dma_wait3A_31, %dma_wait3A_32] : memref<2x16x2x41x128xi32, #tpu.memory_space<hbm>> -> memref<1x1x1x41x128xi32, #tpu.memory_space<hbm>>
      %dma_wait3A_34 = tpu.memref_squeeze %dma_wait3A_33 : memref<1x1x1x41x128xi32, #tpu.memory_space<hbm>> -> memref<41x128xi32, #tpu.memory_space<hbm>>
      tpu.wait_dma2 semaphore(%run_scoped3A_20 : memref<!tpu.dma_semaphore, #tpu.memory_space<semaphore_mem>>) src(%dma_wait3A_34 : memref<41x128xi32, #tpu.memory_space<hbm>>) dst(%arg6 : memref<41x128xi32, #tpu.memory_space<vmem>>)
      tpu.yield
    }) : () -> ()
    %scan3A_9 = arith.constant 0 : i32
    %scan3A_10 = arith.constant 0 : i32
    %scan3A_11 = arith.constant 40 : i32
    %scan3A_12 = arith.addi %scan3A_10, %scan3A_11 : i32
    %scan3A_13 = arith.constant 1 : i32
    scf.for %scan3A_20 = %scan3A_10 to %scan3A_12 step %scan3A_13  : i32 {
      "tpu.region"() ({
        %run_scoped3A_21 = tpu.sem_alloc : memref<!tpu.dma_semaphore, #tpu.memory_space<semaphore_mem>>
        %dma_start3A = arith.constant 0 : i32
        %dma_start3A_22 = tpu.memref_slice %arg6[%scan3A_20, %dma_start3A] : memref<41x128xi32, #tpu.memory_space<vmem>> -> memref<1x128xi32, #tpu.memory_space<vmem>>
        %dma_start3A_23 = tpu.memref_squeeze %dma_start3A_22 : memref<1x128xi32, #tpu.memory_space<vmem>> -> memref<128xi32, #tpu.memory_space<vmem>>
        %dma_start3A_24 = arith.constant 0 : i32
        %dma_start3A_25 = arith.constant 0 : i32
        %dma_start3A_26 = tpu.memref_slice %arg8[%dma_start3A_24, %dma_start3A_25] : memref<10112x128xf32, #tpu.memory_space<vmem_shared>> -> memref<10112x128xf32, #tpu.memory_space<vmem_shared>>
        tpu.enqueue_indirect_dma source(%arg7 : memref<128x128xf32, #tpu.memory_space<vmem>>) target(%dma_start3A_26 : memref<10112x128xf32, #tpu.memory_space<vmem_shared>>) offsets(%dma_start3A_23 : memref<128xi32, #tpu.memory_space<vmem>>) semaphore(%run_scoped3A_21 : memref<!tpu.dma_semaphore, #tpu.memory_space<semaphore_mem>>) {add = true}
        %dma_wait3A = arith.constant 0 : i32
        %dma_wait3A_27 = tpu.memref_slice %arg6[%scan3A_20, %dma_wait3A] : memref<41x128xi32, #tpu.memory_space<vmem>> -> memref<1x128xi32, #tpu.memory_space<vmem>>
        %dma_wait3A_28 = tpu.memref_squeeze %dma_wait3A_27 : memref<1x128xi32, #tpu.memory_space<vmem>> -> memref<128xi32, #tpu.memory_space<vmem>>
        %dma_wait3A_29 = arith.constant 0 : i32
        %dma_wait3A_30 = arith.constant 0 : i32
        %dma_wait3A_31 = tpu.memref_slice %arg8[%dma_wait3A_29, %dma_wait3A_30] : memref<10112x128xf32, #tpu.memory_space<vmem_shared>> -> memref<10112x128xf32, #tpu.memory_space<vmem_shared>>
        tpu.wait_indirect_dma semaphore(%run_scoped3A_21 : memref<!tpu.dma_semaphore, #tpu.memory_space<semaphore_mem>>) src(%arg7 : memref<128x128xf32, #tpu.memory_space<vmem>>) dst(%dma_wait3A_31 : memref<10112x128xf32, #tpu.memory_space<vmem_shared>>)
        tpu.yield
      }) : () -> ()
    }
    %scan3A_14 = arith.constant 40 : i32
    %barrier3A_15 = arith.constant 0 : index
    tpu.barrier barrier_id(%barrier3A_15)
    %mul3A_16 = arith.constant 632 : i32
    %mul3A_17 = arith.muli %arg1, %mul3A_16 : i32
    %mul3A_18 = arith.constant 632 : i32
    %mul3A_19 = arith.muli %arg1, %mul3A_18 : i32
    "tpu.region"() ({
      %run_scoped3A_20 = tpu.sem_alloc : memref<!tpu.dma_semaphore, #tpu.memory_space<semaphore_mem>>
      %dma_start3A = arith.constant 0 : i32
      %dma_start3A_21 = tpu.memref_slice %arg5[%arg0, %mul3A_19, %dma_start3A] : memref<2x10112x128xf32, #tpu.memory_space<hbm>> -> memref<1x632x128xf32, #tpu.memory_space<hbm>>
      %dma_start3A_22 = tpu.memref_squeeze %dma_start3A_21 : memref<1x632x128xf32, #tpu.memory_space<hbm>> -> memref<632x128xf32, #tpu.memory_space<hbm>>
      %dma_start3A_23 = arith.constant 0 : i32
      %dma_start3A_24 = tpu.memref_slice %arg8[%mul3A_17, %dma_start3A_23] : memref<10112x128xf32, #tpu.memory_space<vmem_shared>> -> memref<632x128xf32, #tpu.memory_space<vmem_shared>>
      tpu.enqueue_dma source(%dma_start3A_24 : memref<632x128xf32, #tpu.memory_space<vmem_shared>>) target(%dma_start3A_22 : memref<632x128xf32, #tpu.memory_space<hbm>>) target_semaphore(%run_scoped3A_20 : memref<!tpu.dma_semaphore, #tpu.memory_space<semaphore_mem>>)
      %dma_wait3A = arith.constant 0 : i32
      %dma_wait3A_25 = tpu.memref_slice %arg5[%arg0, %mul3A_19, %dma_wait3A] : memref<2x10112x128xf32, #tpu.memory_space<hbm>> -> memref<1x632x128xf32, #tpu.memory_space<hbm>>
      %dma_wait3A_26 = tpu.memref_squeeze %dma_wait3A_25 : memref<1x632x128xf32, #tpu.memory_space<hbm>> -> memref<632x128xf32, #tpu.memory_space<hbm>>
      %dma_wait3A_27 = arith.constant 0 : i32
      %dma_wait3A_28 = tpu.memref_slice %arg8[%mul3A_17, %dma_wait3A_27] : memref<10112x128xf32, #tpu.memory_space<vmem_shared>> -> memref<632x128xf32, #tpu.memory_space<vmem_shared>>
      tpu.wait_dma2 semaphore(%run_scoped3A_20 : memref<!tpu.dma_semaphore, #tpu.memory_space<semaphore_mem>>) src(%dma_wait3A_28 : memref<632x128xf32, #tpu.memory_space<vmem_shared>>) dst(%dma_wait3A_26 : memref<632x128xf32, #tpu.memory_space<hbm>>)
      tpu.yield
    }) : () -> ()
    return
  }
}

#map = affine_map<(d0, d1) -> (0, 0)>
#map1 = affine_map<(d0, d1) -> (0, 0, 0, 0, 0)>
#map2 = affine_map<(d0, d1) -> (0, 0, 0)>
module attributes {stable_mosaic.version = 14 : i64} {
  func.func @_sc_agg(%arg0: i32, %arg1: i32, %arg2: memref<10000x128xf32, #tpu.memory_space<hbm>>, %arg3: memref<2x16x2x41x128xi32, #tpu.memory_space<hbm>>, %arg4: memref<2x16x2x41x128xi32, #tpu.memory_space<hbm>>, %arg5: memref<10112x128xf32, #tpu.memory_space<hbm>>, %arg6: memref<2x10112x128xf32, #tpu.memory_space<hbm>>, %arg7: memref<41x128xi32, #tpu.memory_space<vmem>>, %arg8: memref<41x128xi32, #tpu.memory_space<vmem>>, %arg9: memref<128x128xf32, #tpu.memory_space<vmem>>, %arg10: memref<128x128xf32, #tpu.memory_space<vmem>>, %arg11: memref<!tpu.dma_semaphore, #tpu.memory_space<semaphore_mem>>, %arg12: memref<!tpu.dma_semaphore, #tpu.memory_space<semaphore_mem>>, %arg13: memref<10112x128xf32, #tpu.memory_space<vmem_shared>>) attributes {dimension_semantics = [#tpu.dimension_semantics<core_parallel>, #tpu.dimension_semantics<subcore_parallel>], iteration_bounds = array<i64: 2, 16>, scalar_prefetch = 0 : i64, scratch_operands = 7 : i64, tpu.core_type = #tpu.core_type<sc_vector_subcore>, window_params = [{transform_indices = #map}, {transform_indices = #map1}, {transform_indices = #map1}, {transform_indices = #map}, {transform_indices = #map2}]} {
    %mul3A = arith.constant 632 : i32
    %mul3A_0 = arith.muli %arg1, %mul3A : i32
    %mul3A_1 = arith.constant 632 : i32
    %mul3A_2 = arith.muli %arg1, %mul3A_1 : i32
    "tpu.region"() ({
      %run_scoped3A_48 = tpu.sem_alloc : memref<!tpu.dma_semaphore, #tpu.memory_space<semaphore_mem>>
      %dma_start3A_49 = arith.constant 0 : i32
      %dma_start3A_50 = tpu.memref_slice %arg13[%mul3A_2, %dma_start3A_49] : memref<10112x128xf32, #tpu.memory_space<vmem_shared>> -> memref<632x128xf32, #tpu.memory_space<vmem_shared>>
      %dma_start3A_51 = arith.constant 0 : i32
      %dma_start3A_52 = tpu.memref_slice %arg5[%mul3A_0, %dma_start3A_51] : memref<10112x128xf32, #tpu.memory_space<hbm>> -> memref<632x128xf32, #tpu.memory_space<hbm>>
      tpu.enqueue_dma source(%dma_start3A_52 : memref<632x128xf32, #tpu.memory_space<hbm>>) target(%dma_start3A_50 : memref<632x128xf32, #tpu.memory_space<vmem_shared>>) target_semaphore(%run_scoped3A_48 : memref<!tpu.dma_semaphore, #tpu.memory_space<semaphore_mem>>)
      %dma_wait3A_53 = arith.constant 0 : i32
      %dma_wait3A_54 = tpu.memref_slice %arg13[%mul3A_2, %dma_wait3A_53] : memref<10112x128xf32, #tpu.memory_space<vmem_shared>> -> memref<632x128xf32, #tpu.memory_space<vmem_shared>>
      %dma_wait3A_55 = arith.constant 0 : i32
      %dma_wait3A_56 = tpu.memref_slice %arg5[%mul3A_0, %dma_wait3A_55] : memref<10112x128xf32, #tpu.memory_space<hbm>> -> memref<632x128xf32, #tpu.memory_space<hbm>>
      tpu.wait_dma2 semaphore(%run_scoped3A_48 : memref<!tpu.dma_semaphore, #tpu.memory_space<semaphore_mem>>) src(%dma_wait3A_56 : memref<632x128xf32, #tpu.memory_space<hbm>>) dst(%dma_wait3A_54 : memref<632x128xf32, #tpu.memory_space<vmem_shared>>)
      tpu.yield
    }) : () -> ()
    %barrier3A = arith.constant 0 : index
    tpu.barrier barrier_id(%barrier3A)
    %run_scoped3A = arith.constant 0 : i32
    "tpu.region"() ({
      %run_scoped3A_48 = tpu.sem_alloc : memref<!tpu.dma_semaphore, #tpu.memory_space<semaphore_mem>>
      %dma_start3A_49 = arith.constant 0 : i32
      %dma_start3A_50 = arith.constant 0 : i32
      %dma_start3A_51 = tpu.memref_slice %arg3[%arg0, %arg1, %run_scoped3A, %dma_start3A_49, %dma_start3A_50] : memref<2x16x2x41x128xi32, #tpu.memory_space<hbm>> -> memref<1x1x1x41x128xi32, #tpu.memory_space<hbm>>
      %dma_start3A_52 = tpu.memref_squeeze %dma_start3A_51 : memref<1x1x1x41x128xi32, #tpu.memory_space<hbm>> -> memref<41x128xi32, #tpu.memory_space<hbm>>
      %dma_start3A_53 = arith.constant 0 : i32
      %dma_start3A_54 = arith.constant 0 : i32
      %dma_start3A_55 = tpu.memref_slice %arg3[%arg0, %arg1, %run_scoped3A, %dma_start3A_53, %dma_start3A_54] : memref<2x16x2x41x128xi32, #tpu.memory_space<hbm>> -> memref<1x1x1x41x128xi32, #tpu.memory_space<hbm>>
      %dma_start3A_56 = tpu.memref_squeeze %dma_start3A_55 : memref<1x1x1x41x128xi32, #tpu.memory_space<hbm>> -> memref<41x128xi32, #tpu.memory_space<hbm>>
      tpu.enqueue_dma source(%dma_start3A_56 : memref<41x128xi32, #tpu.memory_space<hbm>>) target(%arg7 : memref<41x128xi32, #tpu.memory_space<vmem>>) target_semaphore(%run_scoped3A_48 : memref<!tpu.dma_semaphore, #tpu.memory_space<semaphore_mem>>)
      %dma_wait3A_57 = arith.constant 0 : i32
      %dma_wait3A_58 = arith.constant 0 : i32
      %dma_wait3A_59 = tpu.memref_slice %arg3[%arg0, %arg1, %run_scoped3A, %dma_wait3A_57, %dma_wait3A_58] : memref<2x16x2x41x128xi32, #tpu.memory_space<hbm>> -> memref<1x1x1x41x128xi32, #tpu.memory_space<hbm>>
      %dma_wait3A_60 = tpu.memref_squeeze %dma_wait3A_59 : memref<1x1x1x41x128xi32, #tpu.memory_space<hbm>> -> memref<41x128xi32, #tpu.memory_space<hbm>>
      %dma_wait3A_61 = arith.constant 0 : i32
      %dma_wait3A_62 = arith.constant 0 : i32
      %dma_wait3A_63 = tpu.memref_slice %arg3[%arg0, %arg1, %run_scoped3A, %dma_wait3A_61, %dma_wait3A_62] : memref<2x16x2x41x128xi32, #tpu.memory_space<hbm>> -> memref<1x1x1x41x128xi32, #tpu.memory_space<hbm>>
      %dma_wait3A_64 = tpu.memref_squeeze %dma_wait3A_63 : memref<1x1x1x41x128xi32, #tpu.memory_space<hbm>> -> memref<41x128xi32, #tpu.memory_space<hbm>>
      tpu.wait_dma2 semaphore(%run_scoped3A_48 : memref<!tpu.dma_semaphore, #tpu.memory_space<semaphore_mem>>) src(%dma_wait3A_64 : memref<41x128xi32, #tpu.memory_space<hbm>>) dst(%arg7 : memref<41x128xi32, #tpu.memory_space<vmem>>)
      tpu.yield
    }) : () -> ()
    %run_scoped3A_3 = arith.constant 0 : i32
    "tpu.region"() ({
      %run_scoped3A_48 = tpu.sem_alloc : memref<!tpu.dma_semaphore, #tpu.memory_space<semaphore_mem>>
      %dma_start3A_49 = arith.constant 0 : i32
      %dma_start3A_50 = arith.constant 0 : i32
      %dma_start3A_51 = tpu.memref_slice %arg4[%arg0, %arg1, %run_scoped3A_3, %dma_start3A_49, %dma_start3A_50] : memref<2x16x2x41x128xi32, #tpu.memory_space<hbm>> -> memref<1x1x1x41x128xi32, #tpu.memory_space<hbm>>
      %dma_start3A_52 = tpu.memref_squeeze %dma_start3A_51 : memref<1x1x1x41x128xi32, #tpu.memory_space<hbm>> -> memref<41x128xi32, #tpu.memory_space<hbm>>
      %dma_start3A_53 = arith.constant 0 : i32
      %dma_start3A_54 = arith.constant 0 : i32
      %dma_start3A_55 = tpu.memref_slice %arg4[%arg0, %arg1, %run_scoped3A_3, %dma_start3A_53, %dma_start3A_54] : memref<2x16x2x41x128xi32, #tpu.memory_space<hbm>> -> memref<1x1x1x41x128xi32, #tpu.memory_space<hbm>>
      %dma_start3A_56 = tpu.memref_squeeze %dma_start3A_55 : memref<1x1x1x41x128xi32, #tpu.memory_space<hbm>> -> memref<41x128xi32, #tpu.memory_space<hbm>>
      tpu.enqueue_dma source(%dma_start3A_56 : memref<41x128xi32, #tpu.memory_space<hbm>>) target(%arg8 : memref<41x128xi32, #tpu.memory_space<vmem>>) target_semaphore(%run_scoped3A_48 : memref<!tpu.dma_semaphore, #tpu.memory_space<semaphore_mem>>)
      %dma_wait3A_57 = arith.constant 0 : i32
      %dma_wait3A_58 = arith.constant 0 : i32
      %dma_wait3A_59 = tpu.memref_slice %arg4[%arg0, %arg1, %run_scoped3A_3, %dma_wait3A_57, %dma_wait3A_58] : memref<2x16x2x41x128xi32, #tpu.memory_space<hbm>> -> memref<1x1x1x41x128xi32, #tpu.memory_space<hbm>>
      %dma_wait3A_60 = tpu.memref_squeeze %dma_wait3A_59 : memref<1x1x1x41x128xi32, #tpu.memory_space<hbm>> -> memref<41x128xi32, #tpu.memory_space<hbm>>
      %dma_wait3A_61 = arith.constant 0 : i32
      %dma_wait3A_62 = arith.constant 0 : i32
      %dma_wait3A_63 = tpu.memref_slice %arg4[%arg0, %arg1, %run_scoped3A_3, %dma_wait3A_61, %dma_wait3A_62] : memref<2x16x2x41x128xi32, #tpu.memory_space<hbm>> -> memref<1x1x1x41x128xi32, #tpu.memory_space<hbm>>
      %dma_wait3A_64 = tpu.memref_squeeze %dma_wait3A_63 : memref<1x1x1x41x128xi32, #tpu.memory_space<hbm>> -> memref<41x128xi32, #tpu.memory_space<hbm>>
      tpu.wait_dma2 semaphore(%run_scoped3A_48 : memref<!tpu.dma_semaphore, #tpu.memory_space<semaphore_mem>>) src(%dma_wait3A_64 : memref<41x128xi32, #tpu.memory_space<hbm>>) dst(%arg8 : memref<41x128xi32, #tpu.memory_space<vmem>>)
      tpu.yield
    }) : () -> ()
    %dma_start3A = arith.constant 0 : i32
    %dma_start3A_4 = arith.constant 0 : i32
    %dma_start3A_5 = tpu.memref_slice %arg7[%dma_start3A, %dma_start3A_4] : memref<41x128xi32, #tpu.memory_space<vmem>> -> memref<1x128xi32, #tpu.memory_space<vmem>>
    %dma_start3A_6 = tpu.memref_squeeze %dma_start3A_5 : memref<1x128xi32, #tpu.memory_space<vmem>> -> memref<128xi32, #tpu.memory_space<vmem>>
    %dma_start3A_7 = arith.constant 0 : i32
    %dma_start3A_8 = arith.constant 0 : i32
    %dma_start3A_9 = tpu.memref_slice %arg2[%dma_start3A_7, %dma_start3A_8] : memref<10000x128xf32, #tpu.memory_space<hbm>> -> memref<10000x128xf32, #tpu.memory_space<hbm>>
    tpu.enqueue_indirect_dma source(%dma_start3A_9 : memref<10000x128xf32, #tpu.memory_space<hbm>>) target(%arg9 : memref<128x128xf32, #tpu.memory_space<vmem>>) offsets(%dma_start3A_6 : memref<128xi32, #tpu.memory_space<vmem>>) semaphore(%arg11 : memref<!tpu.dma_semaphore, #tpu.memory_space<semaphore_mem>>)
    %scan3A = arith.constant 0 : i32
    %scan3A_10 = arith.constant 0 : i32
    %scan3A_11 = arith.constant 20 : i32
    %scan3A_12 = arith.addi %scan3A_10, %scan3A_11 : i32
    %scan3A_13 = arith.constant 1 : i32
    scf.for %scan3A_48 = %scan3A_10 to %scan3A_12 step %scan3A_13  : i32 {
      %mul3A_49 = arith.constant 2 : i32
      %mul3A_50 = arith.muli %mul3A_49, %scan3A_48 : i32
      %add3A = arith.constant 1 : i32
      %add3A_51 = arith.addi %mul3A_50, %add3A : i32
      %dma_start3A_52 = arith.constant 0 : i32
      %dma_start3A_53 = tpu.memref_slice %arg7[%add3A_51, %dma_start3A_52] : memref<41x128xi32, #tpu.memory_space<vmem>> -> memref<1x128xi32, #tpu.memory_space<vmem>>
      %dma_start3A_54 = tpu.memref_squeeze %dma_start3A_53 : memref<1x128xi32, #tpu.memory_space<vmem>> -> memref<128xi32, #tpu.memory_space<vmem>>
      %dma_start3A_55 = arith.constant 0 : i32
      %dma_start3A_56 = arith.constant 0 : i32
      %dma_start3A_57 = tpu.memref_slice %arg2[%dma_start3A_55, %dma_start3A_56] : memref<10000x128xf32, #tpu.memory_space<hbm>> -> memref<10000x128xf32, #tpu.memory_space<hbm>>
      tpu.enqueue_indirect_dma source(%dma_start3A_57 : memref<10000x128xf32, #tpu.memory_space<hbm>>) target(%arg10 : memref<128x128xf32, #tpu.memory_space<vmem>>) offsets(%dma_start3A_54 : memref<128xi32, #tpu.memory_space<vmem>>) semaphore(%arg12 : memref<!tpu.dma_semaphore, #tpu.memory_space<semaphore_mem>>)
      %dma_wait3A_58 = arith.constant 0 : i32
      %dma_wait3A_59 = tpu.memref_slice %arg7[%mul3A_50, %dma_wait3A_58] : memref<41x128xi32, #tpu.memory_space<vmem>> -> memref<1x128xi32, #tpu.memory_space<vmem>>
      %dma_wait3A_60 = tpu.memref_squeeze %dma_wait3A_59 : memref<1x128xi32, #tpu.memory_space<vmem>> -> memref<128xi32, #tpu.memory_space<vmem>>
      %dma_wait3A_61 = arith.constant 0 : i32
      %dma_wait3A_62 = arith.constant 0 : i32
      %dma_wait3A_63 = tpu.memref_slice %arg2[%dma_wait3A_61, %dma_wait3A_62] : memref<10000x128xf32, #tpu.memory_space<hbm>> -> memref<10000x128xf32, #tpu.memory_space<hbm>>
      tpu.wait_indirect_dma semaphore(%arg11 : memref<!tpu.dma_semaphore, #tpu.memory_space<semaphore_mem>>) src(%dma_wait3A_63 : memref<10000x128xf32, #tpu.memory_space<hbm>>) dst(%arg9 : memref<128x128xf32, #tpu.memory_space<vmem>>)
      "tpu.region"() ({
        %run_scoped3A_82 = tpu.sem_alloc : memref<!tpu.dma_semaphore, #tpu.memory_space<semaphore_mem>>
        %dma_start3A_83 = arith.constant 0 : i32
        %dma_start3A_84 = tpu.memref_slice %arg8[%mul3A_50, %dma_start3A_83] : memref<41x128xi32, #tpu.memory_space<vmem>> -> memref<1x128xi32, #tpu.memory_space<vmem>>
        %dma_start3A_85 = tpu.memref_squeeze %dma_start3A_84 : memref<1x128xi32, #tpu.memory_space<vmem>> -> memref<128xi32, #tpu.memory_space<vmem>>
        %dma_start3A_86 = arith.constant 0 : i32
        %dma_start3A_87 = arith.constant 0 : i32
        %dma_start3A_88 = tpu.memref_slice %arg13[%dma_start3A_86, %dma_start3A_87] : memref<10112x128xf32, #tpu.memory_space<vmem_shared>> -> memref<10112x128xf32, #tpu.memory_space<vmem_shared>>
        tpu.enqueue_indirect_dma source(%arg9 : memref<128x128xf32, #tpu.memory_space<vmem>>) target(%dma_start3A_88 : memref<10112x128xf32, #tpu.memory_space<vmem_shared>>) offsets(%dma_start3A_85 : memref<128xi32, #tpu.memory_space<vmem>>) semaphore(%run_scoped3A_82 : memref<!tpu.dma_semaphore, #tpu.memory_space<semaphore_mem>>) {add = true}
        %dma_wait3A_89 = arith.constant 0 : i32
        %dma_wait3A_90 = tpu.memref_slice %arg8[%mul3A_50, %dma_wait3A_89] : memref<41x128xi32, #tpu.memory_space<vmem>> -> memref<1x128xi32, #tpu.memory_space<vmem>>
        %dma_wait3A_91 = tpu.memref_squeeze %dma_wait3A_90 : memref<1x128xi32, #tpu.memory_space<vmem>> -> memref<128xi32, #tpu.memory_space<vmem>>
        %dma_wait3A_92 = arith.constant 0 : i32
        %dma_wait3A_93 = arith.constant 0 : i32
        %dma_wait3A_94 = tpu.memref_slice %arg13[%dma_wait3A_92, %dma_wait3A_93] : memref<10112x128xf32, #tpu.memory_space<vmem_shared>> -> memref<10112x128xf32, #tpu.memory_space<vmem_shared>>
        tpu.wait_indirect_dma semaphore(%run_scoped3A_82 : memref<!tpu.dma_semaphore, #tpu.memory_space<semaphore_mem>>) src(%arg9 : memref<128x128xf32, #tpu.memory_space<vmem>>) dst(%dma_wait3A_94 : memref<10112x128xf32, #tpu.memory_space<vmem_shared>>)
        tpu.yield
      }) : () -> ()
      %add3A_64 = arith.constant 2 : i32
      %add3A_65 = arith.addi %mul3A_50, %add3A_64 : i32
      %dma_start3A_66 = arith.constant 0 : i32
      %dma_start3A_67 = tpu.memref_slice %arg7[%add3A_65, %dma_start3A_66] : memref<41x128xi32, #tpu.memory_space<vmem>> -> memref<1x128xi32, #tpu.memory_space<vmem>>
      %dma_start3A_68 = tpu.memref_squeeze %dma_start3A_67 : memref<1x128xi32, #tpu.memory_space<vmem>> -> memref<128xi32, #tpu.memory_space<vmem>>
      %dma_start3A_69 = arith.constant 0 : i32
      %dma_start3A_70 = arith.constant 0 : i32
      %dma_start3A_71 = tpu.memref_slice %arg2[%dma_start3A_69, %dma_start3A_70] : memref<10000x128xf32, #tpu.memory_space<hbm>> -> memref<10000x128xf32, #tpu.memory_space<hbm>>
      tpu.enqueue_indirect_dma source(%dma_start3A_71 : memref<10000x128xf32, #tpu.memory_space<hbm>>) target(%arg9 : memref<128x128xf32, #tpu.memory_space<vmem>>) offsets(%dma_start3A_68 : memref<128xi32, #tpu.memory_space<vmem>>) semaphore(%arg11 : memref<!tpu.dma_semaphore, #tpu.memory_space<semaphore_mem>>)
      %add3A_72 = arith.constant 1 : i32
      %add3A_73 = arith.addi %mul3A_50, %add3A_72 : i32
      %dma_wait3A_74 = arith.constant 0 : i32
      %dma_wait3A_75 = tpu.memref_slice %arg7[%add3A_73, %dma_wait3A_74] : memref<41x128xi32, #tpu.memory_space<vmem>> -> memref<1x128xi32, #tpu.memory_space<vmem>>
      %dma_wait3A_76 = tpu.memref_squeeze %dma_wait3A_75 : memref<1x128xi32, #tpu.memory_space<vmem>> -> memref<128xi32, #tpu.memory_space<vmem>>
      %dma_wait3A_77 = arith.constant 0 : i32
      %dma_wait3A_78 = arith.constant 0 : i32
      %dma_wait3A_79 = tpu.memref_slice %arg2[%dma_wait3A_77, %dma_wait3A_78] : memref<10000x128xf32, #tpu.memory_space<hbm>> -> memref<10000x128xf32, #tpu.memory_space<hbm>>
      tpu.wait_indirect_dma semaphore(%arg12 : memref<!tpu.dma_semaphore, #tpu.memory_space<semaphore_mem>>) src(%dma_wait3A_79 : memref<10000x128xf32, #tpu.memory_space<hbm>>) dst(%arg10 : memref<128x128xf32, #tpu.memory_space<vmem>>)
      %add3A_80 = arith.constant 1 : i32
      %add3A_81 = arith.addi %mul3A_50, %add3A_80 : i32
      "tpu.region"() ({
        %run_scoped3A_82 = tpu.sem_alloc : memref<!tpu.dma_semaphore, #tpu.memory_space<semaphore_mem>>
        %dma_start3A_83 = arith.constant 0 : i32
        %dma_start3A_84 = tpu.memref_slice %arg8[%add3A_81, %dma_start3A_83] : memref<41x128xi32, #tpu.memory_space<vmem>> -> memref<1x128xi32, #tpu.memory_space<vmem>>
        %dma_start3A_85 = tpu.memref_squeeze %dma_start3A_84 : memref<1x128xi32, #tpu.memory_space<vmem>> -> memref<128xi32, #tpu.memory_space<vmem>>
        %dma_start3A_86 = arith.constant 0 : i32
        %dma_start3A_87 = arith.constant 0 : i32
        %dma_start3A_88 = tpu.memref_slice %arg13[%dma_start3A_86, %dma_start3A_87] : memref<10112x128xf32, #tpu.memory_space<vmem_shared>> -> memref<10112x128xf32, #tpu.memory_space<vmem_shared>>
        tpu.enqueue_indirect_dma source(%arg10 : memref<128x128xf32, #tpu.memory_space<vmem>>) target(%dma_start3A_88 : memref<10112x128xf32, #tpu.memory_space<vmem_shared>>) offsets(%dma_start3A_85 : memref<128xi32, #tpu.memory_space<vmem>>) semaphore(%run_scoped3A_82 : memref<!tpu.dma_semaphore, #tpu.memory_space<semaphore_mem>>) {add = true}
        %dma_wait3A_89 = arith.constant 0 : i32
        %dma_wait3A_90 = tpu.memref_slice %arg8[%add3A_81, %dma_wait3A_89] : memref<41x128xi32, #tpu.memory_space<vmem>> -> memref<1x128xi32, #tpu.memory_space<vmem>>
        %dma_wait3A_91 = tpu.memref_squeeze %dma_wait3A_90 : memref<1x128xi32, #tpu.memory_space<vmem>> -> memref<128xi32, #tpu.memory_space<vmem>>
        %dma_wait3A_92 = arith.constant 0 : i32
        %dma_wait3A_93 = arith.constant 0 : i32
        %dma_wait3A_94 = tpu.memref_slice %arg13[%dma_wait3A_92, %dma_wait3A_93] : memref<10112x128xf32, #tpu.memory_space<vmem_shared>> -> memref<10112x128xf32, #tpu.memory_space<vmem_shared>>
        tpu.wait_indirect_dma semaphore(%run_scoped3A_82 : memref<!tpu.dma_semaphore, #tpu.memory_space<semaphore_mem>>) src(%arg10 : memref<128x128xf32, #tpu.memory_space<vmem>>) dst(%dma_wait3A_94 : memref<10112x128xf32, #tpu.memory_space<vmem_shared>>)
        tpu.yield
      }) : () -> ()
    }
    %scan3A_14 = arith.constant 20 : i32
    %dma_wait3A = arith.constant 40 : i32
    %dma_wait3A_15 = arith.constant 0 : i32
    %dma_wait3A_16 = tpu.memref_slice %arg7[%dma_wait3A, %dma_wait3A_15] : memref<41x128xi32, #tpu.memory_space<vmem>> -> memref<1x128xi32, #tpu.memory_space<vmem>>
    %dma_wait3A_17 = tpu.memref_squeeze %dma_wait3A_16 : memref<1x128xi32, #tpu.memory_space<vmem>> -> memref<128xi32, #tpu.memory_space<vmem>>
    %dma_wait3A_18 = arith.constant 0 : i32
    %dma_wait3A_19 = arith.constant 0 : i32
    %dma_wait3A_20 = tpu.memref_slice %arg2[%dma_wait3A_18, %dma_wait3A_19] : memref<10000x128xf32, #tpu.memory_space<hbm>> -> memref<10000x128xf32, #tpu.memory_space<hbm>>
    tpu.wait_indirect_dma semaphore(%arg11 : memref<!tpu.dma_semaphore, #tpu.memory_space<semaphore_mem>>) src(%dma_wait3A_20 : memref<10000x128xf32, #tpu.memory_space<hbm>>) dst(%arg9 : memref<128x128xf32, #tpu.memory_space<vmem>>)
    %run_scoped3A_21 = arith.constant 1 : i32
    "tpu.region"() ({
      %run_scoped3A_48 = tpu.sem_alloc : memref<!tpu.dma_semaphore, #tpu.memory_space<semaphore_mem>>
      %dma_start3A_49 = arith.constant 0 : i32
      %dma_start3A_50 = arith.constant 0 : i32
      %dma_start3A_51 = tpu.memref_slice %arg3[%arg0, %arg1, %run_scoped3A_21, %dma_start3A_49, %dma_start3A_50] : memref<2x16x2x41x128xi32, #tpu.memory_space<hbm>> -> memref<1x1x1x41x128xi32, #tpu.memory_space<hbm>>
      %dma_start3A_52 = tpu.memref_squeeze %dma_start3A_51 : memref<1x1x1x41x128xi32, #tpu.memory_space<hbm>> -> memref<41x128xi32, #tpu.memory_space<hbm>>
      %dma_start3A_53 = arith.constant 0 : i32
      %dma_start3A_54 = arith.constant 0 : i32
      %dma_start3A_55 = tpu.memref_slice %arg3[%arg0, %arg1, %run_scoped3A_21, %dma_start3A_53, %dma_start3A_54] : memref<2x16x2x41x128xi32, #tpu.memory_space<hbm>> -> memref<1x1x1x41x128xi32, #tpu.memory_space<hbm>>
      %dma_start3A_56 = tpu.memref_squeeze %dma_start3A_55 : memref<1x1x1x41x128xi32, #tpu.memory_space<hbm>> -> memref<41x128xi32, #tpu.memory_space<hbm>>
      tpu.enqueue_dma source(%dma_start3A_56 : memref<41x128xi32, #tpu.memory_space<hbm>>) target(%arg7 : memref<41x128xi32, #tpu.memory_space<vmem>>) target_semaphore(%run_scoped3A_48 : memref<!tpu.dma_semaphore, #tpu.memory_space<semaphore_mem>>)
      %dma_wait3A_57 = arith.constant 0 : i32
      %dma_wait3A_58 = arith.constant 0 : i32
      %dma_wait3A_59 = tpu.memref_slice %arg3[%arg0, %arg1, %run_scoped3A_21, %dma_wait3A_57, %dma_wait3A_58] : memref<2x16x2x41x128xi32, #tpu.memory_space<hbm>> -> memref<1x1x1x41x128xi32, #tpu.memory_space<hbm>>
      %dma_wait3A_60 = tpu.memref_squeeze %dma_wait3A_59 : memref<1x1x1x41x128xi32, #tpu.memory_space<hbm>> -> memref<41x128xi32, #tpu.memory_space<hbm>>
      %dma_wait3A_61 = arith.constant 0 : i32
      %dma_wait3A_62 = arith.constant 0 : i32
      %dma_wait3A_63 = tpu.memref_slice %arg3[%arg0, %arg1, %run_scoped3A_21, %dma_wait3A_61, %dma_wait3A_62] : memref<2x16x2x41x128xi32, #tpu.memory_space<hbm>> -> memref<1x1x1x41x128xi32, #tpu.memory_space<hbm>>
      %dma_wait3A_64 = tpu.memref_squeeze %dma_wait3A_63 : memref<1x1x1x41x128xi32, #tpu.memory_space<hbm>> -> memref<41x128xi32, #tpu.memory_space<hbm>>
      tpu.wait_dma2 semaphore(%run_scoped3A_48 : memref<!tpu.dma_semaphore, #tpu.memory_space<semaphore_mem>>) src(%dma_wait3A_64 : memref<41x128xi32, #tpu.memory_space<hbm>>) dst(%arg7 : memref<41x128xi32, #tpu.memory_space<vmem>>)
      tpu.yield
    }) : () -> ()
    %run_scoped3A_22 = arith.constant 1 : i32
    "tpu.region"() ({
      %run_scoped3A_48 = tpu.sem_alloc : memref<!tpu.dma_semaphore, #tpu.memory_space<semaphore_mem>>
      %dma_start3A_49 = arith.constant 0 : i32
      %dma_start3A_50 = arith.constant 0 : i32
      %dma_start3A_51 = tpu.memref_slice %arg4[%arg0, %arg1, %run_scoped3A_22, %dma_start3A_49, %dma_start3A_50] : memref<2x16x2x41x128xi32, #tpu.memory_space<hbm>> -> memref<1x1x1x41x128xi32, #tpu.memory_space<hbm>>
      %dma_start3A_52 = tpu.memref_squeeze %dma_start3A_51 : memref<1x1x1x41x128xi32, #tpu.memory_space<hbm>> -> memref<41x128xi32, #tpu.memory_space<hbm>>
      %dma_start3A_53 = arith.constant 0 : i32
      %dma_start3A_54 = arith.constant 0 : i32
      %dma_start3A_55 = tpu.memref_slice %arg4[%arg0, %arg1, %run_scoped3A_22, %dma_start3A_53, %dma_start3A_54] : memref<2x16x2x41x128xi32, #tpu.memory_space<hbm>> -> memref<1x1x1x41x128xi32, #tpu.memory_space<hbm>>
      %dma_start3A_56 = tpu.memref_squeeze %dma_start3A_55 : memref<1x1x1x41x128xi32, #tpu.memory_space<hbm>> -> memref<41x128xi32, #tpu.memory_space<hbm>>
      tpu.enqueue_dma source(%dma_start3A_56 : memref<41x128xi32, #tpu.memory_space<hbm>>) target(%arg8 : memref<41x128xi32, #tpu.memory_space<vmem>>) target_semaphore(%run_scoped3A_48 : memref<!tpu.dma_semaphore, #tpu.memory_space<semaphore_mem>>)
      %dma_wait3A_57 = arith.constant 0 : i32
      %dma_wait3A_58 = arith.constant 0 : i32
      %dma_wait3A_59 = tpu.memref_slice %arg4[%arg0, %arg1, %run_scoped3A_22, %dma_wait3A_57, %dma_wait3A_58] : memref<2x16x2x41x128xi32, #tpu.memory_space<hbm>> -> memref<1x1x1x41x128xi32, #tpu.memory_space<hbm>>
      %dma_wait3A_60 = tpu.memref_squeeze %dma_wait3A_59 : memref<1x1x1x41x128xi32, #tpu.memory_space<hbm>> -> memref<41x128xi32, #tpu.memory_space<hbm>>
      %dma_wait3A_61 = arith.constant 0 : i32
      %dma_wait3A_62 = arith.constant 0 : i32
      %dma_wait3A_63 = tpu.memref_slice %arg4[%arg0, %arg1, %run_scoped3A_22, %dma_wait3A_61, %dma_wait3A_62] : memref<2x16x2x41x128xi32, #tpu.memory_space<hbm>> -> memref<1x1x1x41x128xi32, #tpu.memory_space<hbm>>
      %dma_wait3A_64 = tpu.memref_squeeze %dma_wait3A_63 : memref<1x1x1x41x128xi32, #tpu.memory_space<hbm>> -> memref<41x128xi32, #tpu.memory_space<hbm>>
      tpu.wait_dma2 semaphore(%run_scoped3A_48 : memref<!tpu.dma_semaphore, #tpu.memory_space<semaphore_mem>>) src(%dma_wait3A_64 : memref<41x128xi32, #tpu.memory_space<hbm>>) dst(%arg8 : memref<41x128xi32, #tpu.memory_space<vmem>>)
      tpu.yield
    }) : () -> ()
    %dma_start3A_23 = arith.constant 0 : i32
    %dma_start3A_24 = arith.constant 0 : i32
    %dma_start3A_25 = tpu.memref_slice %arg7[%dma_start3A_23, %dma_start3A_24] : memref<41x128xi32, #tpu.memory_space<vmem>> -> memref<1x128xi32, #tpu.memory_space<vmem>>
    %dma_start3A_26 = tpu.memref_squeeze %dma_start3A_25 : memref<1x128xi32, #tpu.memory_space<vmem>> -> memref<128xi32, #tpu.memory_space<vmem>>
    %dma_start3A_27 = arith.constant 0 : i32
    %dma_start3A_28 = arith.constant 0 : i32
    %dma_start3A_29 = tpu.memref_slice %arg2[%dma_start3A_27, %dma_start3A_28] : memref<10000x128xf32, #tpu.memory_space<hbm>> -> memref<10000x128xf32, #tpu.memory_space<hbm>>
    tpu.enqueue_indirect_dma source(%dma_start3A_29 : memref<10000x128xf32, #tpu.memory_space<hbm>>) target(%arg9 : memref<128x128xf32, #tpu.memory_space<vmem>>) offsets(%dma_start3A_26 : memref<128xi32, #tpu.memory_space<vmem>>) semaphore(%arg11 : memref<!tpu.dma_semaphore, #tpu.memory_space<semaphore_mem>>)
    %scan3A_30 = arith.constant 0 : i32
    %scan3A_31 = arith.constant 0 : i32
    %scan3A_32 = arith.constant 20 : i32
    %scan3A_33 = arith.addi %scan3A_31, %scan3A_32 : i32
    %scan3A_34 = arith.constant 1 : i32
    scf.for %scan3A_48 = %scan3A_31 to %scan3A_33 step %scan3A_34  : i32 {
      %mul3A_49 = arith.constant 2 : i32
      %mul3A_50 = arith.muli %mul3A_49, %scan3A_48 : i32
      %add3A = arith.constant 1 : i32
      %add3A_51 = arith.addi %mul3A_50, %add3A : i32
      %dma_start3A_52 = arith.constant 0 : i32
      %dma_start3A_53 = tpu.memref_slice %arg7[%add3A_51, %dma_start3A_52] : memref<41x128xi32, #tpu.memory_space<vmem>> -> memref<1x128xi32, #tpu.memory_space<vmem>>
      %dma_start3A_54 = tpu.memref_squeeze %dma_start3A_53 : memref<1x128xi32, #tpu.memory_space<vmem>> -> memref<128xi32, #tpu.memory_space<vmem>>
      %dma_start3A_55 = arith.constant 0 : i32
      %dma_start3A_56 = arith.constant 0 : i32
      %dma_start3A_57 = tpu.memref_slice %arg2[%dma_start3A_55, %dma_start3A_56] : memref<10000x128xf32, #tpu.memory_space<hbm>> -> memref<10000x128xf32, #tpu.memory_space<hbm>>
      tpu.enqueue_indirect_dma source(%dma_start3A_57 : memref<10000x128xf32, #tpu.memory_space<hbm>>) target(%arg10 : memref<128x128xf32, #tpu.memory_space<vmem>>) offsets(%dma_start3A_54 : memref<128xi32, #tpu.memory_space<vmem>>) semaphore(%arg12 : memref<!tpu.dma_semaphore, #tpu.memory_space<semaphore_mem>>)
      %dma_wait3A_58 = arith.constant 0 : i32
      %dma_wait3A_59 = tpu.memref_slice %arg7[%mul3A_50, %dma_wait3A_58] : memref<41x128xi32, #tpu.memory_space<vmem>> -> memref<1x128xi32, #tpu.memory_space<vmem>>
      %dma_wait3A_60 = tpu.memref_squeeze %dma_wait3A_59 : memref<1x128xi32, #tpu.memory_space<vmem>> -> memref<128xi32, #tpu.memory_space<vmem>>
      %dma_wait3A_61 = arith.constant 0 : i32
      %dma_wait3A_62 = arith.constant 0 : i32
      %dma_wait3A_63 = tpu.memref_slice %arg2[%dma_wait3A_61, %dma_wait3A_62] : memref<10000x128xf32, #tpu.memory_space<hbm>> -> memref<10000x128xf32, #tpu.memory_space<hbm>>
      tpu.wait_indirect_dma semaphore(%arg11 : memref<!tpu.dma_semaphore, #tpu.memory_space<semaphore_mem>>) src(%dma_wait3A_63 : memref<10000x128xf32, #tpu.memory_space<hbm>>) dst(%arg9 : memref<128x128xf32, #tpu.memory_space<vmem>>)
      "tpu.region"() ({
        %run_scoped3A_82 = tpu.sem_alloc : memref<!tpu.dma_semaphore, #tpu.memory_space<semaphore_mem>>
        %dma_start3A_83 = arith.constant 0 : i32
        %dma_start3A_84 = tpu.memref_slice %arg8[%mul3A_50, %dma_start3A_83] : memref<41x128xi32, #tpu.memory_space<vmem>> -> memref<1x128xi32, #tpu.memory_space<vmem>>
        %dma_start3A_85 = tpu.memref_squeeze %dma_start3A_84 : memref<1x128xi32, #tpu.memory_space<vmem>> -> memref<128xi32, #tpu.memory_space<vmem>>
        %dma_start3A_86 = arith.constant 0 : i32
        %dma_start3A_87 = arith.constant 0 : i32
        %dma_start3A_88 = tpu.memref_slice %arg13[%dma_start3A_86, %dma_start3A_87] : memref<10112x128xf32, #tpu.memory_space<vmem_shared>> -> memref<10112x128xf32, #tpu.memory_space<vmem_shared>>
        tpu.enqueue_indirect_dma source(%arg9 : memref<128x128xf32, #tpu.memory_space<vmem>>) target(%dma_start3A_88 : memref<10112x128xf32, #tpu.memory_space<vmem_shared>>) offsets(%dma_start3A_85 : memref<128xi32, #tpu.memory_space<vmem>>) semaphore(%run_scoped3A_82 : memref<!tpu.dma_semaphore, #tpu.memory_space<semaphore_mem>>) {add = true}
        %dma_wait3A_89 = arith.constant 0 : i32
        %dma_wait3A_90 = tpu.memref_slice %arg8[%mul3A_50, %dma_wait3A_89] : memref<41x128xi32, #tpu.memory_space<vmem>> -> memref<1x128xi32, #tpu.memory_space<vmem>>
        %dma_wait3A_91 = tpu.memref_squeeze %dma_wait3A_90 : memref<1x128xi32, #tpu.memory_space<vmem>> -> memref<128xi32, #tpu.memory_space<vmem>>
        %dma_wait3A_92 = arith.constant 0 : i32
        %dma_wait3A_93 = arith.constant 0 : i32
        %dma_wait3A_94 = tpu.memref_slice %arg13[%dma_wait3A_92, %dma_wait3A_93] : memref<10112x128xf32, #tpu.memory_space<vmem_shared>> -> memref<10112x128xf32, #tpu.memory_space<vmem_shared>>
        tpu.wait_indirect_dma semaphore(%run_scoped3A_82 : memref<!tpu.dma_semaphore, #tpu.memory_space<semaphore_mem>>) src(%arg9 : memref<128x128xf32, #tpu.memory_space<vmem>>) dst(%dma_wait3A_94 : memref<10112x128xf32, #tpu.memory_space<vmem_shared>>)
        tpu.yield
      }) : () -> ()
      %add3A_64 = arith.constant 2 : i32
      %add3A_65 = arith.addi %mul3A_50, %add3A_64 : i32
      %dma_start3A_66 = arith.constant 0 : i32
      %dma_start3A_67 = tpu.memref_slice %arg7[%add3A_65, %dma_start3A_66] : memref<41x128xi32, #tpu.memory_space<vmem>> -> memref<1x128xi32, #tpu.memory_space<vmem>>
      %dma_start3A_68 = tpu.memref_squeeze %dma_start3A_67 : memref<1x128xi32, #tpu.memory_space<vmem>> -> memref<128xi32, #tpu.memory_space<vmem>>
      %dma_start3A_69 = arith.constant 0 : i32
      %dma_start3A_70 = arith.constant 0 : i32
      %dma_start3A_71 = tpu.memref_slice %arg2[%dma_start3A_69, %dma_start3A_70] : memref<10000x128xf32, #tpu.memory_space<hbm>> -> memref<10000x128xf32, #tpu.memory_space<hbm>>
      tpu.enqueue_indirect_dma source(%dma_start3A_71 : memref<10000x128xf32, #tpu.memory_space<hbm>>) target(%arg9 : memref<128x128xf32, #tpu.memory_space<vmem>>) offsets(%dma_start3A_68 : memref<128xi32, #tpu.memory_space<vmem>>) semaphore(%arg11 : memref<!tpu.dma_semaphore, #tpu.memory_space<semaphore_mem>>)
      %add3A_72 = arith.constant 1 : i32
      %add3A_73 = arith.addi %mul3A_50, %add3A_72 : i32
      %dma_wait3A_74 = arith.constant 0 : i32
      %dma_wait3A_75 = tpu.memref_slice %arg7[%add3A_73, %dma_wait3A_74] : memref<41x128xi32, #tpu.memory_space<vmem>> -> memref<1x128xi32, #tpu.memory_space<vmem>>
      %dma_wait3A_76 = tpu.memref_squeeze %dma_wait3A_75 : memref<1x128xi32, #tpu.memory_space<vmem>> -> memref<128xi32, #tpu.memory_space<vmem>>
      %dma_wait3A_77 = arith.constant 0 : i32
      %dma_wait3A_78 = arith.constant 0 : i32
      %dma_wait3A_79 = tpu.memref_slice %arg2[%dma_wait3A_77, %dma_wait3A_78] : memref<10000x128xf32, #tpu.memory_space<hbm>> -> memref<10000x128xf32, #tpu.memory_space<hbm>>
      tpu.wait_indirect_dma semaphore(%arg12 : memref<!tpu.dma_semaphore, #tpu.memory_space<semaphore_mem>>) src(%dma_wait3A_79 : memref<10000x128xf32, #tpu.memory_space<hbm>>) dst(%arg10 : memref<128x128xf32, #tpu.memory_space<vmem>>)
      %add3A_80 = arith.constant 1 : i32
      %add3A_81 = arith.addi %mul3A_50, %add3A_80 : i32
      "tpu.region"() ({
        %run_scoped3A_82 = tpu.sem_alloc : memref<!tpu.dma_semaphore, #tpu.memory_space<semaphore_mem>>
        %dma_start3A_83 = arith.constant 0 : i32
        %dma_start3A_84 = tpu.memref_slice %arg8[%add3A_81, %dma_start3A_83] : memref<41x128xi32, #tpu.memory_space<vmem>> -> memref<1x128xi32, #tpu.memory_space<vmem>>
        %dma_start3A_85 = tpu.memref_squeeze %dma_start3A_84 : memref<1x128xi32, #tpu.memory_space<vmem>> -> memref<128xi32, #tpu.memory_space<vmem>>
        %dma_start3A_86 = arith.constant 0 : i32
        %dma_start3A_87 = arith.constant 0 : i32
        %dma_start3A_88 = tpu.memref_slice %arg13[%dma_start3A_86, %dma_start3A_87] : memref<10112x128xf32, #tpu.memory_space<vmem_shared>> -> memref<10112x128xf32, #tpu.memory_space<vmem_shared>>
        tpu.enqueue_indirect_dma source(%arg10 : memref<128x128xf32, #tpu.memory_space<vmem>>) target(%dma_start3A_88 : memref<10112x128xf32, #tpu.memory_space<vmem_shared>>) offsets(%dma_start3A_85 : memref<128xi32, #tpu.memory_space<vmem>>) semaphore(%run_scoped3A_82 : memref<!tpu.dma_semaphore, #tpu.memory_space<semaphore_mem>>) {add = true}
        %dma_wait3A_89 = arith.constant 0 : i32
        %dma_wait3A_90 = tpu.memref_slice %arg8[%add3A_81, %dma_wait3A_89] : memref<41x128xi32, #tpu.memory_space<vmem>> -> memref<1x128xi32, #tpu.memory_space<vmem>>
        %dma_wait3A_91 = tpu.memref_squeeze %dma_wait3A_90 : memref<1x128xi32, #tpu.memory_space<vmem>> -> memref<128xi32, #tpu.memory_space<vmem>>
        %dma_wait3A_92 = arith.constant 0 : i32
        %dma_wait3A_93 = arith.constant 0 : i32
        %dma_wait3A_94 = tpu.memref_slice %arg13[%dma_wait3A_92, %dma_wait3A_93] : memref<10112x128xf32, #tpu.memory_space<vmem_shared>> -> memref<10112x128xf32, #tpu.memory_space<vmem_shared>>
        tpu.wait_indirect_dma semaphore(%run_scoped3A_82 : memref<!tpu.dma_semaphore, #tpu.memory_space<semaphore_mem>>) src(%arg10 : memref<128x128xf32, #tpu.memory_space<vmem>>) dst(%dma_wait3A_94 : memref<10112x128xf32, #tpu.memory_space<vmem_shared>>)
        tpu.yield
      }) : () -> ()
    }
    %scan3A_35 = arith.constant 20 : i32
    %dma_wait3A_36 = arith.constant 40 : i32
    %dma_wait3A_37 = arith.constant 0 : i32
    %dma_wait3A_38 = tpu.memref_slice %arg7[%dma_wait3A_36, %dma_wait3A_37] : memref<41x128xi32, #tpu.memory_space<vmem>> -> memref<1x128xi32, #tpu.memory_space<vmem>>
    %dma_wait3A_39 = tpu.memref_squeeze %dma_wait3A_38 : memref<1x128xi32, #tpu.memory_space<vmem>> -> memref<128xi32, #tpu.memory_space<vmem>>
    %dma_wait3A_40 = arith.constant 0 : i32
    %dma_wait3A_41 = arith.constant 0 : i32
    %dma_wait3A_42 = tpu.memref_slice %arg2[%dma_wait3A_40, %dma_wait3A_41] : memref<10000x128xf32, #tpu.memory_space<hbm>> -> memref<10000x128xf32, #tpu.memory_space<hbm>>
    tpu.wait_indirect_dma semaphore(%arg11 : memref<!tpu.dma_semaphore, #tpu.memory_space<semaphore_mem>>) src(%dma_wait3A_42 : memref<10000x128xf32, #tpu.memory_space<hbm>>) dst(%arg9 : memref<128x128xf32, #tpu.memory_space<vmem>>)
    %barrier3A_43 = arith.constant 0 : index
    tpu.barrier barrier_id(%barrier3A_43)
    %mul3A_44 = arith.constant 632 : i32
    %mul3A_45 = arith.muli %arg1, %mul3A_44 : i32
    %mul3A_46 = arith.constant 632 : i32
    %mul3A_47 = arith.muli %arg1, %mul3A_46 : i32
    "tpu.region"() ({
      %run_scoped3A_48 = tpu.sem_alloc : memref<!tpu.dma_semaphore, #tpu.memory_space<semaphore_mem>>
      %dma_start3A_49 = arith.constant 0 : i32
      %dma_start3A_50 = tpu.memref_slice %arg6[%arg0, %mul3A_47, %dma_start3A_49] : memref<2x10112x128xf32, #tpu.memory_space<hbm>> -> memref<1x632x128xf32, #tpu.memory_space<hbm>>
      %dma_start3A_51 = tpu.memref_squeeze %dma_start3A_50 : memref<1x632x128xf32, #tpu.memory_space<hbm>> -> memref<632x128xf32, #tpu.memory_space<hbm>>
      %dma_start3A_52 = arith.constant 0 : i32
      %dma_start3A_53 = tpu.memref_slice %arg13[%mul3A_45, %dma_start3A_52] : memref<10112x128xf32, #tpu.memory_space<vmem_shared>> -> memref<632x128xf32, #tpu.memory_space<vmem_shared>>
      tpu.enqueue_dma source(%dma_start3A_53 : memref<632x128xf32, #tpu.memory_space<vmem_shared>>) target(%dma_start3A_51 : memref<632x128xf32, #tpu.memory_space<hbm>>) target_semaphore(%run_scoped3A_48 : memref<!tpu.dma_semaphore, #tpu.memory_space<semaphore_mem>>)
      %dma_wait3A_54 = arith.constant 0 : i32
      %dma_wait3A_55 = tpu.memref_slice %arg6[%arg0, %mul3A_47, %dma_wait3A_54] : memref<2x10112x128xf32, #tpu.memory_space<hbm>> -> memref<1x632x128xf32, #tpu.memory_space<hbm>>
      %dma_wait3A_56 = tpu.memref_squeeze %dma_wait3A_55 : memref<1x632x128xf32, #tpu.memory_space<hbm>> -> memref<632x128xf32, #tpu.memory_space<hbm>>
      %dma_wait3A_57 = arith.constant 0 : i32
      %dma_wait3A_58 = tpu.memref_slice %arg13[%mul3A_45, %dma_wait3A_57] : memref<10112x128xf32, #tpu.memory_space<vmem_shared>> -> memref<632x128xf32, #tpu.memory_space<vmem_shared>>
      tpu.wait_dma2 semaphore(%run_scoped3A_48 : memref<!tpu.dma_semaphore, #tpu.memory_space<semaphore_mem>>) src(%dma_wait3A_58 : memref<632x128xf32, #tpu.memory_space<vmem_shared>>) dst(%dma_wait3A_56 : memref<632x128xf32, #tpu.memory_space<hbm>>)
      tpu.yield
    }) : () -> ()
    return
  }
}

#map = affine_map<(d0, d1) -> (0, 0)>
#map1 = affine_map<(d0, d1) -> (0, 0, 0, 0, 0)>
#map2 = affine_map<(d0, d1) -> (0, 0, 0)>
module attributes {stable_mosaic.version = 14 : i64} {
  func.func @_sc_agg(%arg0: i32, %arg1: i32, %arg2: memref<10000x128xf32, #tpu.memory_space<hbm>>, %arg3: memref<2x16x2x41x128xi32, #tpu.memory_space<hbm>>, %arg4: memref<2x16x2x41x128xi32, #tpu.memory_space<hbm>>, %arg5: memref<10112x128xf32, #tpu.memory_space<hbm>>, %arg6: memref<2x10112x128xf32, #tpu.memory_space<hbm>>, %arg7: memref<41x128xi32, #tpu.memory_space<vmem>>, %arg8: memref<41x128xi32, #tpu.memory_space<vmem>>, %arg9: memref<128x128xf32, #tpu.memory_space<vmem>>, %arg10: memref<128x128xf32, #tpu.memory_space<vmem>>, %arg11: memref<!tpu.dma_semaphore, #tpu.memory_space<semaphore_mem>>, %arg12: memref<!tpu.dma_semaphore, #tpu.memory_space<semaphore_mem>>, %arg13: memref<10112x128xf32, #tpu.memory_space<vmem_shared>>) attributes {dimension_semantics = [#tpu.dimension_semantics<core_parallel>, #tpu.dimension_semantics<subcore_parallel>], iteration_bounds = array<i64: 2, 16>, scalar_prefetch = 0 : i64, scratch_operands = 7 : i64, tpu.core_type = #tpu.core_type<sc_vector_subcore>, window_params = [{transform_indices = #map}, {transform_indices = #map1}, {transform_indices = #map1}, {transform_indices = #map}, {transform_indices = #map2}]} {
    %mul3A = arith.constant 632 : i32
    %mul3A_0 = arith.muli %arg1, %mul3A : i32
    %mul3A_1 = arith.constant 632 : i32
    %mul3A_2 = arith.muli %arg1, %mul3A_1 : i32
    "tpu.region"() ({
      %run_scoped3A_48 = tpu.sem_alloc : memref<!tpu.dma_semaphore, #tpu.memory_space<semaphore_mem>>
      %dma_start3A_49 = arith.constant 0 : i32
      %dma_start3A_50 = tpu.memref_slice %arg13[%mul3A_2, %dma_start3A_49] : memref<10112x128xf32, #tpu.memory_space<vmem_shared>> -> memref<632x128xf32, #tpu.memory_space<vmem_shared>>
      %dma_start3A_51 = arith.constant 0 : i32
      %dma_start3A_52 = tpu.memref_slice %arg5[%mul3A_0, %dma_start3A_51] : memref<10112x128xf32, #tpu.memory_space<hbm>> -> memref<632x128xf32, #tpu.memory_space<hbm>>
      tpu.enqueue_dma source(%dma_start3A_52 : memref<632x128xf32, #tpu.memory_space<hbm>>) target(%dma_start3A_50 : memref<632x128xf32, #tpu.memory_space<vmem_shared>>) target_semaphore(%run_scoped3A_48 : memref<!tpu.dma_semaphore, #tpu.memory_space<semaphore_mem>>)
      %dma_wait3A_53 = arith.constant 0 : i32
      %dma_wait3A_54 = tpu.memref_slice %arg13[%mul3A_2, %dma_wait3A_53] : memref<10112x128xf32, #tpu.memory_space<vmem_shared>> -> memref<632x128xf32, #tpu.memory_space<vmem_shared>>
      %dma_wait3A_55 = arith.constant 0 : i32
      %dma_wait3A_56 = tpu.memref_slice %arg5[%mul3A_0, %dma_wait3A_55] : memref<10112x128xf32, #tpu.memory_space<hbm>> -> memref<632x128xf32, #tpu.memory_space<hbm>>
      tpu.wait_dma2 semaphore(%run_scoped3A_48 : memref<!tpu.dma_semaphore, #tpu.memory_space<semaphore_mem>>) src(%dma_wait3A_56 : memref<632x128xf32, #tpu.memory_space<hbm>>) dst(%dma_wait3A_54 : memref<632x128xf32, #tpu.memory_space<vmem_shared>>)
      tpu.yield
    }) : () -> ()
    %barrier3A = arith.constant 0 : index
    tpu.barrier barrier_id(%barrier3A)
    %run_scoped3A = arith.constant 0 : i32
    "tpu.region"() ({
      %run_scoped3A_48 = tpu.sem_alloc : memref<!tpu.dma_semaphore, #tpu.memory_space<semaphore_mem>>
      %dma_start3A_49 = arith.constant 0 : i32
      %dma_start3A_50 = arith.constant 0 : i32
      %dma_start3A_51 = tpu.memref_slice %arg3[%arg0, %arg1, %run_scoped3A, %dma_start3A_49, %dma_start3A_50] : memref<2x16x2x41x128xi32, #tpu.memory_space<hbm>> -> memref<1x1x1x41x128xi32, #tpu.memory_space<hbm>>
      %dma_start3A_52 = tpu.memref_squeeze %dma_start3A_51 : memref<1x1x1x41x128xi32, #tpu.memory_space<hbm>> -> memref<41x128xi32, #tpu.memory_space<hbm>>
      %dma_start3A_53 = arith.constant 0 : i32
      %dma_start3A_54 = arith.constant 0 : i32
      %dma_start3A_55 = tpu.memref_slice %arg3[%arg0, %arg1, %run_scoped3A, %dma_start3A_53, %dma_start3A_54] : memref<2x16x2x41x128xi32, #tpu.memory_space<hbm>> -> memref<1x1x1x41x128xi32, #tpu.memory_space<hbm>>
      %dma_start3A_56 = tpu.memref_squeeze %dma_start3A_55 : memref<1x1x1x41x128xi32, #tpu.memory_space<hbm>> -> memref<41x128xi32, #tpu.memory_space<hbm>>
      tpu.enqueue_dma source(%dma_start3A_56 : memref<41x128xi32, #tpu.memory_space<hbm>>) target(%arg7 : memref<41x128xi32, #tpu.memory_space<vmem>>) target_semaphore(%run_scoped3A_48 : memref<!tpu.dma_semaphore, #tpu.memory_space<semaphore_mem>>)
      %dma_wait3A_57 = arith.constant 0 : i32
      %dma_wait3A_58 = arith.constant 0 : i32
      %dma_wait3A_59 = tpu.memref_slice %arg3[%arg0, %arg1, %run_scoped3A, %dma_wait3A_57, %dma_wait3A_58] : memref<2x16x2x41x128xi32, #tpu.memory_space<hbm>> -> memref<1x1x1x41x128xi32, #tpu.memory_space<hbm>>
      %dma_wait3A_60 = tpu.memref_squeeze %dma_wait3A_59 : memref<1x1x1x41x128xi32, #tpu.memory_space<hbm>> -> memref<41x128xi32, #tpu.memory_space<hbm>>
      %dma_wait3A_61 = arith.constant 0 : i32
      %dma_wait3A_62 = arith.constant 0 : i32
      %dma_wait3A_63 = tpu.memref_slice %arg3[%arg0, %arg1, %run_scoped3A, %dma_wait3A_61, %dma_wait3A_62] : memref<2x16x2x41x128xi32, #tpu.memory_space<hbm>> -> memref<1x1x1x41x128xi32, #tpu.memory_space<hbm>>
      %dma_wait3A_64 = tpu.memref_squeeze %dma_wait3A_63 : memref<1x1x1x41x128xi32, #tpu.memory_space<hbm>> -> memref<41x128xi32, #tpu.memory_space<hbm>>
      tpu.wait_dma2 semaphore(%run_scoped3A_48 : memref<!tpu.dma_semaphore, #tpu.memory_space<semaphore_mem>>) src(%dma_wait3A_64 : memref<41x128xi32, #tpu.memory_space<hbm>>) dst(%arg7 : memref<41x128xi32, #tpu.memory_space<vmem>>)
      tpu.yield
    }) : () -> ()
    %run_scoped3A_3 = arith.constant 0 : i32
    "tpu.region"() ({
      %run_scoped3A_48 = tpu.sem_alloc : memref<!tpu.dma_semaphore, #tpu.memory_space<semaphore_mem>>
      %dma_start3A_49 = arith.constant 0 : i32
      %dma_start3A_50 = arith.constant 0 : i32
      %dma_start3A_51 = tpu.memref_slice %arg4[%arg0, %arg1, %run_scoped3A_3, %dma_start3A_49, %dma_start3A_50] : memref<2x16x2x41x128xi32, #tpu.memory_space<hbm>> -> memref<1x1x1x41x128xi32, #tpu.memory_space<hbm>>
      %dma_start3A_52 = tpu.memref_squeeze %dma_start3A_51 : memref<1x1x1x41x128xi32, #tpu.memory_space<hbm>> -> memref<41x128xi32, #tpu.memory_space<hbm>>
      %dma_start3A_53 = arith.constant 0 : i32
      %dma_start3A_54 = arith.constant 0 : i32
      %dma_start3A_55 = tpu.memref_slice %arg4[%arg0, %arg1, %run_scoped3A_3, %dma_start3A_53, %dma_start3A_54] : memref<2x16x2x41x128xi32, #tpu.memory_space<hbm>> -> memref<1x1x1x41x128xi32, #tpu.memory_space<hbm>>
      %dma_start3A_56 = tpu.memref_squeeze %dma_start3A_55 : memref<1x1x1x41x128xi32, #tpu.memory_space<hbm>> -> memref<41x128xi32, #tpu.memory_space<hbm>>
      tpu.enqueue_dma source(%dma_start3A_56 : memref<41x128xi32, #tpu.memory_space<hbm>>) target(%arg8 : memref<41x128xi32, #tpu.memory_space<vmem>>) target_semaphore(%run_scoped3A_48 : memref<!tpu.dma_semaphore, #tpu.memory_space<semaphore_mem>>)
      %dma_wait3A_57 = arith.constant 0 : i32
      %dma_wait3A_58 = arith.constant 0 : i32
      %dma_wait3A_59 = tpu.memref_slice %arg4[%arg0, %arg1, %run_scoped3A_3, %dma_wait3A_57, %dma_wait3A_58] : memref<2x16x2x41x128xi32, #tpu.memory_space<hbm>> -> memref<1x1x1x41x128xi32, #tpu.memory_space<hbm>>
      %dma_wait3A_60 = tpu.memref_squeeze %dma_wait3A_59 : memref<1x1x1x41x128xi32, #tpu.memory_space<hbm>> -> memref<41x128xi32, #tpu.memory_space<hbm>>
      %dma_wait3A_61 = arith.constant 0 : i32
      %dma_wait3A_62 = arith.constant 0 : i32
      %dma_wait3A_63 = tpu.memref_slice %arg4[%arg0, %arg1, %run_scoped3A_3, %dma_wait3A_61, %dma_wait3A_62] : memref<2x16x2x41x128xi32, #tpu.memory_space<hbm>> -> memref<1x1x1x41x128xi32, #tpu.memory_space<hbm>>
      %dma_wait3A_64 = tpu.memref_squeeze %dma_wait3A_63 : memref<1x1x1x41x128xi32, #tpu.memory_space<hbm>> -> memref<41x128xi32, #tpu.memory_space<hbm>>
      tpu.wait_dma2 semaphore(%run_scoped3A_48 : memref<!tpu.dma_semaphore, #tpu.memory_space<semaphore_mem>>) src(%dma_wait3A_64 : memref<41x128xi32, #tpu.memory_space<hbm>>) dst(%arg8 : memref<41x128xi32, #tpu.memory_space<vmem>>)
      tpu.yield
    }) : () -> ()
    %dma_start3A = arith.constant 0 : i32
    %dma_start3A_4 = arith.constant 0 : i32
    %dma_start3A_5 = tpu.memref_slice %arg7[%dma_start3A, %dma_start3A_4] : memref<41x128xi32, #tpu.memory_space<vmem>> -> memref<1x128xi32, #tpu.memory_space<vmem>>
    %dma_start3A_6 = tpu.memref_squeeze %dma_start3A_5 : memref<1x128xi32, #tpu.memory_space<vmem>> -> memref<128xi32, #tpu.memory_space<vmem>>
    %dma_start3A_7 = arith.constant 0 : i32
    %dma_start3A_8 = arith.constant 0 : i32
    %dma_start3A_9 = tpu.memref_slice %arg2[%dma_start3A_7, %dma_start3A_8] : memref<10000x128xf32, #tpu.memory_space<hbm>> -> memref<10000x128xf32, #tpu.memory_space<hbm>>
    tpu.enqueue_indirect_dma source(%dma_start3A_9 : memref<10000x128xf32, #tpu.memory_space<hbm>>) target(%arg9 : memref<128x128xf32, #tpu.memory_space<vmem>>) offsets(%dma_start3A_6 : memref<128xi32, #tpu.memory_space<vmem>>) semaphore(%arg11 : memref<!tpu.dma_semaphore, #tpu.memory_space<semaphore_mem>>)
    %scan3A = arith.constant 0 : i32
    %scan3A_10 = arith.constant 0 : i32
    %scan3A_11 = arith.constant 20 : i32
    %scan3A_12 = arith.addi %scan3A_10, %scan3A_11 : i32
    %scan3A_13 = arith.constant 1 : i32
    scf.for %scan3A_48 = %scan3A_10 to %scan3A_12 step %scan3A_13  : i32 {
      %mul3A_49 = arith.constant 2 : i32
      %mul3A_50 = arith.muli %mul3A_49, %scan3A_48 : i32
      %add3A = arith.constant 1 : i32
      %add3A_51 = arith.addi %mul3A_50, %add3A : i32
      %dma_start3A_52 = arith.constant 0 : i32
      %dma_start3A_53 = tpu.memref_slice %arg7[%add3A_51, %dma_start3A_52] : memref<41x128xi32, #tpu.memory_space<vmem>> -> memref<1x128xi32, #tpu.memory_space<vmem>>
      %dma_start3A_54 = tpu.memref_squeeze %dma_start3A_53 : memref<1x128xi32, #tpu.memory_space<vmem>> -> memref<128xi32, #tpu.memory_space<vmem>>
      %dma_start3A_55 = arith.constant 0 : i32
      %dma_start3A_56 = arith.constant 0 : i32
      %dma_start3A_57 = tpu.memref_slice %arg2[%dma_start3A_55, %dma_start3A_56] : memref<10000x128xf32, #tpu.memory_space<hbm>> -> memref<10000x128xf32, #tpu.memory_space<hbm>>
      tpu.enqueue_indirect_dma source(%dma_start3A_57 : memref<10000x128xf32, #tpu.memory_space<hbm>>) target(%arg10 : memref<128x128xf32, #tpu.memory_space<vmem>>) offsets(%dma_start3A_54 : memref<128xi32, #tpu.memory_space<vmem>>) semaphore(%arg12 : memref<!tpu.dma_semaphore, #tpu.memory_space<semaphore_mem>>)
      %dma_wait3A_58 = arith.constant 0 : i32
      %dma_wait3A_59 = tpu.memref_slice %arg7[%mul3A_50, %dma_wait3A_58] : memref<41x128xi32, #tpu.memory_space<vmem>> -> memref<1x128xi32, #tpu.memory_space<vmem>>
      %dma_wait3A_60 = tpu.memref_squeeze %dma_wait3A_59 : memref<1x128xi32, #tpu.memory_space<vmem>> -> memref<128xi32, #tpu.memory_space<vmem>>
      %dma_wait3A_61 = arith.constant 0 : i32
      %dma_wait3A_62 = arith.constant 0 : i32
      %dma_wait3A_63 = tpu.memref_slice %arg2[%dma_wait3A_61, %dma_wait3A_62] : memref<10000x128xf32, #tpu.memory_space<hbm>> -> memref<10000x128xf32, #tpu.memory_space<hbm>>
      tpu.wait_indirect_dma semaphore(%arg11 : memref<!tpu.dma_semaphore, #tpu.memory_space<semaphore_mem>>) src(%dma_wait3A_63 : memref<10000x128xf32, #tpu.memory_space<hbm>>) dst(%arg9 : memref<128x128xf32, #tpu.memory_space<vmem>>)
      "tpu.region"() ({
        %run_scoped3A_82 = tpu.sem_alloc : memref<!tpu.dma_semaphore, #tpu.memory_space<semaphore_mem>>
        %dma_start3A_83 = arith.constant 0 : i32
        %dma_start3A_84 = tpu.memref_slice %arg8[%mul3A_50, %dma_start3A_83] : memref<41x128xi32, #tpu.memory_space<vmem>> -> memref<1x128xi32, #tpu.memory_space<vmem>>
        %dma_start3A_85 = tpu.memref_squeeze %dma_start3A_84 : memref<1x128xi32, #tpu.memory_space<vmem>> -> memref<128xi32, #tpu.memory_space<vmem>>
        %dma_start3A_86 = arith.constant 0 : i32
        %dma_start3A_87 = arith.constant 0 : i32
        %dma_start3A_88 = tpu.memref_slice %arg13[%dma_start3A_86, %dma_start3A_87] : memref<10112x128xf32, #tpu.memory_space<vmem_shared>> -> memref<10112x128xf32, #tpu.memory_space<vmem_shared>>
        tpu.enqueue_indirect_dma source(%arg9 : memref<128x128xf32, #tpu.memory_space<vmem>>) target(%dma_start3A_88 : memref<10112x128xf32, #tpu.memory_space<vmem_shared>>) offsets(%dma_start3A_85 : memref<128xi32, #tpu.memory_space<vmem>>) semaphore(%run_scoped3A_82 : memref<!tpu.dma_semaphore, #tpu.memory_space<semaphore_mem>>) {add = true}
        %dma_wait3A_89 = arith.constant 0 : i32
        %dma_wait3A_90 = tpu.memref_slice %arg8[%mul3A_50, %dma_wait3A_89] : memref<41x128xi32, #tpu.memory_space<vmem>> -> memref<1x128xi32, #tpu.memory_space<vmem>>
        %dma_wait3A_91 = tpu.memref_squeeze %dma_wait3A_90 : memref<1x128xi32, #tpu.memory_space<vmem>> -> memref<128xi32, #tpu.memory_space<vmem>>
        %dma_wait3A_92 = arith.constant 0 : i32
        %dma_wait3A_93 = arith.constant 0 : i32
        %dma_wait3A_94 = tpu.memref_slice %arg13[%dma_wait3A_92, %dma_wait3A_93] : memref<10112x128xf32, #tpu.memory_space<vmem_shared>> -> memref<10112x128xf32, #tpu.memory_space<vmem_shared>>
        tpu.wait_indirect_dma semaphore(%run_scoped3A_82 : memref<!tpu.dma_semaphore, #tpu.memory_space<semaphore_mem>>) src(%arg9 : memref<128x128xf32, #tpu.memory_space<vmem>>) dst(%dma_wait3A_94 : memref<10112x128xf32, #tpu.memory_space<vmem_shared>>)
        tpu.yield
      }) : () -> ()
      %add3A_64 = arith.constant 2 : i32
      %add3A_65 = arith.addi %mul3A_50, %add3A_64 : i32
      %dma_start3A_66 = arith.constant 0 : i32
      %dma_start3A_67 = tpu.memref_slice %arg7[%add3A_65, %dma_start3A_66] : memref<41x128xi32, #tpu.memory_space<vmem>> -> memref<1x128xi32, #tpu.memory_space<vmem>>
      %dma_start3A_68 = tpu.memref_squeeze %dma_start3A_67 : memref<1x128xi32, #tpu.memory_space<vmem>> -> memref<128xi32, #tpu.memory_space<vmem>>
      %dma_start3A_69 = arith.constant 0 : i32
      %dma_start3A_70 = arith.constant 0 : i32
      %dma_start3A_71 = tpu.memref_slice %arg2[%dma_start3A_69, %dma_start3A_70] : memref<10000x128xf32, #tpu.memory_space<hbm>> -> memref<10000x128xf32, #tpu.memory_space<hbm>>
      tpu.enqueue_indirect_dma source(%dma_start3A_71 : memref<10000x128xf32, #tpu.memory_space<hbm>>) target(%arg9 : memref<128x128xf32, #tpu.memory_space<vmem>>) offsets(%dma_start3A_68 : memref<128xi32, #tpu.memory_space<vmem>>) semaphore(%arg11 : memref<!tpu.dma_semaphore, #tpu.memory_space<semaphore_mem>>)
      %add3A_72 = arith.constant 1 : i32
      %add3A_73 = arith.addi %mul3A_50, %add3A_72 : i32
      %dma_wait3A_74 = arith.constant 0 : i32
      %dma_wait3A_75 = tpu.memref_slice %arg7[%add3A_73, %dma_wait3A_74] : memref<41x128xi32, #tpu.memory_space<vmem>> -> memref<1x128xi32, #tpu.memory_space<vmem>>
      %dma_wait3A_76 = tpu.memref_squeeze %dma_wait3A_75 : memref<1x128xi32, #tpu.memory_space<vmem>> -> memref<128xi32, #tpu.memory_space<vmem>>
      %dma_wait3A_77 = arith.constant 0 : i32
      %dma_wait3A_78 = arith.constant 0 : i32
      %dma_wait3A_79 = tpu.memref_slice %arg2[%dma_wait3A_77, %dma_wait3A_78] : memref<10000x128xf32, #tpu.memory_space<hbm>> -> memref<10000x128xf32, #tpu.memory_space<hbm>>
      tpu.wait_indirect_dma semaphore(%arg12 : memref<!tpu.dma_semaphore, #tpu.memory_space<semaphore_mem>>) src(%dma_wait3A_79 : memref<10000x128xf32, #tpu.memory_space<hbm>>) dst(%arg10 : memref<128x128xf32, #tpu.memory_space<vmem>>)
      %add3A_80 = arith.constant 1 : i32
      %add3A_81 = arith.addi %mul3A_50, %add3A_80 : i32
      "tpu.region"() ({
        %run_scoped3A_82 = tpu.sem_alloc : memref<!tpu.dma_semaphore, #tpu.memory_space<semaphore_mem>>
        %dma_start3A_83 = arith.constant 0 : i32
        %dma_start3A_84 = tpu.memref_slice %arg8[%add3A_81, %dma_start3A_83] : memref<41x128xi32, #tpu.memory_space<vmem>> -> memref<1x128xi32, #tpu.memory_space<vmem>>
        %dma_start3A_85 = tpu.memref_squeeze %dma_start3A_84 : memref<1x128xi32, #tpu.memory_space<vmem>> -> memref<128xi32, #tpu.memory_space<vmem>>
        %dma_start3A_86 = arith.constant 0 : i32
        %dma_start3A_87 = arith.constant 0 : i32
        %dma_start3A_88 = tpu.memref_slice %arg13[%dma_start3A_86, %dma_start3A_87] : memref<10112x128xf32, #tpu.memory_space<vmem_shared>> -> memref<10112x128xf32, #tpu.memory_space<vmem_shared>>
        tpu.enqueue_indirect_dma source(%arg10 : memref<128x128xf32, #tpu.memory_space<vmem>>) target(%dma_start3A_88 : memref<10112x128xf32, #tpu.memory_space<vmem_shared>>) offsets(%dma_start3A_85 : memref<128xi32, #tpu.memory_space<vmem>>) semaphore(%run_scoped3A_82 : memref<!tpu.dma_semaphore, #tpu.memory_space<semaphore_mem>>) {add = true}
        %dma_wait3A_89 = arith.constant 0 : i32
        %dma_wait3A_90 = tpu.memref_slice %arg8[%add3A_81, %dma_wait3A_89] : memref<41x128xi32, #tpu.memory_space<vmem>> -> memref<1x128xi32, #tpu.memory_space<vmem>>
        %dma_wait3A_91 = tpu.memref_squeeze %dma_wait3A_90 : memref<1x128xi32, #tpu.memory_space<vmem>> -> memref<128xi32, #tpu.memory_space<vmem>>
        %dma_wait3A_92 = arith.constant 0 : i32
        %dma_wait3A_93 = arith.constant 0 : i32
        %dma_wait3A_94 = tpu.memref_slice %arg13[%dma_wait3A_92, %dma_wait3A_93] : memref<10112x128xf32, #tpu.memory_space<vmem_shared>> -> memref<10112x128xf32, #tpu.memory_space<vmem_shared>>
        tpu.wait_indirect_dma semaphore(%run_scoped3A_82 : memref<!tpu.dma_semaphore, #tpu.memory_space<semaphore_mem>>) src(%arg10 : memref<128x128xf32, #tpu.memory_space<vmem>>) dst(%dma_wait3A_94 : memref<10112x128xf32, #tpu.memory_space<vmem_shared>>)
        tpu.yield
      }) : () -> ()
    }
    %scan3A_14 = arith.constant 20 : i32
    %dma_wait3A = arith.constant 40 : i32
    %dma_wait3A_15 = arith.constant 0 : i32
    %dma_wait3A_16 = tpu.memref_slice %arg7[%dma_wait3A, %dma_wait3A_15] : memref<41x128xi32, #tpu.memory_space<vmem>> -> memref<1x128xi32, #tpu.memory_space<vmem>>
    %dma_wait3A_17 = tpu.memref_squeeze %dma_wait3A_16 : memref<1x128xi32, #tpu.memory_space<vmem>> -> memref<128xi32, #tpu.memory_space<vmem>>
    %dma_wait3A_18 = arith.constant 0 : i32
    %dma_wait3A_19 = arith.constant 0 : i32
    %dma_wait3A_20 = tpu.memref_slice %arg2[%dma_wait3A_18, %dma_wait3A_19] : memref<10000x128xf32, #tpu.memory_space<hbm>> -> memref<10000x128xf32, #tpu.memory_space<hbm>>
    tpu.wait_indirect_dma semaphore(%arg11 : memref<!tpu.dma_semaphore, #tpu.memory_space<semaphore_mem>>) src(%dma_wait3A_20 : memref<10000x128xf32, #tpu.memory_space<hbm>>) dst(%arg9 : memref<128x128xf32, #tpu.memory_space<vmem>>)
    %run_scoped3A_21 = arith.constant 1 : i32
    "tpu.region"() ({
      %run_scoped3A_48 = tpu.sem_alloc : memref<!tpu.dma_semaphore, #tpu.memory_space<semaphore_mem>>
      %dma_start3A_49 = arith.constant 0 : i32
      %dma_start3A_50 = arith.constant 0 : i32
      %dma_start3A_51 = tpu.memref_slice %arg3[%arg0, %arg1, %run_scoped3A_21, %dma_start3A_49, %dma_start3A_50] : memref<2x16x2x41x128xi32, #tpu.memory_space<hbm>> -> memref<1x1x1x41x128xi32, #tpu.memory_space<hbm>>
      %dma_start3A_52 = tpu.memref_squeeze %dma_start3A_51 : memref<1x1x1x41x128xi32, #tpu.memory_space<hbm>> -> memref<41x128xi32, #tpu.memory_space<hbm>>
      %dma_start3A_53 = arith.constant 0 : i32
      %dma_start3A_54 = arith.constant 0 : i32
      %dma_start3A_55 = tpu.memref_slice %arg3[%arg0, %arg1, %run_scoped3A_21, %dma_start3A_53, %dma_start3A_54] : memref<2x16x2x41x128xi32, #tpu.memory_space<hbm>> -> memref<1x1x1x41x128xi32, #tpu.memory_space<hbm>>
      %dma_start3A_56 = tpu.memref_squeeze %dma_start3A_55 : memref<1x1x1x41x128xi32, #tpu.memory_space<hbm>> -> memref<41x128xi32, #tpu.memory_space<hbm>>
      tpu.enqueue_dma source(%dma_start3A_56 : memref<41x128xi32, #tpu.memory_space<hbm>>) target(%arg7 : memref<41x128xi32, #tpu.memory_space<vmem>>) target_semaphore(%run_scoped3A_48 : memref<!tpu.dma_semaphore, #tpu.memory_space<semaphore_mem>>)
      %dma_wait3A_57 = arith.constant 0 : i32
      %dma_wait3A_58 = arith.constant 0 : i32
      %dma_wait3A_59 = tpu.memref_slice %arg3[%arg0, %arg1, %run_scoped3A_21, %dma_wait3A_57, %dma_wait3A_58] : memref<2x16x2x41x128xi32, #tpu.memory_space<hbm>> -> memref<1x1x1x41x128xi32, #tpu.memory_space<hbm>>
      %dma_wait3A_60 = tpu.memref_squeeze %dma_wait3A_59 : memref<1x1x1x41x128xi32, #tpu.memory_space<hbm>> -> memref<41x128xi32, #tpu.memory_space<hbm>>
      %dma_wait3A_61 = arith.constant 0 : i32
      %dma_wait3A_62 = arith.constant 0 : i32
      %dma_wait3A_63 = tpu.memref_slice %arg3[%arg0, %arg1, %run_scoped3A_21, %dma_wait3A_61, %dma_wait3A_62] : memref<2x16x2x41x128xi32, #tpu.memory_space<hbm>> -> memref<1x1x1x41x128xi32, #tpu.memory_space<hbm>>
      %dma_wait3A_64 = tpu.memref_squeeze %dma_wait3A_63 : memref<1x1x1x41x128xi32, #tpu.memory_space<hbm>> -> memref<41x128xi32, #tpu.memory_space<hbm>>
      tpu.wait_dma2 semaphore(%run_scoped3A_48 : memref<!tpu.dma_semaphore, #tpu.memory_space<semaphore_mem>>) src(%dma_wait3A_64 : memref<41x128xi32, #tpu.memory_space<hbm>>) dst(%arg7 : memref<41x128xi32, #tpu.memory_space<vmem>>)
      tpu.yield
    }) : () -> ()
    %run_scoped3A_22 = arith.constant 1 : i32
    "tpu.region"() ({
      %run_scoped3A_48 = tpu.sem_alloc : memref<!tpu.dma_semaphore, #tpu.memory_space<semaphore_mem>>
      %dma_start3A_49 = arith.constant 0 : i32
      %dma_start3A_50 = arith.constant 0 : i32
      %dma_start3A_51 = tpu.memref_slice %arg4[%arg0, %arg1, %run_scoped3A_22, %dma_start3A_49, %dma_start3A_50] : memref<2x16x2x41x128xi32, #tpu.memory_space<hbm>> -> memref<1x1x1x41x128xi32, #tpu.memory_space<hbm>>
      %dma_start3A_52 = tpu.memref_squeeze %dma_start3A_51 : memref<1x1x1x41x128xi32, #tpu.memory_space<hbm>> -> memref<41x128xi32, #tpu.memory_space<hbm>>
      %dma_start3A_53 = arith.constant 0 : i32
      %dma_start3A_54 = arith.constant 0 : i32
      %dma_start3A_55 = tpu.memref_slice %arg4[%arg0, %arg1, %run_scoped3A_22, %dma_start3A_53, %dma_start3A_54] : memref<2x16x2x41x128xi32, #tpu.memory_space<hbm>> -> memref<1x1x1x41x128xi32, #tpu.memory_space<hbm>>
      %dma_start3A_56 = tpu.memref_squeeze %dma_start3A_55 : memref<1x1x1x41x128xi32, #tpu.memory_space<hbm>> -> memref<41x128xi32, #tpu.memory_space<hbm>>
      tpu.enqueue_dma source(%dma_start3A_56 : memref<41x128xi32, #tpu.memory_space<hbm>>) target(%arg8 : memref<41x128xi32, #tpu.memory_space<vmem>>) target_semaphore(%run_scoped3A_48 : memref<!tpu.dma_semaphore, #tpu.memory_space<semaphore_mem>>)
      %dma_wait3A_57 = arith.constant 0 : i32
      %dma_wait3A_58 = arith.constant 0 : i32
      %dma_wait3A_59 = tpu.memref_slice %arg4[%arg0, %arg1, %run_scoped3A_22, %dma_wait3A_57, %dma_wait3A_58] : memref<2x16x2x41x128xi32, #tpu.memory_space<hbm>> -> memref<1x1x1x41x128xi32, #tpu.memory_space<hbm>>
      %dma_wait3A_60 = tpu.memref_squeeze %dma_wait3A_59 : memref<1x1x1x41x128xi32, #tpu.memory_space<hbm>> -> memref<41x128xi32, #tpu.memory_space<hbm>>
      %dma_wait3A_61 = arith.constant 0 : i32
      %dma_wait3A_62 = arith.constant 0 : i32
      %dma_wait3A_63 = tpu.memref_slice %arg4[%arg0, %arg1, %run_scoped3A_22, %dma_wait3A_61, %dma_wait3A_62] : memref<2x16x2x41x128xi32, #tpu.memory_space<hbm>> -> memref<1x1x1x41x128xi32, #tpu.memory_space<hbm>>
      %dma_wait3A_64 = tpu.memref_squeeze %dma_wait3A_63 : memref<1x1x1x41x128xi32, #tpu.memory_space<hbm>> -> memref<41x128xi32, #tpu.memory_space<hbm>>
      tpu.wait_dma2 semaphore(%run_scoped3A_48 : memref<!tpu.dma_semaphore, #tpu.memory_space<semaphore_mem>>) src(%dma_wait3A_64 : memref<41x128xi32, #tpu.memory_space<hbm>>) dst(%arg8 : memref<41x128xi32, #tpu.memory_space<vmem>>)
      tpu.yield
    }) : () -> ()
    %dma_start3A_23 = arith.constant 0 : i32
    %dma_start3A_24 = arith.constant 0 : i32
    %dma_start3A_25 = tpu.memref_slice %arg7[%dma_start3A_23, %dma_start3A_24] : memref<41x128xi32, #tpu.memory_space<vmem>> -> memref<1x128xi32, #tpu.memory_space<vmem>>
    %dma_start3A_26 = tpu.memref_squeeze %dma_start3A_25 : memref<1x128xi32, #tpu.memory_space<vmem>> -> memref<128xi32, #tpu.memory_space<vmem>>
    %dma_start3A_27 = arith.constant 0 : i32
    %dma_start3A_28 = arith.constant 0 : i32
    %dma_start3A_29 = tpu.memref_slice %arg2[%dma_start3A_27, %dma_start3A_28] : memref<10000x128xf32, #tpu.memory_space<hbm>> -> memref<10000x128xf32, #tpu.memory_space<hbm>>
    tpu.enqueue_indirect_dma source(%dma_start3A_29 : memref<10000x128xf32, #tpu.memory_space<hbm>>) target(%arg9 : memref<128x128xf32, #tpu.memory_space<vmem>>) offsets(%dma_start3A_26 : memref<128xi32, #tpu.memory_space<vmem>>) semaphore(%arg11 : memref<!tpu.dma_semaphore, #tpu.memory_space<semaphore_mem>>)
    %scan3A_30 = arith.constant 0 : i32
    %scan3A_31 = arith.constant 0 : i32
    %scan3A_32 = arith.constant 20 : i32
    %scan3A_33 = arith.addi %scan3A_31, %scan3A_32 : i32
    %scan3A_34 = arith.constant 1 : i32
    scf.for %scan3A_48 = %scan3A_31 to %scan3A_33 step %scan3A_34  : i32 {
      %mul3A_49 = arith.constant 2 : i32
      %mul3A_50 = arith.muli %mul3A_49, %scan3A_48 : i32
      %add3A = arith.constant 1 : i32
      %add3A_51 = arith.addi %mul3A_50, %add3A : i32
      %dma_start3A_52 = arith.constant 0 : i32
      %dma_start3A_53 = tpu.memref_slice %arg7[%add3A_51, %dma_start3A_52] : memref<41x128xi32, #tpu.memory_space<vmem>> -> memref<1x128xi32, #tpu.memory_space<vmem>>
      %dma_start3A_54 = tpu.memref_squeeze %dma_start3A_53 : memref<1x128xi32, #tpu.memory_space<vmem>> -> memref<128xi32, #tpu.memory_space<vmem>>
      %dma_start3A_55 = arith.constant 0 : i32
      %dma_start3A_56 = arith.constant 0 : i32
      %dma_start3A_57 = tpu.memref_slice %arg2[%dma_start3A_55, %dma_start3A_56] : memref<10000x128xf32, #tpu.memory_space<hbm>> -> memref<10000x128xf32, #tpu.memory_space<hbm>>
      tpu.enqueue_indirect_dma source(%dma_start3A_57 : memref<10000x128xf32, #tpu.memory_space<hbm>>) target(%arg10 : memref<128x128xf32, #tpu.memory_space<vmem>>) offsets(%dma_start3A_54 : memref<128xi32, #tpu.memory_space<vmem>>) semaphore(%arg12 : memref<!tpu.dma_semaphore, #tpu.memory_space<semaphore_mem>>)
      %dma_wait3A_58 = arith.constant 0 : i32
      %dma_wait3A_59 = tpu.memref_slice %arg7[%mul3A_50, %dma_wait3A_58] : memref<41x128xi32, #tpu.memory_space<vmem>> -> memref<1x128xi32, #tpu.memory_space<vmem>>
      %dma_wait3A_60 = tpu.memref_squeeze %dma_wait3A_59 : memref<1x128xi32, #tpu.memory_space<vmem>> -> memref<128xi32, #tpu.memory_space<vmem>>
      %dma_wait3A_61 = arith.constant 0 : i32
      %dma_wait3A_62 = arith.constant 0 : i32
      %dma_wait3A_63 = tpu.memref_slice %arg2[%dma_wait3A_61, %dma_wait3A_62] : memref<10000x128xf32, #tpu.memory_space<hbm>> -> memref<10000x128xf32, #tpu.memory_space<hbm>>
      tpu.wait_indirect_dma semaphore(%arg11 : memref<!tpu.dma_semaphore, #tpu.memory_space<semaphore_mem>>) src(%dma_wait3A_63 : memref<10000x128xf32, #tpu.memory_space<hbm>>) dst(%arg9 : memref<128x128xf32, #tpu.memory_space<vmem>>)
      "tpu.region"() ({
        %run_scoped3A_82 = tpu.sem_alloc : memref<!tpu.dma_semaphore, #tpu.memory_space<semaphore_mem>>
        %dma_start3A_83 = arith.constant 0 : i32
        %dma_start3A_84 = tpu.memref_slice %arg8[%mul3A_50, %dma_start3A_83] : memref<41x128xi32, #tpu.memory_space<vmem>> -> memref<1x128xi32, #tpu.memory_space<vmem>>
        %dma_start3A_85 = tpu.memref_squeeze %dma_start3A_84 : memref<1x128xi32, #tpu.memory_space<vmem>> -> memref<128xi32, #tpu.memory_space<vmem>>
        %dma_start3A_86 = arith.constant 0 : i32
        %dma_start3A_87 = arith.constant 0 : i32
        %dma_start3A_88 = tpu.memref_slice %arg13[%dma_start3A_86, %dma_start3A_87] : memref<10112x128xf32, #tpu.memory_space<vmem_shared>> -> memref<10112x128xf32, #tpu.memory_space<vmem_shared>>
        tpu.enqueue_indirect_dma source(%arg9 : memref<128x128xf32, #tpu.memory_space<vmem>>) target(%dma_start3A_88 : memref<10112x128xf32, #tpu.memory_space<vmem_shared>>) offsets(%dma_start3A_85 : memref<128xi32, #tpu.memory_space<vmem>>) semaphore(%run_scoped3A_82 : memref<!tpu.dma_semaphore, #tpu.memory_space<semaphore_mem>>) {add = true}
        %dma_wait3A_89 = arith.constant 0 : i32
        %dma_wait3A_90 = tpu.memref_slice %arg8[%mul3A_50, %dma_wait3A_89] : memref<41x128xi32, #tpu.memory_space<vmem>> -> memref<1x128xi32, #tpu.memory_space<vmem>>
        %dma_wait3A_91 = tpu.memref_squeeze %dma_wait3A_90 : memref<1x128xi32, #tpu.memory_space<vmem>> -> memref<128xi32, #tpu.memory_space<vmem>>
        %dma_wait3A_92 = arith.constant 0 : i32
        %dma_wait3A_93 = arith.constant 0 : i32
        %dma_wait3A_94 = tpu.memref_slice %arg13[%dma_wait3A_92, %dma_wait3A_93] : memref<10112x128xf32, #tpu.memory_space<vmem_shared>> -> memref<10112x128xf32, #tpu.memory_space<vmem_shared>>
        tpu.wait_indirect_dma semaphore(%run_scoped3A_82 : memref<!tpu.dma_semaphore, #tpu.memory_space<semaphore_mem>>) src(%arg9 : memref<128x128xf32, #tpu.memory_space<vmem>>) dst(%dma_wait3A_94 : memref<10112x128xf32, #tpu.memory_space<vmem_shared>>)
        tpu.yield
      }) : () -> ()
      %add3A_64 = arith.constant 2 : i32
      %add3A_65 = arith.addi %mul3A_50, %add3A_64 : i32
      %dma_start3A_66 = arith.constant 0 : i32
      %dma_start3A_67 = tpu.memref_slice %arg7[%add3A_65, %dma_start3A_66] : memref<41x128xi32, #tpu.memory_space<vmem>> -> memref<1x128xi32, #tpu.memory_space<vmem>>
      %dma_start3A_68 = tpu.memref_squeeze %dma_start3A_67 : memref<1x128xi32, #tpu.memory_space<vmem>> -> memref<128xi32, #tpu.memory_space<vmem>>
      %dma_start3A_69 = arith.constant 0 : i32
      %dma_start3A_70 = arith.constant 0 : i32
      %dma_start3A_71 = tpu.memref_slice %arg2[%dma_start3A_69, %dma_start3A_70] : memref<10000x128xf32, #tpu.memory_space<hbm>> -> memref<10000x128xf32, #tpu.memory_space<hbm>>
      tpu.enqueue_indirect_dma source(%dma_start3A_71 : memref<10000x128xf32, #tpu.memory_space<hbm>>) target(%arg9 : memref<128x128xf32, #tpu.memory_space<vmem>>) offsets(%dma_start3A_68 : memref<128xi32, #tpu.memory_space<vmem>>) semaphore(%arg11 : memref<!tpu.dma_semaphore, #tpu.memory_space<semaphore_mem>>)
      %add3A_72 = arith.constant 1 : i32
      %add3A_73 = arith.addi %mul3A_50, %add3A_72 : i32
      %dma_wait3A_74 = arith.constant 0 : i32
      %dma_wait3A_75 = tpu.memref_slice %arg7[%add3A_73, %dma_wait3A_74] : memref<41x128xi32, #tpu.memory_space<vmem>> -> memref<1x128xi32, #tpu.memory_space<vmem>>
      %dma_wait3A_76 = tpu.memref_squeeze %dma_wait3A_75 : memref<1x128xi32, #tpu.memory_space<vmem>> -> memref<128xi32, #tpu.memory_space<vmem>>
      %dma_wait3A_77 = arith.constant 0 : i32
      %dma_wait3A_78 = arith.constant 0 : i32
      %dma_wait3A_79 = tpu.memref_slice %arg2[%dma_wait3A_77, %dma_wait3A_78] : memref<10000x128xf32, #tpu.memory_space<hbm>> -> memref<10000x128xf32, #tpu.memory_space<hbm>>
      tpu.wait_indirect_dma semaphore(%arg12 : memref<!tpu.dma_semaphore, #tpu.memory_space<semaphore_mem>>) src(%dma_wait3A_79 : memref<10000x128xf32, #tpu.memory_space<hbm>>) dst(%arg10 : memref<128x128xf32, #tpu.memory_space<vmem>>)
      %add3A_80 = arith.constant 1 : i32
      %add3A_81 = arith.addi %mul3A_50, %add3A_80 : i32
      "tpu.region"() ({
        %run_scoped3A_82 = tpu.sem_alloc : memref<!tpu.dma_semaphore, #tpu.memory_space<semaphore_mem>>
        %dma_start3A_83 = arith.constant 0 : i32
        %dma_start3A_84 = tpu.memref_slice %arg8[%add3A_81, %dma_start3A_83] : memref<41x128xi32, #tpu.memory_space<vmem>> -> memref<1x128xi32, #tpu.memory_space<vmem>>
        %dma_start3A_85 = tpu.memref_squeeze %dma_start3A_84 : memref<1x128xi32, #tpu.memory_space<vmem>> -> memref<128xi32, #tpu.memory_space<vmem>>
        %dma_start3A_86 = arith.constant 0 : i32
        %dma_start3A_87 = arith.constant 0 : i32
        %dma_start3A_88 = tpu.memref_slice %arg13[%dma_start3A_86, %dma_start3A_87] : memref<10112x128xf32, #tpu.memory_space<vmem_shared>> -> memref<10112x128xf32, #tpu.memory_space<vmem_shared>>
        tpu.enqueue_indirect_dma source(%arg10 : memref<128x128xf32, #tpu.memory_space<vmem>>) target(%dma_start3A_88 : memref<10112x128xf32, #tpu.memory_space<vmem_shared>>) offsets(%dma_start3A_85 : memref<128xi32, #tpu.memory_space<vmem>>) semaphore(%run_scoped3A_82 : memref<!tpu.dma_semaphore, #tpu.memory_space<semaphore_mem>>) {add = true}
        %dma_wait3A_89 = arith.constant 0 : i32
        %dma_wait3A_90 = tpu.memref_slice %arg8[%add3A_81, %dma_wait3A_89] : memref<41x128xi32, #tpu.memory_space<vmem>> -> memref<1x128xi32, #tpu.memory_space<vmem>>
        %dma_wait3A_91 = tpu.memref_squeeze %dma_wait3A_90 : memref<1x128xi32, #tpu.memory_space<vmem>> -> memref<128xi32, #tpu.memory_space<vmem>>
        %dma_wait3A_92 = arith.constant 0 : i32
        %dma_wait3A_93 = arith.constant 0 : i32
        %dma_wait3A_94 = tpu.memref_slice %arg13[%dma_wait3A_92, %dma_wait3A_93] : memref<10112x128xf32, #tpu.memory_space<vmem_shared>> -> memref<10112x128xf32, #tpu.memory_space<vmem_shared>>
        tpu.wait_indirect_dma semaphore(%run_scoped3A_82 : memref<!tpu.dma_semaphore, #tpu.memory_space<semaphore_mem>>) src(%arg10 : memref<128x128xf32, #tpu.memory_space<vmem>>) dst(%dma_wait3A_94 : memref<10112x128xf32, #tpu.memory_space<vmem_shared>>)
        tpu.yield
      }) : () -> ()
    }
    %scan3A_35 = arith.constant 20 : i32
    %dma_wait3A_36 = arith.constant 40 : i32
    %dma_wait3A_37 = arith.constant 0 : i32
    %dma_wait3A_38 = tpu.memref_slice %arg7[%dma_wait3A_36, %dma_wait3A_37] : memref<41x128xi32, #tpu.memory_space<vmem>> -> memref<1x128xi32, #tpu.memory_space<vmem>>
    %dma_wait3A_39 = tpu.memref_squeeze %dma_wait3A_38 : memref<1x128xi32, #tpu.memory_space<vmem>> -> memref<128xi32, #tpu.memory_space<vmem>>
    %dma_wait3A_40 = arith.constant 0 : i32
    %dma_wait3A_41 = arith.constant 0 : i32
    %dma_wait3A_42 = tpu.memref_slice %arg2[%dma_wait3A_40, %dma_wait3A_41] : memref<10000x128xf32, #tpu.memory_space<hbm>> -> memref<10000x128xf32, #tpu.memory_space<hbm>>
    tpu.wait_indirect_dma semaphore(%arg11 : memref<!tpu.dma_semaphore, #tpu.memory_space<semaphore_mem>>) src(%dma_wait3A_42 : memref<10000x128xf32, #tpu.memory_space<hbm>>) dst(%arg9 : memref<128x128xf32, #tpu.memory_space<vmem>>)
    %barrier3A_43 = arith.constant 0 : index
    tpu.barrier barrier_id(%barrier3A_43)
    %mul3A_44 = arith.constant 632 : i32
    %mul3A_45 = arith.muli %arg1, %mul3A_44 : i32
    %mul3A_46 = arith.constant 632 : i32
    %mul3A_47 = arith.muli %arg1, %mul3A_46 : i32
    "tpu.region"() ({
      %run_scoped3A_48 = tpu.sem_alloc : memref<!tpu.dma_semaphore, #tpu.memory_space<semaphore_mem>>
      %dma_start3A_49 = arith.constant 0 : i32
      %dma_start3A_50 = tpu.memref_slice %arg6[%arg0, %mul3A_47, %dma_start3A_49] : memref<2x10112x128xf32, #tpu.memory_space<hbm>> -> memref<1x632x128xf32, #tpu.memory_space<hbm>>
      %dma_start3A_51 = tpu.memref_squeeze %dma_start3A_50 : memref<1x632x128xf32, #tpu.memory_space<hbm>> -> memref<632x128xf32, #tpu.memory_space<hbm>>
      %dma_start3A_52 = arith.constant 0 : i32
      %dma_start3A_53 = tpu.memref_slice %arg13[%mul3A_45, %dma_start3A_52] : memref<10112x128xf32, #tpu.memory_space<vmem_shared>> -> memref<632x128xf32, #tpu.memory_space<vmem_shared>>
      tpu.enqueue_dma source(%dma_start3A_53 : memref<632x128xf32, #tpu.memory_space<vmem_shared>>) target(%dma_start3A_51 : memref<632x128xf32, #tpu.memory_space<hbm>>) target_semaphore(%run_scoped3A_48 : memref<!tpu.dma_semaphore, #tpu.memory_space<semaphore_mem>>)
      %dma_wait3A_54 = arith.constant 0 : i32
      %dma_wait3A_55 = tpu.memref_slice %arg6[%arg0, %mul3A_47, %dma_wait3A_54] : memref<2x10112x128xf32, #tpu.memory_space<hbm>> -> memref<1x632x128xf32, #tpu.memory_space<hbm>>
      %dma_wait3A_56 = tpu.memref_squeeze %dma_wait3A_55 : memref<1x632x128xf32, #tpu.memory_space<hbm>> -> memref<632x128xf32, #tpu.memory_space<hbm>>
      %dma_wait3A_57 = arith.constant 0 : i32
      %dma_wait3A_58 = tpu.memref_slice %arg13[%mul3A_45, %dma_wait3A_57] : memref<10112x128xf32, #tpu.memory_space<vmem_shared>> -> memref<632x128xf32, #tpu.memory_space<vmem_shared>>
      tpu.wait_dma2 semaphore(%run_scoped3A_48 : memref<!tpu.dma_semaphore, #tpu.memory_space<semaphore_mem>>) src(%dma_wait3A_58 : memref<632x128xf32, #tpu.memory_space<vmem_shared>>) dst(%dma_wait3A_56 : memref<632x128xf32, #tpu.memory_space<hbm>>)
      tpu.yield
    }) : () -> ()
    return
  }
}

module attributes {stable_mosaic.version = 14 : i64} {
  func.func @_tc_s_body(%arg0: i32, %arg1: memref<2000x128xf32, #tpu.memory_space<vmem>>, %arg2: memref<128x128xf32, #tpu.memory_space<vmem>>, %arg3: memref<1x128xf32, #tpu.memory_space<vmem>>, %arg4: memref<2000x128xf32, #tpu.memory_space<vmem>>) attributes {dimension_semantics = [#tpu.dimension_semantics<arbitrary>], iteration_bounds = array<i64: 5>, scalar_prefetch = 0 : i64, scratch_operands = 0 : i64, tpu.core_type = #tpu.core_type<tc>, window_params = [{transform_indices = @transform_0, window_bounds = array<i64: 2000, 128>}, {pipeline_mode = #tpu.pipeline_mode<synchronous>, transform_indices = @transform_1, window_bounds = array<i64: 128, 128>}, {pipeline_mode = #tpu.pipeline_mode<synchronous>, transform_indices = @transform_2, window_bounds = array<i64: 1, 128>}, {transform_indices = @transform_3, window_bounds = array<i64: 2000, 128>}]} {
    %get3A = arith.constant 0 : index
    %get3A_0 = arith.constant 0 : index
    %get3A_1 = vector.load %arg1[%get3A, %get3A_0] : memref<2000x128xf32, #tpu.memory_space<vmem>>, vector<2000x128xf32>
    %get3A_2 = arith.constant 0 : index
    %get3A_3 = arith.constant 0 : index
    %get3A_4 = vector.load %arg2[%get3A_2, %get3A_3] : memref<128x128xf32, #tpu.memory_space<vmem>>, vector<128x128xf32>
    %dot_general3A = arith.constant dense<0.000000e+00> : vector<2000x128xf32>
    %dot_general3A_5 = tpu.matmul %get3A_1, %get3A_4, %dot_general3A {dimension_numbers = #tpu.dot_dimension_numbers<[1], [0], [0], [1], [0, 0, 1, 1], [], []>, transpose_lhs_hint = false} : vector<2000x128xf32>, vector<128x128xf32>, vector<2000x128xf32> -> vector<2000x128xf32>
    %get3A_6 = arith.constant 0 : index
    %get3A_7 = arith.constant 0 : index
    %get3A_8 = vector.load %arg3[%get3A_6, %get3A_7] : memref<1x128xf32, #tpu.memory_space<vmem>>, vector<1x128xf32>
    %add3A = vector.broadcast %get3A_8 : vector<1x128xf32> to vector<2000x128xf32>
    %add3A_9 = arith.addf %dot_general3A_5, %add3A : vector<2000x128xf32>
    %swap3A = arith.constant 0 : index
    %swap3A_10 = arith.constant 0 : index
    %swap3A_11 = vector.load %arg4[%swap3A, %swap3A_10] : memref<2000x128xf32, #tpu.memory_space<vmem>>, vector<2000x128xf32>
    tpu.vector_store %arg4[%swap3A, %swap3A_10], %add3A_9 {strides = array<i32>} : memref<2000x128xf32, #tpu.memory_space<vmem>>, vector<2000x128xf32>,
    return
  }
  func.func @transform_0(%arg0: i32) -> (i32, i32) {
    %c0_i32 = arith.constant 0 : i32
    %c0_i32_0 = arith.constant 0 : i32
    return %arg0, %c0_i32 : i32, i32
  }
  func.func @transform_1(%arg0: i32) -> (i32, i32) {
    %c0_i32 = arith.constant 0 : i32
    %c0_i32_0 = arith.constant 0 : i32
    %c0_i32_1 = arith.constant 0 : i32
    return %c0_i32, %c0_i32_0 : i32, i32
  }
  func.func @transform_2(%arg0: i32) -> (i32, i32) {
    %c0_i32 = arith.constant 0 : i32
    %c0_i32_0 = arith.constant 0 : i32
    %c0_i32_1 = arith.constant 0 : i32
    return %c0_i32, %c0_i32_0 : i32, i32
  }
  func.func @transform_3(%arg0: i32) -> (i32, i32) {
    %c0_i32 = arith.constant 0 : i32
    %c0_i32_0 = arith.constant 0 : i32
    return %arg0, %c0_i32 : i32, i32
  }
}

module attributes {stable_mosaic.version = 14 : i64} {
  func.func @_tc_invd_body(%arg0: memref<2x10112x128xf32, #tpu.memory_space<vmem>>, %arg1: memref<10000x1xf32, #tpu.memory_space<vmem>>) attributes {dimension_semantics = [], scalar_prefetch = 0 : i64, scratch_operands = 0 : i64, tpu.core_type = #tpu.core_type<tc>} {
    %get3A = arith.constant 0 : index
    %get3A_0 = arith.constant 0 : index
    %get3A_1 = arith.constant 0 : index
    %get3A_2 = vector.load %arg0[%get3A, %get3A_0, %get3A_1] : memref<2x10112x128xf32, #tpu.memory_space<vmem>>, vector<1x10000x1xf32>
    %get3A_3 = vector.shape_cast %get3A_2 : vector<1x10000x1xf32> to vector<10000x1xf32>
    %get3A_4 = arith.constant 1 : index
    %get3A_5 = arith.constant 0 : index
    %get3A_6 = arith.constant 0 : index
    %get3A_7 = vector.load %arg0[%get3A_4, %get3A_5, %get3A_6] : memref<2x10112x128xf32, #tpu.memory_space<vmem>>, vector<1x10000x1xf32>
    %get3A_8 = vector.shape_cast %get3A_7 : vector<1x10000x1xf32> to vector<10000x1xf32>
    %add3A = arith.addf %get3A_3, %get3A_8 : vector<10000x1xf32>
    %max3A = arith.constant 1.000000e+00 : f32
    %max3A_9 = vector.broadcast %max3A : f32 to vector<10000x1xf32>
    %max3A_10 = arith.maximumf %add3A, %max3A_9 : vector<10000x1xf32>
    %div3A = arith.constant 1.000000e+00 : f32
    %div3A_11 = vector.broadcast %div3A : f32 to vector<10000x1xf32>
    %div3A_12 = arith.divf %div3A_11, %max3A_10 : vector<10000x1xf32>
    %swap3A = arith.constant 0 : index
    %swap3A_13 = arith.constant 0 : index
    %swap3A_14 = vector.load %arg1[%swap3A, %swap3A_13] : memref<10000x1xf32, #tpu.memory_space<vmem>>, vector<10000x1xf32>
    tpu.vector_store %arg1[%swap3A, %swap3A_13], %div3A_12 {strides = array<i32>} : memref<10000x1xf32, #tpu.memory_space<vmem>>, vector<10000x1xf32>,
    return
  }
}

module attributes {stable_mosaic.version = 14 : i64} {
  func.func @_tc_zbn_body(%arg0: memref<10000x128xf32, #tpu.memory_space<vmem>>, %arg1: memref<2x10112x128xf32, #tpu.memory_space<vmem>>, %arg2: memref<10000x1xf32, #tpu.memory_space<vmem>>, %arg3: memref<128x128xf32, #tpu.memory_space<vmem>>, %arg4: memref<1x128xf32, #tpu.memory_space<vmem>>, %arg5: memref<1x128xf32, #tpu.memory_space<vmem>>, %arg6: memref<10000x128xf32, #tpu.memory_space<vmem>>) attributes {dimension_semantics = [], scalar_prefetch = 0 : i64, scratch_operands = 0 : i64, tpu.core_type = #tpu.core_type<tc>} {
    %get3A = arith.constant 0 : index
    %get3A_0 = arith.constant 0 : index
    %get3A_1 = arith.constant 0 : index
    %get3A_2 = vector.load %arg1[%get3A, %get3A_0, %get3A_1] : memref<2x10112x128xf32, #tpu.memory_space<vmem>>, vector<1x10000x128xf32>
    %get3A_3 = vector.shape_cast %get3A_2 : vector<1x10000x128xf32> to vector<10000x128xf32>
    %get3A_4 = arith.constant 1 : index
    %get3A_5 = arith.constant 0 : index
    %get3A_6 = arith.constant 0 : index
    %get3A_7 = vector.load %arg1[%get3A_4, %get3A_5, %get3A_6] : memref<2x10112x128xf32, #tpu.memory_space<vmem>>, vector<1x10000x128xf32>
    %get3A_8 = vector.shape_cast %get3A_7 : vector<1x10000x128xf32> to vector<10000x128xf32>
    %add3A = arith.addf %get3A_3, %get3A_8 : vector<10000x128xf32>
    %get3A_9 = arith.constant 0 : index
    %get3A_10 = arith.constant 0 : index
    %get3A_11 = vector.load %arg2[%get3A_9, %get3A_10] : memref<10000x1xf32, #tpu.memory_space<vmem>>, vector<10000x1xf32>
    %mul3A = vector.broadcast %get3A_11 : vector<10000x1xf32> to vector<10000x128xf32>
    %mul3A_12 = arith.mulf %add3A, %mul3A : vector<10000x128xf32>
    %get3A_13 = arith.constant 0 : index
    %get3A_14 = arith.constant 0 : index
    %get3A_15 = vector.load %arg0[%get3A_13, %get3A_14] : memref<10000x128xf32, #tpu.memory_space<vmem>>, vector<10000x128xf32>
    %get3A_16 = arith.constant 0 : index
    %get3A_17 = arith.constant 0 : index
    %get3A_18 = vector.load %arg3[%get3A_16, %get3A_17] : memref<128x128xf32, #tpu.memory_space<vmem>>, vector<128x128xf32>
    %dot_general3A = arith.constant dense<0.000000e+00> : vector<10000x128xf32>
    %dot_general3A_19 = tpu.matmul %mul3A_12, %get3A_18, %dot_general3A {dimension_numbers = #tpu.dot_dimension_numbers<[1], [0], [0], [1], [0, 0, 1, 1], [], []>, transpose_lhs_hint = false} : vector<10000x128xf32>, vector<128x128xf32>, vector<10000x128xf32> -> vector<10000x128xf32>
    %add3A_20 = arith.addf %get3A_15, %dot_general3A_19 : vector<10000x128xf32>
    %get3A_21 = arith.constant 0 : index
    %get3A_22 = arith.constant 0 : index
    %get3A_23 = vector.load %arg4[%get3A_21, %get3A_22] : memref<1x128xf32, #tpu.memory_space<vmem>>, vector<1x128xf32>
    %get3A_24 = arith.constant 0 : index
    %get3A_25 = arith.constant 0 : index
    %get3A_26 = vector.load %arg5[%get3A_24, %get3A_25] : memref<1x128xf32, #tpu.memory_space<vmem>>, vector<1x128xf32>
    %reduce_sum3A = arith.constant dense<0.000000e+00> : vector<128xf32>
    %reduce_sum3A_27 = vector.multi_reduction <add>, %add3A_20, %reduce_sum3A [0] : vector<10000x128xf32> to vector<128xf32>
    %broadcast_in_dim3A = vector.shape_cast %reduce_sum3A_27 : vector<128xf32> to vector<1x128xf32>
    %div3A = arith.constant 1.000000e+04 : f32
    %div3A_28 = vector.broadcast %div3A : f32 to vector<1x128xf32>
    %div3A_29 = arith.divf %broadcast_in_dim3A, %div3A_28 : vector<1x128xf32>
    %sub3A = vector.broadcast %div3A_29 : vector<1x128xf32> to vector<10000x128xf32>
    %sub3A_30 = arith.subf %add3A_20, %sub3A : vector<10000x128xf32>
    %integer_pow3A = arith.mulf %sub3A_30, %sub3A_30 : vector<10000x128xf32>
    %reduce_sum3A_31 = arith.constant dense<0.000000e+00> : vector<128xf32>
    %reduce_sum3A_32 = vector.multi_reduction <add>, %integer_pow3A, %reduce_sum3A_31 [0] : vector<10000x128xf32> to vector<128xf32>
    %broadcast_in_dim3A_33 = vector.shape_cast %reduce_sum3A_32 : vector<128xf32> to vector<1x128xf32>
    %div3A_34 = arith.constant 1.000000e+04 : f32
    %div3A_35 = vector.broadcast %div3A_34 : f32 to vector<1x128xf32>
    %div3A_36 = arith.divf %broadcast_in_dim3A_33, %div3A_35 : vector<1x128xf32>
    %sub3A_37 = vector.broadcast %div3A_29 : vector<1x128xf32> to vector<10000x128xf32>
    %sub3A_38 = arith.subf %add3A_20, %sub3A_37 : vector<10000x128xf32>
    %add3A_39 = arith.constant 9.99999974E-6 : f32
    %add3A_40 = vector.broadcast %add3A_39 : f32 to vector<1x128xf32>
    %add3A_41 = arith.addf %div3A_36, %add3A_40 : vector<1x128xf32>
    %rsqrt3A = math.rsqrt %add3A_41 : vector<1x128xf32>
    %mul3A_42 = vector.broadcast %rsqrt3A : vector<1x128xf32> to vector<10000x128xf32>
    %mul3A_43 = arith.mulf %sub3A_38, %mul3A_42 : vector<10000x128xf32>
    %mul3A_44 = vector.broadcast %get3A_23 : vector<1x128xf32> to vector<10000x128xf32>
    %mul3A_45 = arith.mulf %mul3A_43, %mul3A_44 : vector<10000x128xf32>
    %add3A_46 = vector.broadcast %get3A_26 : vector<1x128xf32> to vector<10000x128xf32>
    %add3A_47 = arith.addf %mul3A_45, %add3A_46 : vector<10000x128xf32>
    %max3A = arith.constant 0.000000e+00 : f32
    %max3A_48 = vector.broadcast %max3A : f32 to vector<10000x128xf32>
    %max3A_49 = arith.maximumf %add3A_47, %max3A_48 : vector<10000x128xf32>
    %swap3A = arith.constant 0 : index
    %swap3A_50 = arith.constant 0 : index
    %swap3A_51 = vector.load %arg6[%swap3A, %swap3A_50] : memref<10000x128xf32, #tpu.memory_space<vmem>>, vector<10000x128xf32>
    tpu.vector_store %arg6[%swap3A, %swap3A_50], %max3A_49 {strides = array<i32>} : memref<10000x128xf32, #tpu.memory_space<vmem>>, vector<10000x128xf32>,
    return
  }
}

module attributes {stable_mosaic.version = 14 : i64} {
  func.func @_tc_zbn_read_body(%arg0: memref<10000x128xf32, #tpu.memory_space<vmem>>, %arg1: memref<2x10112x128xf32, #tpu.memory_space<vmem>>, %arg2: memref<10000x1xf32, #tpu.memory_space<vmem>>, %arg3: memref<128x128xf32, #tpu.memory_space<vmem>>, %arg4: memref<1x128xf32, #tpu.memory_space<vmem>>, %arg5: memref<1x128xf32, #tpu.memory_space<vmem>>, %arg6: memref<128x128xf32, #tpu.memory_space<vmem>>, %arg7: memref<1x128xf32, #tpu.memory_space<vmem>>, %arg8: memref<10000x128xf32, #tpu.memory_space<vmem>>) attributes {dimension_semantics = [], scalar_prefetch = 0 : i64, scratch_operands = 0 : i64, tpu.core_type = #tpu.core_type<tc>} {
    %get3A = arith.constant 0 : index
    %get3A_0 = arith.constant 0 : index
    %get3A_1 = arith.constant 0 : index
    %get3A_2 = vector.load %arg1[%get3A, %get3A_0, %get3A_1] : memref<2x10112x128xf32, #tpu.memory_space<vmem>>, vector<1x10000x128xf32>
    %get3A_3 = vector.shape_cast %get3A_2 : vector<1x10000x128xf32> to vector<10000x128xf32>
    %get3A_4 = arith.constant 1 : index
    %get3A_5 = arith.constant 0 : index
    %get3A_6 = arith.constant 0 : index
    %get3A_7 = vector.load %arg1[%get3A_4, %get3A_5, %get3A_6] : memref<2x10112x128xf32, #tpu.memory_space<vmem>>, vector<1x10000x128xf32>
    %get3A_8 = vector.shape_cast %get3A_7 : vector<1x10000x128xf32> to vector<10000x128xf32>
    %add3A = arith.addf %get3A_3, %get3A_8 : vector<10000x128xf32>
    %get3A_9 = arith.constant 0 : index
    %get3A_10 = arith.constant 0 : index
    %get3A_11 = vector.load %arg2[%get3A_9, %get3A_10] : memref<10000x1xf32, #tpu.memory_space<vmem>>, vector<10000x1xf32>
    %mul3A = vector.broadcast %get3A_11 : vector<10000x1xf32> to vector<10000x128xf32>
    %mul3A_12 = arith.mulf %add3A, %mul3A : vector<10000x128xf32>
    %get3A_13 = arith.constant 0 : index
    %get3A_14 = arith.constant 0 : index
    %get3A_15 = vector.load %arg0[%get3A_13, %get3A_14] : memref<10000x128xf32, #tpu.memory_space<vmem>>, vector<10000x128xf32>
    %get3A_16 = arith.constant 0 : index
    %get3A_17 = arith.constant 0 : index
    %get3A_18 = vector.load %arg3[%get3A_16, %get3A_17] : memref<128x128xf32, #tpu.memory_space<vmem>>, vector<128x128xf32>
    %dot_general3A = arith.constant dense<0.000000e+00> : vector<10000x128xf32>
    %dot_general3A_19 = tpu.matmul %mul3A_12, %get3A_18, %dot_general3A {dimension_numbers = #tpu.dot_dimension_numbers<[1], [0], [0], [1], [0, 0, 1, 1], [], []>, transpose_lhs_hint = false} : vector<10000x128xf32>, vector<128x128xf32>, vector<10000x128xf32> -> vector<10000x128xf32>
    %add3A_20 = arith.addf %get3A_15, %dot_general3A_19 : vector<10000x128xf32>
    %get3A_21 = arith.constant 0 : index
    %get3A_22 = arith.constant 0 : index
    %get3A_23 = vector.load %arg4[%get3A_21, %get3A_22] : memref<1x128xf32, #tpu.memory_space<vmem>>, vector<1x128xf32>
    %get3A_24 = arith.constant 0 : index
    %get3A_25 = arith.constant 0 : index
    %get3A_26 = vector.load %arg5[%get3A_24, %get3A_25] : memref<1x128xf32, #tpu.memory_space<vmem>>, vector<1x128xf32>
    %reduce_sum3A = arith.constant dense<0.000000e+00> : vector<128xf32>
    %reduce_sum3A_27 = vector.multi_reduction <add>, %add3A_20, %reduce_sum3A [0] : vector<10000x128xf32> to vector<128xf32>
    %broadcast_in_dim3A = vector.shape_cast %reduce_sum3A_27 : vector<128xf32> to vector<1x128xf32>
    %div3A = arith.constant 1.000000e+04 : f32
    %div3A_28 = vector.broadcast %div3A : f32 to vector<1x128xf32>
    %div3A_29 = arith.divf %broadcast_in_dim3A, %div3A_28 : vector<1x128xf32>
    %sub3A = vector.broadcast %div3A_29 : vector<1x128xf32> to vector<10000x128xf32>
    %sub3A_30 = arith.subf %add3A_20, %sub3A : vector<10000x128xf32>
    %integer_pow3A = arith.mulf %sub3A_30, %sub3A_30 : vector<10000x128xf32>
    %reduce_sum3A_31 = arith.constant dense<0.000000e+00> : vector<128xf32>
    %reduce_sum3A_32 = vector.multi_reduction <add>, %integer_pow3A, %reduce_sum3A_31 [0] : vector<10000x128xf32> to vector<128xf32>
    %broadcast_in_dim3A_33 = vector.shape_cast %reduce_sum3A_32 : vector<128xf32> to vector<1x128xf32>
    %div3A_34 = arith.constant 1.000000e+04 : f32
    %div3A_35 = vector.broadcast %div3A_34 : f32 to vector<1x128xf32>
    %div3A_36 = arith.divf %broadcast_in_dim3A_33, %div3A_35 : vector<1x128xf32>
    %sub3A_37 = vector.broadcast %div3A_29 : vector<1x128xf32> to vector<10000x128xf32>
    %sub3A_38 = arith.subf %add3A_20, %sub3A_37 : vector<10000x128xf32>
    %add3A_39 = arith.constant 9.99999974E-6 : f32
    %add3A_40 = vector.broadcast %add3A_39 : f32 to vector<1x128xf32>
    %add3A_41 = arith.addf %div3A_36, %add3A_40 : vector<1x128xf32>
    %rsqrt3A = math.rsqrt %add3A_41 : vector<1x128xf32>
    %mul3A_42 = vector.broadcast %rsqrt3A : vector<1x128xf32> to vector<10000x128xf32>
    %mul3A_43 = arith.mulf %sub3A_38, %mul3A_42 : vector<10000x128xf32>
    %mul3A_44 = vector.broadcast %get3A_23 : vector<1x128xf32> to vector<10000x128xf32>
    %mul3A_45 = arith.mulf %mul3A_43, %mul3A_44 : vector<10000x128xf32>
    %add3A_46 = vector.broadcast %get3A_26 : vector<1x128xf32> to vector<10000x128xf32>
    %add3A_47 = arith.addf %mul3A_45, %add3A_46 : vector<10000x128xf32>
    %max3A = arith.constant 0.000000e+00 : f32
    %max3A_48 = vector.broadcast %max3A : f32 to vector<10000x128xf32>
    %max3A_49 = arith.maximumf %add3A_47, %max3A_48 : vector<10000x128xf32>
    %get3A_50 = arith.constant 0 : index
    %get3A_51 = arith.constant 0 : index
    %get3A_52 = vector.load %arg6[%get3A_50, %get3A_51] : memref<128x128xf32, #tpu.memory_space<vmem>>, vector<128x128xf32>
    %dot_general3A_53 = arith.constant dense<0.000000e+00> : vector<10000x128xf32>
    %dot_general3A_54 = tpu.matmul %max3A_49, %get3A_52, %dot_general3A_53 {dimension_numbers = #tpu.dot_dimension_numbers<[1], [0], [0], [1], [0, 0, 1, 1], [], []>, transpose_lhs_hint = false} : vector<10000x128xf32>, vector<128x128xf32>, vector<10000x128xf32> -> vector<10000x128xf32>
    %get3A_55 = arith.constant 0 : index
    %get3A_56 = arith.constant 0 : index
    %get3A_57 = vector.load %arg7[%get3A_55, %get3A_56] : memref<1x128xf32, #tpu.memory_space<vmem>>, vector<1x128xf32>
    %add3A_58 = vector.broadcast %get3A_57 : vector<1x128xf32> to vector<10000x128xf32>
    %add3A_59 = arith.addf %dot_general3A_54, %add3A_58 : vector<10000x128xf32>
    %swap3A = arith.constant 0 : index
    %swap3A_60 = arith.constant 0 : index
    %swap3A_61 = vector.load %arg8[%swap3A, %swap3A_60] : memref<10000x128xf32, #tpu.memory_space<vmem>>, vector<10000x128xf32>
    tpu.vector_store %arg8[%swap3A, %swap3A_60], %add3A_59 {strides = array<i32>} : memref<10000x128xf32, #tpu.memory_space<vmem>>, vector<10000x128xf32>,
    return
  }
}

</mosaic_0001>

<sc_bundles>
// kernel: kernel.16.cloned.1.call-start
scs
__scs_entry_jumppad:
0x0: {  	(pc) =	sbr.rel $0x88, $3  }
0x1: {  	(tag) =	ssettag $0x0;
	lr =	simm.s32 $0x1  }
0x2: {  	[smem:$0x3F8D] =	sst lr;
	_ =	strace $0xD0000000  }
0x3: {  	_ = 	snop  }
0x4: {  	_ = 	snop  }
0x5: {  	_ = 	snop  }
0x6: {  	_ = 	snop  }
0x7: {  	_ = 	snop  }
__scs_overlays_trampoline_lowered:
0x8: {  	[smem:$0x3F9C] =	sst s0  }
0x9: {  	[smem:$0x3F9D] =	sst s1  }
0xa: {  	[smem:$0x3F9E] =	sst s2  }
0xb: {  	[smem:$0x3F9F] =	sst s3  }
0xc: {  	[smem:$0x3FA0] =	sst s4  }
0xd: {  	[smem:$0x3FA1] =	sst s5  }
0xe: {  	[smem:$0x3FA2] =	sst s6  }
0xf: {  	[smem:$0x3FA3] =	sst s7  }
0x10: {  	[smem:$0x3FA4] =	sst s8  }
0x11: {  	[smem:$0x3FA5] =	sst s9;
	s0 =	simm.s32 @!p0 $0x0  }
0x12: {  	s1 =	sld [smem:$0x3F8B];
	s0 =	simm.s32 @p0 $0x1  }
0x13: {  	[smem:$0x3FA6] =	sst s0;
	s0 =	simm.s32 @!p1 $0x0  }
0x14: {  	s2 =	sld [smem:$0x3F8A];
	s0 =	simm.s32 @p1 $0x1  }
0x15: {  	[smem:$0x3FA7] =	sst s0;
	s0 =	simm.s32 @!p2 $0x0  }
0x16: {  	s3 =	sld [smem:$0x3FDB];
	s0 =	simm.s32 @p2 $0x1  }
0x17: {  	s4 =	simm.s32 $0x1BF5;
	[smem:$0x3FA9] =	sst s0  }
0x18: {  	s0 =	sld [smem:$0x3F8C];
	_ =	swait.ge [sflag:s4], $0x0  }
0x19: {  	s7 =	sld [smem:$0x3F8D]  }
0x1a: {  	s8 =	sadd.s32 $0xFFFFE003, lr  }
0x1b: {  	s9 =	sadd.s32 $0xFFFFFEF7, lr;
	s5 =	simm.s32 $0xFFFFFFFF;
	p2 =	slt.u32 s8, $0xFFFFF086  }
0x1c: {  	p1 =	slt.u32 s9, $0xF7A;
	s5 =	simm.s32 @!p2 $0x0  }
0x1d: {  	s5 =	simm.s32 @p1 $0x1;
	p0 =	seq.s32 s7, s2  }
0x1e: {  	s7 =	smul.u32 @!p0 $0xF7A, s2;
	p2 =	seq.s32 @!p0 s5, $0x0  }
0x1f: {  	s9 =	smul.u32 $0xF7A, s1;
	s8 =	simm.s32 @!p0 $0x1BF5;
	p2 =	por !p2, p0  }
0x20: {  	[sflag:s8] =	ssyncset.s32 @!p0 $0xFFFFF086;
	s6 =	sadd.s32 @!p0 s3, s7;
	s7 =	simm.s32 @!p0 $0x108  }
0x21: {  	s3 =	sadd.s32 s3, s9;
	s6 =	sadd.s32 @!p0 $0x88, s6;
	s7 =	simm.s32 @p2 $0x1082  }
0x22: {  	[simem:s7], [sflag:s8] =	dma.local @!p0 [hbm:s6], $0xF7A  }
0x23: {  	s9 =	sor.u32 $0xD0000000, s2;
	s6 =	simm.s32 $0x108;
	_ =	swait.ge @!p0 [sflag:s8], $0x0  }
0x24: {  	s3 =	sadd.s32 $0x88, s3;
	s6 =	simm.s32 @!p1 $0x1082;
	[sflag:s4] =	ssyncset.s32 $0xFFFFF086  }
0x25: {  	[simem:s6], [sflag:s4] =	dma.local [hbm:s3], $0xF7A  }
0x26: {  	[smem:$0x3F8D] =	sst s1;
	(tag) =	ssettag s2;
	_ =	strace s9  }
0x27: {  	s1 =	sld [smem:$0x3F9D]  }
0x28: {  	s2 =	sld [smem:$0x3F9E]  }
0x29: {  	s4 =	sld [smem:$0x3FA0]  }
0x2a: {  	p0 =	seq.s32 s5, $0x0;
	s5 =	sld [smem:$0x3FA1]  }
0x2b: {  	s6 =	sld [smem:$0x3FA2]  }
0x2c: {  	s7 =	sld [smem:$0x3FA3]  }
0x2d: {  	s3 =	simm.s32 $0x108;
	s8 =	sld [smem:$0x3FA4]  }
0x2e: {  	s3 =	simm.s32 @!p0 $0x1082;
	s9 =	sld [smem:$0x3FA5]  }
0x2f: {  	lr =	sadd.s32 s0, s3;
	s0 =	sld [smem:$0x3F9C]  }
0x30: {  	s3 =	sld [smem:$0x3F9F]  }
0x31: {  	[smem:$0x3FA8] =	sst s10  }
0x32: {  	s10 =	sld [smem:$0x3FA6];
	_ =	sdelay $0x3  }
0x33: {  	p0 =	seq.s32 s10, $0x1;
	s10 =	sld [smem:$0x3FA8];
	_ =	sdelay $0x3  }
0x34: {  	[smem:$0x3FA8] =	sst s10  }
0x35: {  	s10 =	sld [smem:$0x3FA7];
	_ =	sdelay $0x3  }
0x36: {  	p1 =	seq.s32 s10, $0x1;
	s10 =	sld [smem:$0x3FA8];
	_ =	sdelay $0x3  }
0x37: {  	[smem:$0x3FA8] =	sst s10  }
0x38: {  	s10 =	sld [smem:$0x3FA9]  }
0x39: {  	_ = 	snop;
	(pc) =	sbr.ind lr, $3  }
0x3a: {  	_ = 	snop  }
0x3b: {  	_ = 	snop  }
0x3c: {  	p2 =	seq.s32 s10, $0x1;
	s10 =	sld [smem:$0x3FA8]  }
0x3d: {  	_ =	shalt  }
0x3e: {  	_ =	shalt  }
0x3f: {  	_ =	shalt  }
0x40: {  	_ =	shalt  }
0x41: {  	_ =	shalt  }
0x42: {  	_ =	shalt  }
0x43: {  	_ =	shalt  }
0x44: {  	_ =	shalt  }
0x45: {  	_ =	shalt  }
0x46: {  	_ =	shalt  }
0x47: {  	_ =	shalt  }
0x48: {  	_ =	shalt  }
0x49: {  	_ =	shalt  }
0x4a: {  	_ =	shalt  }
0x4b: {  	_ =	shalt  }
0x4c: {  	_ =	shalt  }
0x4d: {  	_ =	shalt  }
0x4e: {  	_ =	shalt  }
0x4f: {  	_ =	shalt  }
0x50: {  	_ =	shalt  }
0x51: {  	_ =	shalt  }
0x52: {  	_ =	shalt  }
0x53: {  	_ =	shalt  }
0x54: {  	_ =	shalt  }
0x55: {  	_ =	shalt  }
0x56: {  	_ =	shalt  }
0x57: {  	_ =	shalt  }
0x58: {  	_ =	shalt  }
0x59: {  	_ =	shalt  }
0x5a: {  	_ =	shalt  }
0x5b: {  	_ =	shalt  }
0x5c: {  	_ =	shalt  }
0x5d: {  	_ =	shalt  }
0x5e: {  	_ =	shalt  }
0x5f: {  	_ =	shalt  }
0x60: {  	_ =	shalt  }
0x61: {  	_ =	shalt  }
0x62: {  	_ =	shalt  }
0x63: {  	_ =	shalt  }
0x64: {  	_ =	shalt  }
0x65: {  	_ =	shalt  }
0x66: {  	_ =	shalt  }
0x67: {  	_ =	shalt  }
0x68: {  	_ =	shalt  }
0x69: {  	_ =	shalt  }
0x6a: {  	_ =	shalt  }
0x6b: {  	_ =	shalt  }
0x6c: {  	_ =	shalt  }
0x6d: {  	_ =	shalt  }
0x6e: {  	_ =	shalt  }
0x6f: {  	_ =	shalt  }
0x70: {  	_ =	shalt  }
0x71: {  	_ =	shalt  }
0x72: {  	_ =	shalt  }
0x73: {  	_ =	shalt  }
0x74: {  	_ =	shalt  }
0x75: {  	_ =	shalt  }
0x76: {  	_ =	shalt  }
0x77: {  	_ =	shalt  }
0x78: {  	_ =	shalt  }
0x79: {  	_ =	shalt  }
0x7a: {  	_ =	shalt  }
0x7b: {  	_ =	shalt  }
0x7c: {  	_ =	shalt  }
0x7d: {  	_ =	shalt  }
0x7e: {  	_ =	shalt  }
0x7f: {  	_ =	shalt  }
0x80: {  	_ =	shalt  }
0x81: {  	_ =	shalt  }
0x82: {  	_ =	shalt  }
0x83: {  	_ =	shalt  }
0x84: {  	_ =	shalt  }
0x85: {  	_ =	shalt  }
0x86: {  	_ =	shalt  }
0x87: {  	_ =	shalt  }
.Lfunc_end0:
.L_simem_size_0:
called_computation_lowered:
.L_overlay_start_0:
0x88: {  	s2 =	sld [smem:$0x3FD9]  }
0x89: {  	s3 =	sld [smem:$0x3FFE];
	_ =	sdelay $0x1  }
0x8a: {  	s1 =	srdreg.scid  }
0x8b: {  	s0 =	sand.u32 $0x1, s1  }
0x8c: {  	s17 =	sshll.u32 s0, $0xA;
	s2 =	sadd.s32 s3, s2  }
0x8d: {  	s2 =	sadd.s32 s2, s17  }
0x8e: {  	[smem:$0x3FB4] =	sst s2  }
0x8f: {  	_ = 	snop  }
0x90: {  	s2 =	sld [smem:$0x3FD0];
	(tm) =	ssettm $0x1  }
0x91: {  	s18 =	sld [smem:$0x3FFB];
	_ =	sdelay $0x3  }
0x92: {  	_ =	strace s18  }
0x93: {  	s3 =	sld [smem:$0x3FFC];
	_ =	sdelay $0x3  }
0x94: {  	_ =	strace s3  }
0x95: {  	s3 =	sld [smem:$0x3FFD];
	_ =	sdelay $0x3  }
0x96: {  	_ =	strace s3  }
0x97: {  	_ =	strace $0x8FFFFFFF  }
0x98: {  	s19 =	sld [smem:$0x3FDB];
	_ =	sdelay $0x1  }
0x99: {  	s4 =	simm.s32 $_scs_section_size  }
0x9a: {  	s5 =	simm.s32 $_size__tile_overlayer_lowered;
	s6 =	simm.s32 $_tile_overlayer_lowered  }
0x9b: {  	s22 =	simm.s32 $0x1BFF;
	s21 =	sshll.u32 s6, $0x1;
	s3 =	sadd.s32 s4, s19  }
0x9c: {  	s7 =	simm.s32 $0x0;
	s20 =	sshll.u32 s5, $0x1;
	s5 =	sadd.s32 s21, s3  }
0x9d: {  	[timem:s7], [sflag:s22] =	dma.local [hbm:s5], s20  }
0x9e: {  	_ =	swait.ge [sflag:s22], s20  }
0x9f: {  	s4 =	ssub.s32 $0x0, s20;
	[sflag:s22] =	ssyncset.done $0x0  }
0xa0: {  	[sflag:s22] =	ssyncadd.s32 s4;
	_ =	sdelay $0x1  }
0xa1: {  	s23 =	simm.s32 $0x1B8B  }
0xa2: {  	_ =	swait.ge [sflag:s23], $0x1  }
0xa3: {  	[sflag:s23] =	ssyncset.done $0x0  }
0xa4: {  	s25 =	simm.s32 $0x1B8E;
	s24 =	sld [smem:$0x3FFE];
	[sflag:s23] =	ssyncadd.s32 $0xFFFFFFFF  }
0xa5: {  	s26 =	simm.s32 $execute0_lowered;
	[smem:$0x3FD2] =	sst s25  }
0xa6: {  	s5 =	sshll.u32 s26, $0x1;
	_ =	strace $0x80000046;
	[dreg:$0x1] =	wrdreg $0xFFFFFFFF  }
0xa7: {  	s28 =	simm.s32 $_size_execute0_lowered;
	s3 =	sadd.s32 s3, s5;
	[dreg:$0x0] =	wrdreg $0x0  }
0xa8: {  	s5 =	sshll.u32 s28, $0x1;
	[dreg:$0x2] =	wrdreg s3  }
0xa9: {  	[dreg:$0x3] =	wrdreg s5  }
0xaa: {  	[dreg:$0x4] =	wrdreg $0xC0  }
0xab: {  	_ =	task [dreg:s7], $0x5FFFF  }
0xac: {  	[dreg:$0x1] =	wrdreg $0xFFFFFFFF  }
0xad: {  	[dreg:$0x0] =	wrdreg $0x60  }
0xae: {  	[dreg:$0x2] =	wrdreg s24  }
0xaf: {  	[dreg:$0x3] =	wrdreg s2  }
0xb0: {  	[dreg:$0x4] =	wrdreg $0x58000  }
0xb1: {  	[dreg:$0x5] =	wrdreg $0x9  }
0xb2: {  	_ =	task.clear_ibuf [dreg:s7], $0x6FFFF;
	_ =	strace $0x90000046  }
0xb3: {  	s29 =	simm.s32 $0x9;
	_ =	strace $0x80000048  }
0xb4: {  	_ =	swait.ge [sflag:s29], $0x1  }
0xb5: {  	[sflag:s29] =	ssyncadd.s32 $0xFFFFFFFF  }
0xb6: {  	_ =	strace $0x90000048  }
0xb7: {  	_ =	sfence  }
0xb8: {  	s30 =	sld [smem:$0x0];
	_ =	sdelay $0x2  }
0xb9: {  	s31 =	sshll.u32 s1, $0xD;
	s1 =	sshrl.u32 s1, $0x2  }
0xba: {  	s3 =	sand.u32 $0x4000, s31;
	s1 =	sadd.s32 s1, s30  }
0xbb: {  	s0 =	sor.u32 s3, s0;
	s1 =	sshll.u32 s1, $0x11  }
0xbc: {  	s0 =	sor.u32 s1, s0  }
0xbd: {  	s0 =	sadd.s32 $0x8F2B, s0  }
0xbe: {  	[sflag:s0] =	ssyncadd.remote.s32 $0x1  }
0xbf: {  	_ =	sfence.sel $0xFFFF  }
0xc0: {  	[dreg:$0x0] =	wrdreg $0xFFFFFFFF;
	(pc) =	sbr.abs _section_cstart, $3  }
0xc1: {  	[dreg:$0x1] =	wrdreg $0xFFFFFFFF  }
0xc2: {  	_ =	task.clear_ibuf [dreg:s7], $0x2FFFF;
	_ =	strace $0x9FFFFFFF  }
0xc3: {  	(tm) =	ssettm $0x7FFFFFFF  }
tec
execute0_lowered:
.L_overlay_start_1:
0x0: {  	(tag) =	ssettag $0x1  }
0x1: {  	s5 =	rddreg [dreg:$0x0]  }
0x2: {  	s0 =	srdreg.scid;
	s2 =	rddreg [dreg:$0x1]  }
0x3: {  	s3 =	rddreg [dreg:$0x2];
	s6 =	sand.u32 $0x1, s0  }
0x4: {  	s0 =	stileid.u32;
	s7 =	smul.u32 $0x30000, s6  }
0x5: {  	s1 =	rddreg [dreg:$0x3];
	s4 =	simm.s32 $0x0;
	s8 =	smul.u32 $0x3000, s0  }
0x6: {  	s14 =	simm.s32 $0x80;
	[smem:$0x7FF] =	sst s4;
	s9 =	smul.u32 $0x13C00, s0  }
0x7: {  	s15 =	simm.s32 $0x0;
	s25 =	smul.u32 $0x13C000, s6;
	_ =	strace $0x80000047  }
0x8: {  	s6 =	ssub.s32 $0x2, s6;
	s28 =	smul.u32 $0x4F000, s0;
	s31 =	sshll.u32 s0, $0x6  }
0x9: {  	s29 =	sshrl.u32 s6, $0x1;
	s7 =	sadd.s32 s8, s7;
	s26 =	sshrl.u32 s9, $0x3  }
0xa: {  	s8 =	sadd.s32 s9, s25;
	s12 =	ssub.s32 s6, s29;
	s30 =	sshrl.u32 s28, $0x2  }
0xb: {  	s6 =	sor.u32 $0x1C01, s31;
	s7 =	sshrl.u32 s7, $0x3;
	s8 =	sshrl.u32 s8, $0x3  }
0xc: {  	s13 =	sadd.s32 s30, s3;
	s10 =	sadd.s32 s7, s5;
	s7 =	sadd.s32 s26, s5  }
0xd: {  	s11 =	sadd.s32 s8, s5;
	s5 =	sadd.s32 $0x11200, s7;
	s7 =	sadd.s32 $0x5200, s10  }
0xe: {  	s8 =	sadd.s32 $0x5500, s10;
	s9 =	sadd.s32 $0x38A00, s11;
	s10 =	smax.u32 s12, $0x1  }
0xf: {  	s11 =	sshrl.u32 s13, $0x3;
	s12 =	simm.s32 $0x1;
	s13 =	simm.s32 $0x1800  }
.LBB2_1:
0x10: {  	[spmem:s11], [sflag:s6] =	dma.local [hbm:s5], $0x2780  }
0x11: {  	_ =	swait.ge [sflag:s12], $0x2780  }
0x12: {  	[sflag:s12] =	ssyncset.done $0x0  }
0x13: {  	[sflag:s12] =	ssyncadd.s32 $0xFFFFD880  }
0x14: {  	[tilespmem:s13], [sflag:$0x1] =	stream.linear.gather [hbm4b:s2+s4], $0x4000, $0x38;
	[tilespmem:$0x19400] =	vst v63  }
0x15: {  	_ =	swait.ge [sflag:s12], $0x4000  }
0x16: {  	[sflag:s12] =	ssyncset.done $0x0  }
0x17: {  	[sflag:s12] =	ssyncadd.s32 $0xFFFFC000  }
0x18: {  	[bflag:$0x0] =	sbarrier.arrive $0xFFFF  }
0x19: {  	[tilespmem:s4], [sflag:$0x1] =	stream.linear.gather [hbm4b:s7+s4], $0x1480, $0x38;
	[tilespmem:$0x19400] =	vst v63  }
0x1a: {  	_ =	swait.ge [sflag:s12], $0x1480  }
0x1b: {  	[sflag:s12] =	ssyncset.done $0x0  }
0x1c: {  	s16 =	simm.s32 $0x0;
	[sflag:s12] =	ssyncadd.s32 $0xFFFFEB80  }
0x1d: {  	[spmem:s3] =	stream.indirect.scatter.add.f32 [tilespmem:s13], [sflag:$0x1], $0x80, s16, s14, $0xb8;
	[tilespmem:$0x19400] =	vst v63  }
0x1e: {  	_ =	swait.ge [sflag:s12], $0x4000  }
0x1f: {  	s16 =	simm.s32 $0x200;
	[sflag:s12] =	ssyncset.done $0x0  }
.LBB2_2:
0x20: {  	s17 =	sshra.s32 s16, $0x2;
	[sflag:s12] =	ssyncadd.s32 $0xFFFFC000;
	p0 =	sne.s32 s16, $0x4E00  }
0x21: {  	[spmem:s3] =	stream.indirect.scatter.add.f32 [tilespmem:s13], [sflag:$0x1], $0x80, s17, s14, $0xb8;
	[tilespmem:$0x19400] =	vst v63  }
.Ltmp0:
0x22: {  	_ = 	snop;
	(pc) =	sbr.rel @p0 .LBB2_2-.Ltmp0, $4  }
0x23: {  	_ = 	snop  }
0x24: {  	s16 =	sadd.s32 $0x200, s16  }
0x25: {  	_ =	swait.ge [sflag:s12], $0x4000  }
0x26: {  	[sflag:s12] =	ssyncset.done $0x0  }
0x27: {  	[sflag:s12] =	ssyncadd.s32 $0xFFFFC000;
	s16 =	simm.s32 $0x0  }
0x28: {  	[tilespmem:s16], [sflag:$0x1] =	stream.linear.gather [hbm4b:s8+s16], $0x1480, $0x38;
	[tilespmem:$0x19400] =	vst v63  }
0x29: {  	_ =	swait.ge [sflag:s12], $0x1480  }
0x2a: {  	[sflag:s12] =	ssyncset.done $0x0  }
0x2b: {  	s31 =	simm.s32 $0x0;
	[sflag:s12] =	ssyncadd.s32 $0xFFFFEB80  }
0x2c: {  	[spmem:s3] =	stream.indirect.scatter.add.f32 [tilespmem:s13], [sflag:$0x1], $0x80, s31, s14, $0xb8;
	[tilespmem:$0x19400] =	vst v63  }
0x2d: {  	_ =	swait.ge [sflag:s12], $0x4000  }
0x2e: {  	s16 =	simm.s32 $0x200;
	[sflag:s12] =	ssyncset.done $0x0  }
.LBB2_4:
0x2f: {  	s17 =	sshra.s32 s16, $0x2;
	[sflag:s12] =	ssyncadd.s32 $0xFFFFC000;
	p0 =	sne.s32 s16, $0x4E00  }
0x30: {  	[spmem:s3] =	stream.indirect.scatter.add.f32 [tilespmem:s13], [sflag:$0x1], $0x80, s17, s14, $0xb8;
	[tilespmem:$0x19400] =	vst v63  }
.Ltmp1:
0x31: {  	_ = 	snop;
	(pc) =	sbr.rel @p0 .LBB2_4-.Ltmp1, $4  }
0x32: {  	_ = 	snop  }
0x33: {  	s16 =	sadd.s32 $0x200, s16  }
0x34: {  	_ =	swait.ge [sflag:s12], $0x4000  }
0x35: {  	[sflag:s12] =	ssyncset.done $0x0  }
0x36: {  	s15 =	sadd.s32 $0x1, s15  }
0x37: {  	[sflag:s12] =	ssyncadd.s32 $0xFFFFC000;
	p0 =	sne.s32 s15, s10  }
.Ltmp2:
0x38: {  	[bflag:$0x0] =	sbarrier.arrive $0xFFFF;
	(pc) =	sbr.rel @p0 .LBB2_1-.Ltmp2, $4  }
0x39: {  	[hbm:s9], [sflag:s6] =	dma.local [spmem:s11], $0x2780  }
0x3a: {  	_ =	swait.ge [sflag:s12], $0x2780  }
0x3b: {  	[sflag:s12] =	ssyncset.done $0x0  }
0x3c: {  	[sflag:s12] =	ssyncadd.s32 $0xFFFFD880  }
0x3d: {  	_ =	sfence.sel $0x180000  }
0x3e: {  	[bflag:$0x0] =	sbarrier.arrive $0xFFFF  }
0x3f: {  	p0 =	sne.s32 s0, $0x0;
	_ =	strace $0x90000047  }
0x40: {  	s0 =	sadd.s32 @!p0 $0x100000, s1;
	[bflag:$0x2] =	sbarrier.arrive $0xFFFF  }
0x41: {  	[sflag:s0] =	ssyncadd.tile.s32 @!p0 $0x1;
	_ =	shalt  }
.Lfunc_end2:
_tile_overlayer_lowered:
.L_overlay_start_2:
0x42: {  	(tag) =	ssettag $0x2  }
0x43: {  	s0 =	rddreg [dreg:$0x0];
	s2 =	stileid.u32  }
0x44: {  	s1 =	rddreg [dreg:$0x1];
	p0 =	sne.s32 s2, $0x0  }
0x45: {  	s3 =	rddreg [dreg:$0x2];
	[bflag:$0x3] =	sbarrier.arrive $0xFFFF;
	s2 =	simm.s32 @!p0 $0x1C01  }
0x46: {  	[timem:s3], [sflag:s2] =	dma.local @!p0 [hbm:s0], s1  }
0x47: {  	s0 =	simm.s32 @!p0 $0x1  }
0x48: {  	_ =	swait.ge @!p0 [sflag:s0], s1  }
0x49: {  	s1 =	ssub.s32 @!p0 $0x0, s1;
	[sflag:s0] =	ssyncset.done @!p0 $0x0  }
0x4a: {  	[sflag:s0] =	ssyncadd.s32 @!p0 s1  }
0x4b: {  	[bflag:$0x3] =	sbarrier.arrive $0xFFFF  }
0x4c: {  	_ =	shalt  }

// kernel: kernel.19.cloned.1.call-start
scs
__scs_entry_jumppad:
0x0: {  	(pc) =	sbr.rel $0x88, $3  }
0x1: {  	(tag) =	ssettag $0x0;
	lr =	simm.s32 $0x1  }
0x2: {  	[smem:$0x3F8D] =	sst lr;
	_ =	strace $0xD0000000  }
0x3: {  	_ = 	snop  }
0x4: {  	_ = 	snop  }
0x5: {  	_ = 	snop  }
0x6: {  	_ = 	snop  }
0x7: {  	_ = 	snop  }
__scs_overlays_trampoline_lowered:
0x8: {  	[smem:$0x3F9C] =	sst s0  }
0x9: {  	[smem:$0x3F9D] =	sst s1  }
0xa: {  	[smem:$0x3F9E] =	sst s2  }
0xb: {  	[smem:$0x3F9F] =	sst s3  }
0xc: {  	[smem:$0x3FA0] =	sst s4  }
0xd: {  	[smem:$0x3FA1] =	sst s5  }
0xe: {  	[smem:$0x3FA2] =	sst s6  }
0xf: {  	[smem:$0x3FA3] =	sst s7  }
0x10: {  	[smem:$0x3FA4] =	sst s8  }
0x11: {  	[smem:$0x3FA5] =	sst s9;
	s0 =	simm.s32 @!p0 $0x0  }
0x12: {  	s1 =	sld [smem:$0x3F8B];
	s0 =	simm.s32 @p0 $0x1  }
0x13: {  	[smem:$0x3FA6] =	sst s0;
	s0 =	simm.s32 @!p1 $0x0  }
0x14: {  	s2 =	sld [smem:$0x3F8A];
	s0 =	simm.s32 @p1 $0x1  }
0x15: {  	[smem:$0x3FA7] =	sst s0;
	s0 =	simm.s32 @!p2 $0x0  }
0x16: {  	s3 =	sld [smem:$0x3FDB];
	s0 =	simm.s32 @p2 $0x1  }
0x17: {  	s4 =	simm.s32 $0x1BF5;
	[smem:$0x3FA9] =	sst s0  }
0x18: {  	s0 =	sld [smem:$0x3F8C];
	_ =	swait.ge [sflag:s4], $0x0  }
0x19: {  	s7 =	sld [smem:$0x3F8D]  }
0x1a: {  	s8 =	sadd.s32 $0xFFFFE003, lr  }
0x1b: {  	s9 =	sadd.s32 $0xFFFFFEF7, lr;
	s5 =	simm.s32 $0xFFFFFFFF;
	p2 =	slt.u32 s8, $0xFFFFF086  }
0x1c: {  	p1 =	slt.u32 s9, $0xF7A;
	s5 =	simm.s32 @!p2 $0x0  }
0x1d: {  	s5 =	simm.s32 @p1 $0x1;
	p0 =	seq.s32 s7, s2  }
0x1e: {  	s7 =	smul.u32 @!p0 $0xF7A, s2;
	p2 =	seq.s32 @!p0 s5, $0x0  }
0x1f: {  	s9 =	smul.u32 $0xF7A, s1;
	s8 =	simm.s32 @!p0 $0x1BF5;
	p2 =	por !p2, p0  }
0x20: {  	[sflag:s8] =	ssyncset.s32 @!p0 $0xFFFFF086;
	s6 =	sadd.s32 @!p0 s3, s7;
	s7 =	simm.s32 @!p0 $0x108  }
0x21: {  	s3 =	sadd.s32 s3, s9;
	s6 =	sadd.s32 @!p0 $0x88, s6;
	s7 =	simm.s32 @p2 $0x1082  }
0x22: {  	[simem:s7], [sflag:s8] =	dma.local @!p0 [hbm:s6], $0xF7A  }
0x23: {  	s9 =	sor.u32 $0xD0000000, s2;
	s6 =	simm.s32 $0x108;
	_ =	swait.ge @!p0 [sflag:s8], $0x0  }
0x24: {  	s3 =	sadd.s32 $0x88, s3;
	s6 =	simm.s32 @!p1 $0x1082;
	[sflag:s4] =	ssyncset.s32 $0xFFFFF086  }
0x25: {  	[simem:s6], [sflag:s4] =	dma.local [hbm:s3], $0xF7A  }
0x26: {  	[smem:$0x3F8D] =	sst s1;
	(tag) =	ssettag s2;
	_ =	strace s9  }
0x27: {  	s1 =	sld [smem:$0x3F9D]  }
0x28: {  	s2 =	sld [smem:$0x3F9E]  }
0x29: {  	s4 =	sld [smem:$0x3FA0]  }
0x2a: {  	p0 =	seq.s32 s5, $0x0;
	s5 =	sld [smem:$0x3FA1]  }
0x2b: {  	s6 =	sld [smem:$0x3FA2]  }
0x2c: {  	s7 =	sld [smem:$0x3FA3]  }
0x2d: {  	s3 =	simm.s32 $0x108;
	s8 =	sld [smem:$0x3FA4]  }
0x2e: {  	s3 =	simm.s32 @!p0 $0x1082;
	s9 =	sld [smem:$0x3FA5]  }
0x2f: {  	lr =	sadd.s32 s0, s3;
	s0 =	sld [smem:$0x3F9C]  }
0x30: {  	s3 =	sld [smem:$0x3F9F]  }
0x31: {  	[smem:$0x3FA8] =	sst s10  }
0x32: {  	s10 =	sld [smem:$0x3FA6];
	_ =	sdelay $0x3  }
0x33: {  	p0 =	seq.s32 s10, $0x1;
	s10 =	sld [smem:$0x3FA8];
	_ =	sdelay $0x3  }
0x34: {  	[smem:$0x3FA8] =	sst s10  }
0x35: {  	s10 =	sld [smem:$0x3FA7];
	_ =	sdelay $0x3  }
0x36: {  	p1 =	seq.s32 s10, $0x1;
	s10 =	sld [smem:$0x3FA8];
	_ =	sdelay $0x3  }
0x37: {  	[smem:$0x3FA8] =	sst s10  }
0x38: {  	s10 =	sld [smem:$0x3FA9]  }
0x39: {  	_ = 	snop;
	(pc) =	sbr.ind lr, $3  }
0x3a: {  	_ = 	snop  }
0x3b: {  	_ = 	snop  }
0x3c: {  	p2 =	seq.s32 s10, $0x1;
	s10 =	sld [smem:$0x3FA8]  }
0x3d: {  	_ =	shalt  }
0x3e: {  	_ =	shalt  }
0x3f: {  	_ =	shalt  }
0x40: {  	_ =	shalt  }
0x41: {  	_ =	shalt  }
0x42: {  	_ =	shalt  }
0x43: {  	_ =	shalt  }
0x44: {  	_ =	shalt  }
0x45: {  	_ =	shalt  }
0x46: {  	_ =	shalt  }
0x47: {  	_ =	shalt  }
0x48: {  	_ =	shalt  }
0x49: {  	_ =	shalt  }
0x4a: {  	_ =	shalt  }
0x4b: {  	_ =	shalt  }
0x4c: {  	_ =	shalt  }
0x4d: {  	_ =	shalt  }
0x4e: {  	_ =	shalt  }
0x4f: {  	_ =	shalt  }
0x50: {  	_ =	shalt  }
0x51: {  	_ =	shalt  }
0x52: {  	_ =	shalt  }
0x53: {  	_ =	shalt  }
0x54: {  	_ =	shalt  }
0x55: {  	_ =	shalt  }
0x56: {  	_ =	shalt  }
0x57: {  	_ =	shalt  }
0x58: {  	_ =	shalt  }
0x59: {  	_ =	shalt  }
0x5a: {  	_ =	shalt  }
0x5b: {  	_ =	shalt  }
0x5c: {  	_ =	shalt  }
0x5d: {  	_ =	shalt  }
0x5e: {  	_ =	shalt  }
0x5f: {  	_ =	shalt  }
0x60: {  	_ =	shalt  }
0x61: {  	_ =	shalt  }
0x62: {  	_ =	shalt  }
0x63: {  	_ =	shalt  }
0x64: {  	_ =	shalt  }
0x65: {  	_ =	shalt  }
0x66: {  	_ =	shalt  }
0x67: {  	_ =	shalt  }
0x68: {  	_ =	shalt  }
0x69: {  	_ =	shalt  }
0x6a: {  	_ =	shalt  }
0x6b: {  	_ =	shalt  }
0x6c: {  	_ =	shalt  }
0x6d: {  	_ =	shalt  }
0x6e: {  	_ =	shalt  }
0x6f: {  	_ =	shalt  }
0x70: {  	_ =	shalt  }
0x71: {  	_ =	shalt  }
0x72: {  	_ =	shalt  }
0x73: {  	_ =	shalt  }
0x74: {  	_ =	shalt  }
0x75: {  	_ =	shalt  }
0x76: {  	_ =	shalt  }
0x77: {  	_ =	shalt  }
0x78: {  	_ =	shalt  }
0x79: {  	_ =	shalt  }
0x7a: {  	_ =	shalt  }
0x7b: {  	_ =	shalt  }
0x7c: {  	_ =	shalt  }
0x7d: {  	_ =	shalt  }
0x7e: {  	_ =	shalt  }
0x7f: {  	_ =	shalt  }
0x80: {  	_ =	shalt  }
0x81: {  	_ =	shalt  }
0x82: {  	_ =	shalt  }
0x83: {  	_ =	shalt  }
0x84: {  	_ =	shalt  }
0x85: {  	_ =	shalt  }
0x86: {  	_ =	shalt  }
0x87: {  	_ =	shalt  }
.Lfunc_end0:
.L_simem_size_0:
called_computation.1_lowered:
.L_overlay_start_0:
0x88: {  	s2 =	sld [smem:$0x3FD9]  }
0x89: {  	s3 =	sld [smem:$0x3FFE];
	_ =	sdelay $0x1  }
0x8a: {  	s1 =	srdreg.scid  }
0x8b: {  	s0 =	sand.u32 $0x1, s1  }
0x8c: {  	s17 =	sshll.u32 s0, $0xA;
	s2 =	sadd.s32 s3, s2  }
0x8d: {  	s2 =	sadd.s32 s2, s17  }
0x8e: {  	[smem:$0x3FB4] =	sst s2  }
0x8f: {  	_ = 	snop  }
0x90: {  	s18 =	sld [smem:$0x3FC9];
	(tm) =	ssettm $0x1  }
0x91: {  	s19 =	sld [smem:$0x3FFB];
	_ =	sdelay $0x3  }
0x92: {  	_ =	strace s19  }
0x93: {  	s2 =	sld [smem:$0x3FFC];
	_ =	sdelay $0x3  }
0x94: {  	_ =	strace s2  }
0x95: {  	s2 =	sld [smem:$0x3FFD];
	_ =	sdelay $0x3  }
0x96: {  	_ =	strace s2  }
0x97: {  	_ =	strace $0x8FFFFFFF  }
0x98: {  	s20 =	sld [smem:$0x3FDB];
	_ =	sdelay $0x1  }
0x99: {  	s4 =	simm.s32 $_scs_section_size  }
0x9a: {  	s5 =	simm.s32 $_size__tile_overlayer_lowered;
	s6 =	simm.s32 $_tile_overlayer_lowered  }
0x9b: {  	s7 =	simm.s32 $0x1BFF;
	s21 =	sshll.u32 s6, $0x1;
	s4 =	sadd.s32 s4, s20  }
0x9c: {  	s22 =	simm.s32 $0x0;
	s5 =	sshll.u32 s5, $0x1;
	s6 =	sadd.s32 s21, s4  }
0x9d: {  	[timem:s22], [sflag:s7] =	dma.local [hbm:s6], s5  }
0x9e: {  	_ =	swait.ge [sflag:s7], s5  }
0x9f: {  	s5 =	ssub.s32 $0x0, s5;
	[sflag:s7] =	ssyncset.done $0x0  }
0xa0: {  	[sflag:s7] =	ssyncadd.s32 s5;
	_ =	sdelay $0x1  }
0xa1: {  	s23 =	simm.s32 $0x1B8B  }
0xa2: {  	_ =	swait.ge [sflag:s23], $0x1  }
0xa3: {  	[sflag:s23] =	ssyncset.done $0x0  }
0xa4: {  	[sflag:s23] =	ssyncadd.s32 $0xFFFFFFFF  }
0xa5: {  	s5 =	sld [smem:$0x0]  }
0xa6: {  	s6 =	sand.u32 $0xFFFFFFFE, s1  }
0xa7: {  	p0 =	sne.s32 s1, s6  }
0xa8: {  	s6 =	sshll.u32 @p0 s6, $0xE  }
0xa9: {  	s6 =	sadd.s32 @p0 $0x11B8D, s6;
	s7 =	sshll.u32 @p0 s5, $0x11  }
0xaa: {  	s6 =	sor.u32 @p0 s7, s6  }
0xab: {  	[sflag:s6] =	ssyncadd.remote.s32 @p0 $0x1;
	_ =	sdelay $0x1  }
0xac: {  	s6 =	simm.s32 @p0 $0x1B8D  }
0xad: {  	_ =	swait.eq @p0 [sflag:s6], $0x1  }
0xae: {  	[sflag:s6] =	ssyncadd.s32 @p0 $0xFFFFFFFF  }
0xaf: {  	s7 =	sshll.u32 @!p0 s1, $0xE  }
0xb0: {  	s7 =	sor.u32 @!p0 $0x4000, s7;
	s6 =	simm.s32 @!p0 $0x1B8D  }
0xb1: {  	s5 =	sshll.u32 @!p0 s5, $0x11;
	s7 =	sadd.s32 @!p0 $0x11B8D, s7;
	_ =	swait.eq @!p0 [sflag:s6], $0x1  }
0xb2: {  	s5 =	sor.u32 @!p0 s5, s7;
	[sflag:s6] =	ssyncadd.s32 @!p0 $0xFFFFFFFF  }
0xb3: {  	s25 =	simm.s32 $0x1B8E;
	s24 =	sld [smem:$0x3FFE];
	[sflag:s5] =	ssyncadd.remote.s32 @!p0 $0x1  }
0xb4: {  	s26 =	simm.s32 $execute0_lowered;
	[smem:$0x3FD2] =	sst s25  }
0xb5: {  	s6 =	sshll.u32 s26, $0x1;
	_ =	strace $0x80000049;
	[dreg:$0x1] =	wrdreg $0xFFFFFFFF  }
0xb6: {  	s28 =	simm.s32 $_size_execute0_lowered;
	s4 =	sadd.s32 s4, s6;
	[dreg:$0x0] =	wrdreg $0x0  }
0xb7: {  	s6 =	sshll.u32 s28, $0x1;
	[dreg:$0x2] =	wrdreg s4  }
0xb8: {  	[dreg:$0x3] =	wrdreg s6  }
0xb9: {  	[dreg:$0x4] =	wrdreg $0xC0  }
0xba: {  	_ =	task [dreg:s22], $0x5FFFF  }
0xbb: {  	[dreg:$0x1] =	wrdreg $0xFFFFFFFF  }
0xbc: {  	[dreg:$0x0] =	wrdreg $0x60  }
0xbd: {  	[dreg:$0x2] =	wrdreg s18  }
0xbe: {  	[dreg:$0x3] =	wrdreg s24  }
0xbf: {  	[dreg:$0x4] =	wrdreg $0xB0000  }
0xc0: {  	[dreg:$0x5] =	wrdreg $0xA  }
0xc1: {  	_ =	task.clear_ibuf [dreg:s22], $0x6FFFF;
	_ =	strace $0x90000049  }
0xc2: {  	s29 =	simm.s32 $0xA;
	_ =	strace $0x8000004B  }
0xc3: {  	_ =	swait.ge [sflag:s29], $0x1  }
0xc4: {  	[sflag:s29] =	ssyncadd.s32 $0xFFFFFFFF  }
0xc5: {  	_ =	strace $0x9000004B  }
0xc6: {  	_ =	sfence  }
0xc7: {  	s30 =	sld [smem:$0x0];
	_ =	sdelay $0x2  }
0xc8: {  	s31 =	sshll.u32 s1, $0xD;
	s1 =	sshrl.u32 s1, $0x2  }
0xc9: {  	s4 =	sand.u32 $0x4000, s31;
	s1 =	sadd.s32 s1, s30  }
0xca: {  	s0 =	sor.u32 s4, s0;
	s1 =	sshll.u32 s1, $0x11  }
0xcb: {  	s0 =	sor.u32 s1, s0  }
0xcc: {  	s0 =	sadd.s32 $0x8F2B, s0  }
0xcd: {  	[sflag:s0] =	ssyncadd.remote.s32 $0x1  }
0xce: {  	_ =	sfence.sel $0xFFFF  }
0xcf: {  	[dreg:$0x0] =	wrdreg $0xFFFFFFFF;
	(pc) =	sbr.abs _section_cstart, $3  }
0xd0: {  	[dreg:$0x1] =	wrdreg $0xFFFFFFFF  }
0xd1: {  	_ =	task.clear_ibuf [dreg:s22], $0x2FFFF;
	_ =	strace $0x9FFFFFFF  }
0xd2: {  	(tm) =	ssettm $0x7FFFFFFF  }
0xd3: {  	_ =	shalt  }
tec
execute0_lowered:
.L_overlay_start_1:
0x0: {  	(tag) =	ssettag $0x1  }
0x1: {  	s1 =	rddreg [dreg:$0x0]  }
0x2: {  	s5 =	rddreg [dreg:$0x1]  }
0x3: {  	s3 =	rddreg [dreg:$0x2]  }
0x4: {  	s0 =	rddreg [dreg:$0x3];
	s4 =	simm.s32 $0x0;
	s2 =	stileid.u32  }
0x5: {  	s6 =	srdreg.scid;
	s16 =	simm.s32 $0x80;
	s17 =	simm.s32 $0x3000  }
0x6: {  	s18 =	simm.s32 $0x7000;
	s19 =	simm.s32 $0x1;
	s7 =	smul.u32 $0x13C00, s2  }
0x7: {  	s20 =	simm.s32 $0x2;
	s21 =	simm.s32 $0x0;
	s11 =	smul.u32 $0x4F000, s2  }
0x8: {  	[smem:$0x7FF] =	sst s4;
	s6 =	sand.u32 $0x1, s6;
	s13 =	smul.u32 $0x3000, s2  }
0x9: {  	s9 =	sadd.s32 $0x87A00, s5;
	s10 =	sadd.s32 $0x5200, s5;
	s8 =	smul.u32 $0x13C000, s6  }
0xa: {  	s30 =	sshll.u32 s2, $0x6;
	s24 =	smul.u32 $0x30000, s6;
	s6 =	ssub.s32 $0x2, s6  }
0xb: {  	_ =	strace $0x8000004A;
	s12 =	sshrl.u32 s7, $0x3;
	s25 =	sshrl.u32 s6, $0x1  }
0xc: {  	s26 =	sshrl.u32 s11, $0x2;
	s7 =	sadd.s32 s7, s8;
	s12 =	sadd.s32 s12, s5  }
0xd: {  	s15 =	ssub.s32 s6, s25;
	s28 =	sadd.s32 s13, s24;
	s29 =	sadd.s32 s26, s3  }
0xe: {  	s6 =	sor.u32 $0x1C03, s30;
	s7 =	sshrl.u32 s7, $0x3;
	s8 =	sshrl.u32 s28, $0x3  }
0xf: {  	s13 =	sshrl.u32 s29, $0x3;
	s14 =	sadd.s32 s7, s5;
	s5 =	sadd.s32 $0x11200, s12  }
0x10: {  	s31 =	sadd.s32 $0x300, s8;
	s7 =	sadd.s32 s9, s8;
	s8 =	sadd.s32 s10, s8  }
0x11: {  	s12 =	smax.u32 s15, $0x1;
	s15 =	simm.s32 $0x1800;
	s9 =	sadd.s32 s9, s31  }
0x12: {  	s10 =	sadd.s32 s10, s31;
	s11 =	sadd.s32 $0x93A00, s14;
	s14 =	simm.s32 $0x3  }
.LBB2_1:
0x13: {  	[spmem:s13], [sflag:s6] =	dma.local [hbm:s5], $0x2780  }
0x14: {  	_ =	swait.ge [sflag:s14], $0x2780  }
0x15: {  	[sflag:s14] =	ssyncset.done $0x0  }
0x16: {  	[sflag:s14] =	ssyncadd.s32 $0xFFFFD880  }
0x17: {  	[bflag:$0x0] =	sbarrier.arrive $0xFFFF  }
0x18: {  	[tilespmem:s4], [sflag:$0x3] =	stream.linear.gather [hbm4b:s7+s4], $0x1480, $0x38;
	[tilespmem:$0x1EC00] =	vst v63  }
0x19: {  	_ =	swait.ge [sflag:s14], $0x1480  }
0x1a: {  	[sflag:s14] =	ssyncset.done $0x0  }
0x1b: {  	[sflag:s14] =	ssyncadd.s32 $0xFFFFEB80  }
0x1c: {  	[tilespmem:s15], [sflag:$0x3] =	stream.linear.gather [hbm4b:s8+s4], $0x1480, $0x38;
	[tilespmem:$0x1EC00] =	vst v63  }
0x1d: {  	_ =	swait.ge [sflag:s14], $0x1480  }
0x1e: {  	[sflag:s14] =	ssyncset.done $0x0  }
0x1f: {  	[sflag:s14] =	ssyncadd.s32 $0xFFFFEB80  }
0x20: {  	[tilespmem:s17], [sflag:$0x1] =	stream.indirect.gather [hbm4b:s1+s16], $0x80, s4, s16, $0xb8;
	[tilespmem:$0x1EC00] =	vst v63  }
0x21: {  	s22 =	simm.s32 $0x80  }
0x22: {  	[tilespmem:s18], [sflag:$0x2] =	stream.indirect.gather [hbm4b:s1+s16], $0x80, s22, s16, $0xb8;
	[tilespmem:$0x1EC00] =	vst v63  }
0x23: {  	_ =	swait.ge [sflag:s19], $0x4000  }
0x24: {  	[sflag:s19] =	ssyncset.done $0x0  }
0x25: {  	s29 =	simm.s32 $0x1800;
	[sflag:s19] =	ssyncadd.s32 $0xFFFFC000  }
0x26: {  	[spmem:s3] =	stream.indirect.scatter.add.f32 [tilespmem:s17], [sflag:$0x3], $0x80, s29, s16, $0xb8;
	[tilespmem:$0x1EC00] =	vst v63  }
0x27: {  	_ =	swait.ge [sflag:s14], $0x4000  }
0x28: {  	[sflag:s14] =	ssyncset.done $0x0  }
0x29: {  	s30 =	simm.s32 $0x100;
	[sflag:s14] =	ssyncadd.s32 $0xFFFFC000  }
0x2a: {  	[tilespmem:s17], [sflag:$0x1] =	stream.indirect.gather [hbm4b:s1+s16], $0x80, s30, s16, $0xb8;
	[tilespmem:$0x1EC00] =	vst v63  }
0x2b: {  	_ =	swait.ge [sflag:s20], $0x4000  }
0x2c: {  	[sflag:s20] =	ssyncset.done $0x0  }
0x2d: {  	s31 =	simm.s32 $0x1880;
	[sflag:s20] =	ssyncadd.s32 $0xFFFFC000  }
0x2e: {  	[spmem:s3] =	stream.indirect.scatter.add.f32 [tilespmem:s18], [sflag:$0x3], $0x80, s31, s16, $0xb8;
	[tilespmem:$0x1EC00] =	vst v63  }
0x2f: {  	_ =	swait.ge [sflag:s14], $0x4000  }
0x30: {  	s23 =	simm.s32 $0x800;
	s22 =	simm.s32 $0x100;
	[sflag:s14] =	ssyncset.done $0x0  }
.LBB2_2:
0x31: {  	s24 =	sadd.s32 $0x80, s22  }
0x32: {  	[sflag:s14] =	ssyncadd.s32 $0xFFFFC000;
	s25 =	smov.u32 s23;
	s26 =	sadd.s32 $0x400, s23  }
0x33: {  	[tilespmem:s18], [sflag:$0x2] =	stream.indirect.gather [hbm4b:s1+s16], $0x80, s24, s16, $0xb8;
	[tilespmem:$0x1EC00] =	vst v63  }
0x34: {  	p0 =	sne.s32 s23, $0x4C00;
	_ =	swait.ge [sflag:s19], $0x4000  }
0x35: {  	[sflag:s19] =	ssyncset.done $0x0  }
0x36: {  	s23 =	sadd.s32 $0x1800, s22;
	[sflag:s19] =	ssyncadd.s32 $0xFFFFC000  }
0x37: {  	[spmem:s3] =	stream.indirect.scatter.add.f32 [tilespmem:s17], [sflag:$0x3], $0x80, s23, s16, $0xb8;
	[tilespmem:$0x1EC00] =	vst v63  }
0x38: {  	_ =	swait.ge [sflag:s14], $0x4000  }
0x39: {  	[sflag:s14] =	ssyncset.done $0x0  }
0x3a: {  	s23 =	sadd.s32 $0x100, s22;
	[sflag:s14] =	ssyncadd.s32 $0xFFFFC000  }
0x3b: {  	[tilespmem:s17], [sflag:$0x1] =	stream.indirect.gather [hbm4b:s1+s16], $0x80, s23, s16, $0xb8;
	[tilespmem:$0x1EC00] =	vst v63  }
0x3c: {  	_ =	swait.ge [sflag:s20], $0x4000  }
.Ltmp0:
0x3d: {  	[sflag:s20] =	ssyncset.done $0x0;
	(pc) =	sbr.rel @p0 .LBB2_2-.Ltmp0, $4  }
0x3e: {  	s22 =	sadd.s32 $0x1880, s22;
	[sflag:s20] =	ssyncadd.s32 $0xFFFFC000  }
0x3f: {  	[spmem:s3] =	stream.indirect.scatter.add.f32 [tilespmem:s18], [sflag:$0x3], $0x80, s22, s16, $0xb8;
	[tilespmem:$0x1EC00] =	vst v63  }
0x40: {  	_ =	swait.ge [sflag:s14], $0x4000  }
0x41: {  	s23 =	smov.u32 s26;
	s22 =	sshra.s32 s25, $0x2;
	[sflag:s14] =	ssyncset.done $0x0  }
0x42: {  	s23 =	sadd.s32 $0x80, s22;
	[sflag:s14] =	ssyncadd.s32 $0xFFFFC000  }
0x43: {  	[tilespmem:s18], [sflag:$0x2] =	stream.indirect.gather [hbm4b:s1+s16], $0x80, s23, s16, $0xb8;
	[tilespmem:$0x1EC00] =	vst v63  }
0x44: {  	_ =	swait.ge [sflag:s19], $0x4000  }
0x45: {  	[sflag:s19] =	ssyncset.done $0x0  }
0x46: {  	s31 =	sadd.s32 $0x1800, s22;
	[sflag:s19] =	ssyncadd.s32 $0xFFFFC000  }
0x47: {  	[spmem:s3] =	stream.indirect.scatter.add.f32 [tilespmem:s17], [sflag:$0x3], $0x80, s31, s16, $0xb8;
	[tilespmem:$0x1EC00] =	vst v63  }
0x48: {  	_ =	swait.ge [sflag:s14], $0x4000  }
0x49: {  	[sflag:s14] =	ssyncset.done $0x0  }
0x4a: {  	s24 =	sadd.s32 $0x100, s22;
	[sflag:s14] =	ssyncadd.s32 $0xFFFFC000  }
0x4b: {  	[tilespmem:s17], [sflag:$0x1] =	stream.indirect.gather [hbm4b:s1+s16], $0x80, s24, s16, $0xb8;
	[tilespmem:$0x1EC00] =	vst v63  }
0x4c: {  	_ =	swait.ge [sflag:s20], $0x4000  }
0x4d: {  	[sflag:s20] =	ssyncset.done $0x0  }
0x4e: {  	s25 =	sadd.s32 $0x1880, s22;
	[sflag:s20] =	ssyncadd.s32 $0xFFFFC000  }
0x4f: {  	[spmem:s3] =	stream.indirect.scatter.add.f32 [tilespmem:s18], [sflag:$0x3], $0x80, s25, s16, $0xb8;
	[tilespmem:$0x1EC00] =	vst v63  }
0x50: {  	_ =	swait.ge [sflag:s14], $0x4000  }
0x51: {  	[sflag:s14] =	ssyncset.done $0x0  }
0x52: {  	[sflag:s14] =	ssyncadd.s32 $0xFFFFC000  }
0x53: {  	_ =	swait.ge [sflag:s19], $0x4000  }
0x54: {  	[sflag:s19] =	ssyncset.done $0x0  }
0x55: {  	s26 =	simm.s32 $0x0;
	[sflag:s19] =	ssyncadd.s32 $0xFFFFC000  }
0x56: {  	[tilespmem:s26], [sflag:$0x3] =	stream.linear.gather [hbm4b:s9+s26], $0x1480, $0x38;
	[tilespmem:$0x1EC00] =	vst v63  }
0x57: {  	_ =	swait.ge [sflag:s14], $0x1480  }
0x58: {  	[sflag:s14] =	ssyncset.done $0x0  }
0x59: {  	[sflag:s14] =	ssyncadd.s32 $0xFFFFEB80  }
0x5a: {  	[tilespmem:s15], [sflag:$0x3] =	stream.linear.gather [hbm4b:s10+s26], $0x1480, $0x38;
	[tilespmem:$0x1EC00] =	vst v63  }
0x5b: {  	_ =	swait.ge [sflag:s14], $0x1480  }
0x5c: {  	[sflag:s14] =	ssyncset.done $0x0  }
0x5d: {  	[sflag:s14] =	ssyncadd.s32 $0xFFFFEB80  }
0x5e: {  	[tilespmem:s17], [sflag:$0x1] =	stream.indirect.gather [hbm4b:s1+s16], $0x80, s26, s16, $0xb8;
	[tilespmem:$0x1EC00] =	vst v63  }
0x5f: {  	s28 =	simm.s32 $0x80  }
0x60: {  	[tilespmem:s18], [sflag:$0x2] =	stream.indirect.gather [hbm4b:s1+s16], $0x80, s28, s16, $0xb8;
	[tilespmem:$0x1EC00] =	vst v63  }
0x61: {  	_ =	swait.ge [sflag:s19], $0x4000  }
0x62: {  	[sflag:s19] =	ssyncset.done $0x0  }
0x63: {  	s29 =	simm.s32 $0x1800;
	[sflag:s19] =	ssyncadd.s32 $0xFFFFC000  }
0x64: {  	[spmem:s3] =	stream.indirect.scatter.add.f32 [tilespmem:s17], [sflag:$0x3], $0x80, s29, s16, $0xb8;
	[tilespmem:$0x1EC00] =	vst v63  }
0x65: {  	_ =	swait.ge [sflag:s14], $0x4000  }
0x66: {  	[sflag:s14] =	ssyncset.done $0x0  }
0x67: {  	s30 =	simm.s32 $0x100;
	[sflag:s14] =	ssyncadd.s32 $0xFFFFC000  }
0x68: {  	[tilespmem:s17], [sflag:$0x1] =	stream.indirect.gather [hbm4b:s1+s16], $0x80, s30, s16, $0xb8;
	[tilespmem:$0x1EC00] =	vst v63  }
0x69: {  	_ =	swait.ge [sflag:s20], $0x4000  }
0x6a: {  	[sflag:s20] =	ssyncset.done $0x0  }
0x6b: {  	s31 =	simm.s32 $0x1880;
	[sflag:s20] =	ssyncadd.s32 $0xFFFFC000  }
0x6c: {  	[spmem:s3] =	stream.indirect.scatter.add.f32 [tilespmem:s18], [sflag:$0x3], $0x80, s31, s16, $0xb8;
	[tilespmem:$0x1EC00] =	vst v63  }
0x6d: {  	_ =	swait.ge [sflag:s14], $0x4000  }
0x6e: {  	s22 =	simm.s32 $0x100;
	s23 =	simm.s32 $0x800;
	[sflag:s14] =	ssyncset.done $0x0  }
.LBB2_4:
0x6f: {  	s24 =	sadd.s32 $0x80, s22  }
0x70: {  	[sflag:s14] =	ssyncadd.s32 $0xFFFFC000;
	s25 =	smov.u32 s23;
	s26 =	sadd.s32 $0x400, s23  }
0x71: {  	[tilespmem:s18], [sflag:$0x2] =	stream.indirect.gather [hbm4b:s1+s16], $0x80, s24, s16, $0xb8;
	[tilespmem:$0x1EC00] =	vst v63  }
0x72: {  	p0 =	sne.s32 s23, $0x4C00;
	_ =	swait.ge [sflag:s19], $0x4000  }
0x73: {  	[sflag:s19] =	ssyncset.done $0x0  }
0x74: {  	s23 =	sadd.s32 $0x1800, s22;
	[sflag:s19] =	ssyncadd.s32 $0xFFFFC000  }
0x75: {  	[spmem:s3] =	stream.indirect.scatter.add.f32 [tilespmem:s17], [sflag:$0x3], $0x80, s23, s16, $0xb8;
	[tilespmem:$0x1EC00] =	vst v63  }
0x76: {  	_ =	swait.ge [sflag:s14], $0x4000  }
0x77: {  	[sflag:s14] =	ssyncset.done $0x0  }
0x78: {  	s23 =	sadd.s32 $0x100, s22;
	[sflag:s14] =	ssyncadd.s32 $0xFFFFC000  }
0x79: {  	[tilespmem:s17], [sflag:$0x1] =	stream.indirect.gather [hbm4b:s1+s16], $0x80, s23, s16, $0xb8;
	[tilespmem:$0x1EC00] =	vst v63  }
0x7a: {  	_ =	swait.ge [sflag:s20], $0x4000  }
.Ltmp1:
0x7b: {  	[sflag:s20] =	ssyncset.done $0x0;
	(pc) =	sbr.rel @p0 .LBB2_4-.Ltmp1, $4  }
0x7c: {  	s22 =	sadd.s32 $0x1880, s22;
	[sflag:s20] =	ssyncadd.s32 $0xFFFFC000  }
0x7d: {  	[spmem:s3] =	stream.indirect.scatter.add.f32 [tilespmem:s18], [sflag:$0x3], $0x80, s22, s16, $0xb8;
	[tilespmem:$0x1EC00] =	vst v63  }
0x7e: {  	_ =	swait.ge [sflag:s14], $0x4000  }
0x7f: {  	s23 =	smov.u32 s26;
	s22 =	sshra.s32 s25, $0x2;
	[sflag:s14] =	ssyncset.done $0x0  }
0x80: {  	s23 =	sadd.s32 $0x80, s22;
	[sflag:s14] =	ssyncadd.s32 $0xFFFFC000  }
0x81: {  	[tilespmem:s18], [sflag:$0x2] =	stream.indirect.gather [hbm4b:s1+s16], $0x80, s23, s16, $0xb8;
	[tilespmem:$0x1EC00] =	vst v63  }
0x82: {  	_ =	swait.ge [sflag:s19], $0x4000  }
0x83: {  	[sflag:s19] =	ssyncset.done $0x0  }
0x84: {  	s29 =	sadd.s32 $0x1800, s22;
	[sflag:s19] =	ssyncadd.s32 $0xFFFFC000  }
0x85: {  	[spmem:s3] =	stream.indirect.scatter.add.f32 [tilespmem:s17], [sflag:$0x3], $0x80, s29, s16, $0xb8;
	[tilespmem:$0x1EC00] =	vst v63  }
0x86: {  	_ =	swait.ge [sflag:s14], $0x4000  }
0x87: {  	[sflag:s14] =	ssyncset.done $0x0  }
0x88: {  	s30 =	sadd.s32 $0x100, s22;
	[sflag:s14] =	ssyncadd.s32 $0xFFFFC000  }
0x89: {  	[tilespmem:s17], [sflag:$0x1] =	stream.indirect.gather [hbm4b:s1+s16], $0x80, s30, s16, $0xb8;
	[tilespmem:$0x1EC00] =	vst v63  }
0x8a: {  	_ =	swait.ge [sflag:s20], $0x4000  }
0x8b: {  	[sflag:s20] =	ssyncset.done $0x0  }
0x8c: {  	s31 =	sadd.s32 $0x1880, s22;
	[sflag:s20] =	ssyncadd.s32 $0xFFFFC000  }
0x8d: {  	[spmem:s3] =	stream.indirect.scatter.add.f32 [tilespmem:s18], [sflag:$0x3], $0x80, s31, s16, $0xb8;
	[tilespmem:$0x1EC00] =	vst v63  }
0x8e: {  	_ =	swait.ge [sflag:s14], $0x4000  }
0x8f: {  	[sflag:s14] =	ssyncset.done $0x0  }
0x90: {  	[sflag:s14] =	ssyncadd.s32 $0xFFFFC000  }
0x91: {  	_ =	swait.ge [sflag:s19], $0x4000  }
0x92: {  	s21 =	sadd.s32 $0x1, s21;
	[sflag:s19] =	ssyncset.done $0x0  }
0x93: {  	p0 =	sne.s32 s21, s12;
	[sflag:s19] =	ssyncadd.s32 $0xFFFFC000  }
.Ltmp2:
0x94: {  	[bflag:$0x0] =	sbarrier.arrive $0xFFFF;
	(pc) =	sbr.rel @p0 .LBB2_1-.Ltmp2, $4  }
0x95: {  	[hbm:s11], [sflag:s6] =	dma.local [spmem:s13], $0x2780  }
0x96: {  	_ =	swait.ge [sflag:s14], $0x2780  }
0x97: {  	[sflag:s14] =	ssyncset.done $0x0  }
0x98: {  	[sflag:s14] =	ssyncadd.s32 $0xFFFFD880  }
0x99: {  	_ =	sfence.sel $0x180000  }
0x9a: {  	[bflag:$0x0] =	sbarrier.arrive $0xFFFF  }
0x9b: {  	p0 =	sne.s32 s2, $0x0;
	_ =	strace $0x9000004A  }
0x9c: {  	s0 =	sadd.s32 @!p0 $0x100000, s0;
	[bflag:$0x2] =	sbarrier.arrive $0xFFFF  }
0x9d: {  	[sflag:s0] =	ssyncadd.tile.s32 @!p0 $0x1;
	_ =	shalt  }
.Lfunc_end2:
_tile_overlayer_lowered:
.L_overlay_start_2:
0x9e: {  	(tag) =	ssettag $0x2  }
0x9f: {  	s0 =	rddreg [dreg:$0x0];
	s2 =	stileid.u32  }
0xa0: {  	s1 =	rddreg [dreg:$0x1];
	p0 =	sne.s32 s2, $0x0  }
0xa1: {  	s3 =	rddreg [dreg:$0x2];
	[bflag:$0x3] =	sbarrier.arrive $0xFFFF;
	s2 =	simm.s32 @!p0 $0x1C03  }
0xa2: {  	[timem:s3], [sflag:s2] =	dma.local @!p0 [hbm:s0], s1  }
0xa3: {  	s0 =	simm.s32 @!p0 $0x3  }
0xa4: {  	_ =	swait.ge @!p0 [sflag:s0], s1  }
0xa5: {  	s1 =	ssub.s32 @!p0 $0x0, s1;
	[sflag:s0] =	ssyncset.done @!p0 $0x0  }
0xa6: {  	[sflag:s0] =	ssyncadd.s32 @!p0 s1  }
0xa7: {  	[bflag:$0x3] =	sbarrier.arrive $0xFFFF  }
0xa8: {  	_ =	shalt  }

// kernel: kernel.22.cloned.1.call-start
scs
__scs_entry_jumppad:
0x0: {  	(pc) =	sbr.rel $0x88, $3  }
0x1: {  	(tag) =	ssettag $0x0;
	lr =	simm.s32 $0x1  }
0x2: {  	[smem:$0x3F8D] =	sst lr;
	_ =	strace $0xD0000000  }
0x3: {  	_ = 	snop  }
0x4: {  	_ = 	snop  }
0x5: {  	_ = 	snop  }
0x6: {  	_ = 	snop  }
0x7: {  	_ = 	snop  }
__scs_overlays_trampoline_lowered:
0x8: {  	[smem:$0x3F9C] =	sst s0  }
0x9: {  	[smem:$0x3F9D] =	sst s1  }
0xa: {  	[smem:$0x3F9E] =	sst s2  }
0xb: {  	[smem:$0x3F9F] =	sst s3  }
0xc: {  	[smem:$0x3FA0] =	sst s4  }
0xd: {  	[smem:$0x3FA1] =	sst s5  }
0xe: {  	[smem:$0x3FA2] =	sst s6  }
0xf: {  	[smem:$0x3FA3] =	sst s7  }
0x10: {  	[smem:$0x3FA4] =	sst s8  }
0x11: {  	[smem:$0x3FA5] =	sst s9;
	s0 =	simm.s32 @!p0 $0x0  }
0x12: {  	s1 =	sld [smem:$0x3F8B];
	s0 =	simm.s32 @p0 $0x1  }
0x13: {  	[smem:$0x3FA6] =	sst s0;
	s0 =	simm.s32 @!p1 $0x0  }
0x14: {  	s2 =	sld [smem:$0x3F8A];
	s0 =	simm.s32 @p1 $0x1  }
0x15: {  	[smem:$0x3FA7] =	sst s0;
	s0 =	simm.s32 @!p2 $0x0  }
0x16: {  	s3 =	sld [smem:$0x3FDB];
	s0 =	simm.s32 @p2 $0x1  }
0x17: {  	s4 =	simm.s32 $0x1BF5;
	[smem:$0x3FA9] =	sst s0  }
0x18: {  	s0 =	sld [smem:$0x3F8C];
	_ =	swait.ge [sflag:s4], $0x0  }
0x19: {  	s7 =	sld [smem:$0x3F8D]  }
0x1a: {  	s8 =	sadd.s32 $0xFFFFE003, lr  }
0x1b: {  	s9 =	sadd.s32 $0xFFFFFEF7, lr;
	s5 =	simm.s32 $0xFFFFFFFF;
	p2 =	slt.u32 s8, $0xFFFFF086  }
0x1c: {  	p1 =	slt.u32 s9, $0xF7A;
	s5 =	simm.s32 @!p2 $0x0  }
0x1d: {  	s5 =	simm.s32 @p1 $0x1;
	p0 =	seq.s32 s7, s2  }
0x1e: {  	s7 =	smul.u32 @!p0 $0xF7A, s2;
	p2 =	seq.s32 @!p0 s5, $0x0  }
0x1f: {  	s9 =	smul.u32 $0xF7A, s1;
	s8 =	simm.s32 @!p0 $0x1BF5;
	p2 =	por !p2, p0  }
0x20: {  	[sflag:s8] =	ssyncset.s32 @!p0 $0xFFFFF086;
	s6 =	sadd.s32 @!p0 s3, s7;
	s7 =	simm.s32 @!p0 $0x108  }
0x21: {  	s3 =	sadd.s32 s3, s9;
	s6 =	sadd.s32 @!p0 $0x88, s6;
	s7 =	simm.s32 @p2 $0x1082  }
0x22: {  	[simem:s7], [sflag:s8] =	dma.local @!p0 [hbm:s6], $0xF7A  }
0x23: {  	s9 =	sor.u32 $0xD0000000, s2;
	s6 =	simm.s32 $0x108;
	_ =	swait.ge @!p0 [sflag:s8], $0x0  }
0x24: {  	s3 =	sadd.s32 $0x88, s3;
	s6 =	simm.s32 @!p1 $0x1082;
	[sflag:s4] =	ssyncset.s32 $0xFFFFF086  }
0x25: {  	[simem:s6], [sflag:s4] =	dma.local [hbm:s3], $0xF7A  }
0x26: {  	[smem:$0x3F8D] =	sst s1;
	(tag) =	ssettag s2;
	_ =	strace s9  }
0x27: {  	s1 =	sld [smem:$0x3F9D]  }
0x28: {  	s2 =	sld [smem:$0x3F9E]  }
0x29: {  	s4 =	sld [smem:$0x3FA0]  }
0x2a: {  	p0 =	seq.s32 s5, $0x0;
	s5 =	sld [smem:$0x3FA1]  }
0x2b: {  	s6 =	sld [smem:$0x3FA2]  }
0x2c: {  	s7 =	sld [smem:$0x3FA3]  }
0x2d: {  	s3 =	simm.s32 $0x108;
	s8 =	sld [smem:$0x3FA4]  }
0x2e: {  	s3 =	simm.s32 @!p0 $0x1082;
	s9 =	sld [smem:$0x3FA5]  }
0x2f: {  	lr =	sadd.s32 s0, s3;
	s0 =	sld [smem:$0x3F9C]  }
0x30: {  	s3 =	sld [smem:$0x3F9F]  }
0x31: {  	[smem:$0x3FA8] =	sst s10  }
0x32: {  	s10 =	sld [smem:$0x3FA6];
	_ =	sdelay $0x3  }
0x33: {  	p0 =	seq.s32 s10, $0x1;
	s10 =	sld [smem:$0x3FA8];
	_ =	sdelay $0x3  }
0x34: {  	[smem:$0x3FA8] =	sst s10  }
0x35: {  	s10 =	sld [smem:$0x3FA7];
	_ =	sdelay $0x3  }
0x36: {  	p1 =	seq.s32 s10, $0x1;
	s10 =	sld [smem:$0x3FA8];
	_ =	sdelay $0x3  }
0x37: {  	[smem:$0x3FA8] =	sst s10  }
0x38: {  	s10 =	sld [smem:$0x3FA9]  }
0x39: {  	_ = 	snop;
	(pc) =	sbr.ind lr, $3  }
0x3a: {  	_ = 	snop  }
0x3b: {  	_ = 	snop  }
0x3c: {  	p2 =	seq.s32 s10, $0x1;
	s10 =	sld [smem:$0x3FA8]  }
0x3d: {  	_ =	shalt  }
0x3e: {  	_ =	shalt  }
0x3f: {  	_ =	shalt  }
0x40: {  	_ =	shalt  }
0x41: {  	_ =	shalt  }
0x42: {  	_ =	shalt  }
0x43: {  	_ =	shalt  }
0x44: {  	_ =	shalt  }
0x45: {  	_ =	shalt  }
0x46: {  	_ =	shalt  }
0x47: {  	_ =	shalt  }
0x48: {  	_ =	shalt  }
0x49: {  	_ =	shalt  }
0x4a: {  	_ =	shalt  }
0x4b: {  	_ =	shalt  }
0x4c: {  	_ =	shalt  }
0x4d: {  	_ =	shalt  }
0x4e: {  	_ =	shalt  }
0x4f: {  	_ =	shalt  }
0x50: {  	_ =	shalt  }
0x51: {  	_ =	shalt  }
0x52: {  	_ =	shalt  }
0x53: {  	_ =	shalt  }
0x54: {  	_ =	shalt  }
0x55: {  	_ =	shalt  }
0x56: {  	_ =	shalt  }
0x57: {  	_ =	shalt  }
0x58: {  	_ =	shalt  }
0x59: {  	_ =	shalt  }
0x5a: {  	_ =	shalt  }
0x5b: {  	_ =	shalt  }
0x5c: {  	_ =	shalt  }
0x5d: {  	_ =	shalt  }
0x5e: {  	_ =	shalt  }
0x5f: {  	_ =	shalt  }
0x60: {  	_ =	shalt  }
0x61: {  	_ =	shalt  }
0x62: {  	_ =	shalt  }
0x63: {  	_ =	shalt  }
0x64: {  	_ =	shalt  }
0x65: {  	_ =	shalt  }
0x66: {  	_ =	shalt  }
0x67: {  	_ =	shalt  }
0x68: {  	_ =	shalt  }
0x69: {  	_ =	shalt  }
0x6a: {  	_ =	shalt  }
0x6b: {  	_ =	shalt  }
0x6c: {  	_ =	shalt  }
0x6d: {  	_ =	shalt  }
0x6e: {  	_ =	shalt  }
0x6f: {  	_ =	shalt  }
0x70: {  	_ =	shalt  }
0x71: {  	_ =	shalt  }
0x72: {  	_ =	shalt  }
0x73: {  	_ =	shalt  }
0x74: {  	_ =	shalt  }
0x75: {  	_ =	shalt  }
0x76: {  	_ =	shalt  }
0x77: {  	_ =	shalt  }
0x78: {  	_ =	shalt  }
0x79: {  	_ =	shalt  }
0x7a: {  	_ =	shalt  }
0x7b: {  	_ =	shalt  }
0x7c: {  	_ =	shalt  }
0x7d: {  	_ =	shalt  }
0x7e: {  	_ =	shalt  }
0x7f: {  	_ =	shalt  }
0x80: {  	_ =	shalt  }
0x81: {  	_ =	shalt  }
0x82: {  	_ =	shalt  }
0x83: {  	_ =	shalt  }
0x84: {  	_ =	shalt  }
0x85: {  	_ =	shalt  }
0x86: {  	_ =	shalt  }
0x87: {  	_ =	shalt  }
.Lfunc_end0:
.L_simem_size_0:
called_computation.2_lowered:
.L_overlay_start_0:
0x88: {  	s2 =	sld [smem:$0x3FD9]  }
0x89: {  	s3 =	sld [smem:$0x3FFE];
	_ =	sdelay $0x1  }
0x8a: {  	s1 =	srdreg.scid  }
0x8b: {  	s0 =	sand.u32 $0x1, s1  }
0x8c: {  	s17 =	sshll.u32 s0, $0xA;
	s2 =	sadd.s32 s3, s2  }
0x8d: {  	s2 =	sadd.s32 s2, s17  }
0x8e: {  	[smem:$0x3FB4] =	sst s2  }
0x8f: {  	_ = 	snop  }
0x90: {  	s2 =	sld [smem:$0x3FD0];
	(tm) =	ssettm $0x1  }
0x91: {  	s18 =	sld [smem:$0x3FFB];
	_ =	sdelay $0x3  }
0x92: {  	_ =	strace s18  }
0x93: {  	s3 =	sld [smem:$0x3FFC];
	_ =	sdelay $0x3  }
0x94: {  	_ =	strace s3  }
0x95: {  	s3 =	sld [smem:$0x3FFD];
	_ =	sdelay $0x3  }
0x96: {  	_ =	strace s3  }
0x97: {  	_ =	strace $0x8FFFFFFF  }
0x98: {  	s19 =	sld [smem:$0x3FDB];
	_ =	sdelay $0x1  }
0x99: {  	s4 =	simm.s32 $_scs_section_size  }
0x9a: {  	s5 =	simm.s32 $_size__tile_overlayer_lowered;
	s6 =	simm.s32 $_tile_overlayer_lowered  }
0x9b: {  	s22 =	simm.s32 $0x1BFF;
	s21 =	sshll.u32 s6, $0x1;
	s3 =	sadd.s32 s4, s19  }
0x9c: {  	s7 =	simm.s32 $0x0;
	s20 =	sshll.u32 s5, $0x1;
	s5 =	sadd.s32 s21, s3  }
0x9d: {  	[timem:s7], [sflag:s22] =	dma.local [hbm:s5], s20  }
0x9e: {  	_ =	swait.ge [sflag:s22], s20  }
0x9f: {  	s4 =	ssub.s32 $0x0, s20;
	[sflag:s22] =	ssyncset.done $0x0  }
0xa0: {  	[sflag:s22] =	ssyncadd.s32 s4;
	_ =	sdelay $0x1  }
0xa1: {  	s23 =	simm.s32 $0x1B8B  }
0xa2: {  	_ =	swait.ge [sflag:s23], $0x1  }
0xa3: {  	[sflag:s23] =	ssyncset.done $0x0  }
0xa4: {  	s25 =	simm.s32 $0x1B8E;
	s24 =	sld [smem:$0x3FFE];
	[sflag:s23] =	ssyncadd.s32 $0xFFFFFFFF  }
0xa5: {  	s26 =	simm.s32 $execute0_lowered;
	[smem:$0x3FD2] =	sst s25  }
0xa6: {  	s5 =	sshll.u32 s26, $0x1;
	_ =	strace $0x8000004C;
	[dreg:$0x1] =	wrdreg $0xFFFFFFFF  }
0xa7: {  	s28 =	simm.s32 $_size_execute0_lowered;
	s3 =	sadd.s32 s3, s5;
	[dreg:$0x0] =	wrdreg $0x0  }
0xa8: {  	s5 =	sshll.u32 s28, $0x1;
	[dreg:$0x2] =	wrdreg s3  }
0xa9: {  	[dreg:$0x3] =	wrdreg s5  }
0xaa: {  	[dreg:$0x4] =	wrdreg $0xC0  }
0xab: {  	_ =	task [dreg:s7], $0x5FFFF  }
0xac: {  	[dreg:$0x1] =	wrdreg $0xFFFFFFFF  }
0xad: {  	[dreg:$0x0] =	wrdreg $0x60  }
0xae: {  	[dreg:$0x2] =	wrdreg s2  }
0xaf: {  	[dreg:$0x3] =	wrdreg s24  }
0xb0: {  	[dreg:$0x4] =	wrdreg $0xB0000  }
0xb1: {  	[dreg:$0x5] =	wrdreg $0x9  }
0xb2: {  	_ =	task.clear_ibuf [dreg:s7], $0x6FFFF;
	_ =	strace $0x9000004C  }
0xb3: {  	s29 =	simm.s32 $0x9;
	_ =	strace $0x8000004E  }
0xb4: {  	_ =	swait.ge [sflag:s29], $0x1  }
0xb5: {  	[sflag:s29] =	ssyncadd.s32 $0xFFFFFFFF  }
0xb6: {  	_ =	strace $0x9000004E  }
0xb7: {  	_ =	sfence  }
0xb8: {  	s30 =	sld [smem:$0x0];
	_ =	sdelay $0x2  }
0xb9: {  	s31 =	sshll.u32 s1, $0xD;
	s1 =	sshrl.u32 s1, $0x2  }
0xba: {  	s3 =	sand.u32 $0x4000, s31;
	s1 =	sadd.s32 s1, s30  }
0xbb: {  	s0 =	sor.u32 s3, s0;
	s1 =	sshll.u32 s1, $0x11  }
0xbc: {  	s0 =	sor.u32 s1, s0  }
0xbd: {  	s0 =	sadd.s32 $0x8F2B, s0  }
0xbe: {  	[sflag:s0] =	ssyncadd.remote.s32 $0x1  }
0xbf: {  	_ =	sfence.sel $0xFFFF  }
0xc0: {  	[dreg:$0x0] =	wrdreg $0xFFFFFFFF;
	(pc) =	sbr.abs _section_cstart, $3  }
0xc1: {  	[dreg:$0x1] =	wrdreg $0xFFFFFFFF  }
0xc2: {  	_ =	task.clear_ibuf [dreg:s7], $0x2FFFF;
	_ =	strace $0x9FFFFFFF  }
0xc3: {  	(tm) =	ssettm $0x7FFFFFFF  }
tec
execute0_lowered:
.L_overlay_start_1:
0x0: {  	(tag) =	ssettag $0x1  }
0x1: {  	s1 =	rddreg [dreg:$0x0]  }
0x2: {  	s5 =	rddreg [dreg:$0x1]  }
0x3: {  	s3 =	rddreg [dreg:$0x2]  }
0x4: {  	s0 =	rddreg [dreg:$0x3];
	s4 =	simm.s32 $0x0;
	s2 =	stileid.u32  }
0x5: {  	s6 =	srdreg.scid;
	s16 =	simm.s32 $0x80;
	s17 =	simm.s32 $0x3000  }
0x6: {  	s18 =	simm.s32 $0x7000;
	s19 =	simm.s32 $0x1;
	s7 =	smul.u32 $0x13C00, s2  }
0x7: {  	s20 =	simm.s32 $0x2;
	s21 =	simm.s32 $0x0;
	s11 =	smul.u32 $0x4F000, s2  }
0x8: {  	[smem:$0x7FF] =	sst s4;
	s6 =	sand.u32 $0x1, s6;
	s13 =	smul.u32 $0x3000, s2  }
0x9: {  	s9 =	sadd.s32 $0x87A00, s5;
	s10 =	sadd.s32 $0x5200, s5;
	s8 =	smul.u32 $0x13C000, s6  }
0xa: {  	s30 =	sshll.u32 s2, $0x6;
	s24 =	smul.u32 $0x30000, s6;
	s6 =	ssub.s32 $0x2, s6  }
0xb: {  	_ =	strace $0x8000004D;
	s12 =	sshrl.u32 s7, $0x3;
	s25 =	sshrl.u32 s6, $0x1  }
0xc: {  	s26 =	sshrl.u32 s11, $0x2;
	s7 =	sadd.s32 s7, s8;
	s12 =	sadd.s32 s12, s5  }
0xd: {  	s15 =	ssub.s32 s6, s25;
	s28 =	sadd.s32 s13, s24;
	s29 =	sadd.s32 s26, s3  }
0xe: {  	s6 =	sor.u32 $0x1C03, s30;
	s7 =	sshrl.u32 s7, $0x3;
	s8 =	sshrl.u32 s28, $0x3  }
0xf: {  	s13 =	sshrl.u32 s29, $0x3;
	s14 =	sadd.s32 s7, s5;
	s5 =	sadd.s32 $0x11200, s12  }
0x10: {  	s31 =	sadd.s32 $0x300, s8;
	s7 =	sadd.s32 s9, s8;
	s8 =	sadd.s32 s10, s8  }
0x11: {  	s12 =	smax.u32 s15, $0x1;
	s15 =	simm.s32 $0x1800;
	s9 =	sadd.s32 s9, s31  }
0x12: {  	s10 =	sadd.s32 s10, s31;
	s11 =	sadd.s32 $0x38A00, s14;
	s14 =	simm.s32 $0x3  }
.LBB2_1:
0x13: {  	[spmem:s13], [sflag:s6] =	dma.local [hbm:s5], $0x2780  }
0x14: {  	_ =	swait.ge [sflag:s14], $0x2780  }
0x15: {  	[sflag:s14] =	ssyncset.done $0x0  }
0x16: {  	[sflag:s14] =	ssyncadd.s32 $0xFFFFD880  }
0x17: {  	[bflag:$0x0] =	sbarrier.arrive $0xFFFF  }
0x18: {  	[tilespmem:s4], [sflag:$0x3] =	stream.linear.gather [hbm4b:s7+s4], $0x1480, $0x38;
	[tilespmem:$0x1EC00] =	vst v63  }
0x19: {  	_ =	swait.ge [sflag:s14], $0x1480  }
0x1a: {  	[sflag:s14] =	ssyncset.done $0x0  }
0x1b: {  	[sflag:s14] =	ssyncadd.s32 $0xFFFFEB80  }
0x1c: {  	[tilespmem:s15], [sflag:$0x3] =	stream.linear.gather [hbm4b:s8+s4], $0x1480, $0x38;
	[tilespmem:$0x1EC00] =	vst v63  }
0x1d: {  	_ =	swait.ge [sflag:s14], $0x1480  }
0x1e: {  	[sflag:s14] =	ssyncset.done $0x0  }
0x1f: {  	[sflag:s14] =	ssyncadd.s32 $0xFFFFEB80  }
0x20: {  	[tilespmem:s17], [sflag:$0x1] =	stream.indirect.gather [hbm4b:s1+s16], $0x80, s4, s16, $0xb8;
	[tilespmem:$0x1EC00] =	vst v63  }
0x21: {  	s22 =	simm.s32 $0x80  }
0x22: {  	[tilespmem:s18], [sflag:$0x2] =	stream.indirect.gather [hbm4b:s1+s16], $0x80, s22, s16, $0xb8;
	[tilespmem:$0x1EC00] =	vst v63  }
0x23: {  	_ =	swait.ge [sflag:s19], $0x4000  }
0x24: {  	[sflag:s19] =	ssyncset.done $0x0  }
0x25: {  	s29 =	simm.s32 $0x1800;
	[sflag:s19] =	ssyncadd.s32 $0xFFFFC000  }
0x26: {  	[spmem:s3] =	stream.indirect.scatter.add.f32 [tilespmem:s17], [sflag:$0x3], $0x80, s29, s16, $0xb8;
	[tilespmem:$0x1EC00] =	vst v63  }
0x27: {  	_ =	swait.ge [sflag:s14], $0x4000  }
0x28: {  	[sflag:s14] =	ssyncset.done $0x0  }
0x29: {  	s30 =	simm.s32 $0x100;
	[sflag:s14] =	ssyncadd.s32 $0xFFFFC000  }
0x2a: {  	[tilespmem:s17], [sflag:$0x1] =	stream.indirect.gather [hbm4b:s1+s16], $0x80, s30, s16, $0xb8;
	[tilespmem:$0x1EC00] =	vst v63  }
0x2b: {  	_ =	swait.ge [sflag:s20], $0x4000  }
0x2c: {  	[sflag:s20] =	ssyncset.done $0x0  }
0x2d: {  	s31 =	simm.s32 $0x1880;
	[sflag:s20] =	ssyncadd.s32 $0xFFFFC000  }
0x2e: {  	[spmem:s3] =	stream.indirect.scatter.add.f32 [tilespmem:s18], [sflag:$0x3], $0x80, s31, s16, $0xb8;
	[tilespmem:$0x1EC00] =	vst v63  }
0x2f: {  	_ =	swait.ge [sflag:s14], $0x4000  }
0x30: {  	s23 =	simm.s32 $0x800;
	s22 =	simm.s32 $0x100;
	[sflag:s14] =	ssyncset.done $0x0  }
.LBB2_2:
0x31: {  	s24 =	sadd.s32 $0x80, s22  }
0x32: {  	[sflag:s14] =	ssyncadd.s32 $0xFFFFC000;
	s25 =	smov.u32 s23;
	s26 =	sadd.s32 $0x400, s23  }
0x33: {  	[tilespmem:s18], [sflag:$0x2] =	stream.indirect.gather [hbm4b:s1+s16], $0x80, s24, s16, $0xb8;
	[tilespmem:$0x1EC00] =	vst v63  }
0x34: {  	p0 =	sne.s32 s23, $0x4C00;
	_ =	swait.ge [sflag:s19], $0x4000  }
0x35: {  	[sflag:s19] =	ssyncset.done $0x0  }
0x36: {  	s23 =	sadd.s32 $0x1800, s22;
	[sflag:s19] =	ssyncadd.s32 $0xFFFFC000  }
0x37: {  	[spmem:s3] =	stream.indirect.scatter.add.f32 [tilespmem:s17], [sflag:$0x3], $0x80, s23, s16, $0xb8;
	[tilespmem:$0x1EC00] =	vst v63  }
0x38: {  	_ =	swait.ge [sflag:s14], $0x4000  }
0x39: {  	[sflag:s14] =	ssyncset.done $0x0  }
0x3a: {  	s23 =	sadd.s32 $0x100, s22;
	[sflag:s14] =	ssyncadd.s32 $0xFFFFC000  }
0x3b: {  	[tilespmem:s17], [sflag:$0x1] =	stream.indirect.gather [hbm4b:s1+s16], $0x80, s23, s16, $0xb8;
	[tilespmem:$0x1EC00] =	vst v63  }
0x3c: {  	_ =	swait.ge [sflag:s20], $0x4000  }
.Ltmp0:
0x3d: {  	[sflag:s20] =	ssyncset.done $0x0;
	(pc) =	sbr.rel @p0 .LBB2_2-.Ltmp0, $4  }
0x3e: {  	s22 =	sadd.s32 $0x1880, s22;
	[sflag:s20] =	ssyncadd.s32 $0xFFFFC000  }
0x3f: {  	[spmem:s3] =	stream.indirect.scatter.add.f32 [tilespmem:s18], [sflag:$0x3], $0x80, s22, s16, $0xb8;
	[tilespmem:$0x1EC00] =	vst v63  }
0x40: {  	_ =	swait.ge [sflag:s14], $0x4000  }
0x41: {  	s23 =	smov.u32 s26;
	s22 =	sshra.s32 s25, $0x2;
	[sflag:s14] =	ssyncset.done $0x0  }
0x42: {  	s23 =	sadd.s32 $0x80, s22;
	[sflag:s14] =	ssyncadd.s32 $0xFFFFC000  }
0x43: {  	[tilespmem:s18], [sflag:$0x2] =	stream.indirect.gather [hbm4b:s1+s16], $0x80, s23, s16, $0xb8;
	[tilespmem:$0x1EC00] =	vst v63  }
0x44: {  	_ =	swait.ge [sflag:s19], $0x4000  }
0x45: {  	[sflag:s19] =	ssyncset.done $0x0  }
0x46: {  	s31 =	sadd.s32 $0x1800, s22;
	[sflag:s19] =	ssyncadd.s32 $0xFFFFC000  }
0x47: {  	[spmem:s3] =	stream.indirect.scatter.add.f32 [tilespmem:s17], [sflag:$0x3], $0x80, s31, s16, $0xb8;
	[tilespmem:$0x1EC00] =	vst v63  }
0x48: {  	_ =	swait.ge [sflag:s14], $0x4000  }
0x49: {  	[sflag:s14] =	ssyncset.done $0x0  }
0x4a: {  	s24 =	sadd.s32 $0x100, s22;
	[sflag:s14] =	ssyncadd.s32 $0xFFFFC000  }
0x4b: {  	[tilespmem:s17], [sflag:$0x1] =	stream.indirect.gather [hbm4b:s1+s16], $0x80, s24, s16, $0xb8;
	[tilespmem:$0x1EC00] =	vst v63  }
0x4c: {  	_ =	swait.ge [sflag:s20], $0x4000  }
0x4d: {  	[sflag:s20] =	ssyncset.done $0x0  }
0x4e: {  	s25 =	sadd.s32 $0x1880, s22;
	[sflag:s20] =	ssyncadd.s32 $0xFFFFC000  }
0x4f: {  	[spmem:s3] =	stream.indirect.scatter.add.f32 [tilespmem:s18], [sflag:$0x3], $0x80, s25, s16, $0xb8;
	[tilespmem:$0x1EC00] =	vst v63  }
0x50: {  	_ =	swait.ge [sflag:s14], $0x4000  }
0x51: {  	[sflag:s14] =	ssyncset.done $0x0  }
0x52: {  	[sflag:s14] =	ssyncadd.s32 $0xFFFFC000  }
0x53: {  	_ =	swait.ge [sflag:s19], $0x4000  }
0x54: {  	[sflag:s19] =	ssyncset.done $0x0  }
0x55: {  	s26 =	simm.s32 $0x0;
	[sflag:s19] =	ssyncadd.s32 $0xFFFFC000  }
0x56: {  	[tilespmem:s26], [sflag:$0x3] =	stream.linear.gather [hbm4b:s9+s26], $0x1480, $0x38;
	[tilespmem:$0x1EC00] =	vst v63  }
0x57: {  	_ =	swait.ge [sflag:s14], $0x1480  }
0x58: {  	[sflag:s14] =	ssyncset.done $0x0  }
0x59: {  	[sflag:s14] =	ssyncadd.s32 $0xFFFFEB80  }
0x5a: {  	[tilespmem:s15], [sflag:$0x3] =	stream.linear.gather [hbm4b:s10+s26], $0x1480, $0x38;
	[tilespmem:$0x1EC00] =	vst v63  }
0x5b: {  	_ =	swait.ge [sflag:s14], $0x1480  }
0x5c: {  	[sflag:s14] =	ssyncset.done $0x0  }
0x5d: {  	[sflag:s14] =	ssyncadd.s32 $0xFFFFEB80  }
0x5e: {  	[tilespmem:s17], [sflag:$0x1] =	stream.indirect.gather [hbm4b:s1+s16], $0x80, s26, s16, $0xb8;
	[tilespmem:$0x1EC00] =	vst v63  }
0x5f: {  	s28 =	simm.s32 $0x80  }
0x60: {  	[tilespmem:s18], [sflag:$0x2] =	stream.indirect.gather [hbm4b:s1+s16], $0x80, s28, s16, $0xb8;
	[tilespmem:$0x1EC00] =	vst v63  }
0x61: {  	_ =	swait.ge [sflag:s19], $0x4000  }
0x62: {  	[sflag:s19] =	ssyncset.done $0x0  }
0x63: {  	s29 =	simm.s32 $0x1800;
	[sflag:s19] =	ssyncadd.s32 $0xFFFFC000  }
0x64: {  	[spmem:s3] =	stream.indirect.scatter.add.f32 [tilespmem:s17], [sflag:$0x3], $0x80, s29, s16, $0xb8;
	[tilespmem:$0x1EC00] =	vst v63  }
0x65: {  	_ =	swait.ge [sflag:s14], $0x4000  }
0x66: {  	[sflag:s14] =	ssyncset.done $0x0  }
0x67: {  	s30 =	simm.s32 $0x100;
	[sflag:s14] =	ssyncadd.s32 $0xFFFFC000  }
0x68: {  	[tilespmem:s17], [sflag:$0x1] =	stream.indirect.gather [hbm4b:s1+s16], $0x80, s30, s16, $0xb8;
	[tilespmem:$0x1EC00] =	vst v63  }
0x69: {  	_ =	swait.ge [sflag:s20], $0x4000  }
0x6a: {  	[sflag:s20] =	ssyncset.done $0x0  }
0x6b: {  	s31 =	simm.s32 $0x1880;
	[sflag:s20] =	ssyncadd.s32 $0xFFFFC000  }
0x6c: {  	[spmem:s3] =	stream.indirect.scatter.add.f32 [tilespmem:s18], [sflag:$0x3], $0x80, s31, s16, $0xb8;
	[tilespmem:$0x1EC00] =	vst v63  }
0x6d: {  	_ =	swait.ge [sflag:s14], $0x4000  }
0x6e: {  	s22 =	simm.s32 $0x100;
	s23 =	simm.s32 $0x800;
	[sflag:s14] =	ssyncset.done $0x0  }
.LBB2_4:
0x6f: {  	s24 =	sadd.s32 $0x80, s22  }
0x70: {  	[sflag:s14] =	ssyncadd.s32 $0xFFFFC000;
	s25 =	smov.u32 s23;
	s26 =	sadd.s32 $0x400, s23  }
0x71: {  	[tilespmem:s18], [sflag:$0x2] =	stream.indirect.gather [hbm4b:s1+s16], $0x80, s24, s16, $0xb8;
	[tilespmem:$0x1EC00] =	vst v63  }
0x72: {  	p0 =	sne.s32 s23, $0x4C00;
	_ =	swait.ge [sflag:s19], $0x4000  }
0x73: {  	[sflag:s19] =	ssyncset.done $0x0  }
0x74: {  	s23 =	sadd.s32 $0x1800, s22;
	[sflag:s19] =	ssyncadd.s32 $0xFFFFC000  }
0x75: {  	[spmem:s3] =	stream.indirect.scatter.add.f32 [tilespmem:s17], [sflag:$0x3], $0x80, s23, s16, $0xb8;
	[tilespmem:$0x1EC00] =	vst v63  }
0x76: {  	_ =	swait.ge [sflag:s14], $0x4000  }
0x77: {  	[sflag:s14] =	ssyncset.done $0x0  }
0x78: {  	s23 =	sadd.s32 $0x100, s22;
	[sflag:s14] =	ssyncadd.s32 $0xFFFFC000  }
0x79: {  	[tilespmem:s17], [sflag:$0x1] =	stream.indirect.gather [hbm4b:s1+s16], $0x80, s23, s16, $0xb8;
	[tilespmem:$0x1EC00] =	vst v63  }
0x7a: {  	_ =	swait.ge [sflag:s20], $0x4000  }
.Ltmp1:
0x7b: {  	[sflag:s20] =	ssyncset.done $0x0;
	(pc) =	sbr.rel @p0 .LBB2_4-.Ltmp1, $4  }
0x7c: {  	s22 =	sadd.s32 $0x1880, s22;
	[sflag:s20] =	ssyncadd.s32 $0xFFFFC000  }
0x7d: {  	[spmem:s3] =	stream.indirect.scatter.add.f32 [tilespmem:s18], [sflag:$0x3], $0x80, s22, s16, $0xb8;
	[tilespmem:$0x1EC00] =	vst v63  }
0x7e: {  	_ =	swait.ge [sflag:s14], $0x4000  }
0x7f: {  	s23 =	smov.u32 s26;
	s22 =	sshra.s32 s25, $0x2;
	[sflag:s14] =	ssyncset.done $0x0  }
0x80: {  	s23 =	sadd.s32 $0x80, s22;
	[sflag:s14] =	ssyncadd.s32 $0xFFFFC000  }
0x81: {  	[tilespmem:s18], [sflag:$0x2] =	stream.indirect.gather [hbm4b:s1+s16], $0x80, s23, s16, $0xb8;
	[tilespmem:$0x1EC00] =	vst v63  }
0x82: {  	_ =	swait.ge [sflag:s19], $0x4000  }
0x83: {  	[sflag:s19] =	ssyncset.done $0x0  }
0x84: {  	s29 =	sadd.s32 $0x1800, s22;
	[sflag:s19] =	ssyncadd.s32 $0xFFFFC000  }
0x85: {  	[spmem:s3] =	stream.indirect.scatter.add.f32 [tilespmem:s17], [sflag:$0x3], $0x80, s29, s16, $0xb8;
	[tilespmem:$0x1EC00] =	vst v63  }
0x86: {  	_ =	swait.ge [sflag:s14], $0x4000  }
0x87: {  	[sflag:s14] =	ssyncset.done $0x0  }
0x88: {  	s30 =	sadd.s32 $0x100, s22;
	[sflag:s14] =	ssyncadd.s32 $0xFFFFC000  }
0x89: {  	[tilespmem:s17], [sflag:$0x1] =	stream.indirect.gather [hbm4b:s1+s16], $0x80, s30, s16, $0xb8;
	[tilespmem:$0x1EC00] =	vst v63  }
0x8a: {  	_ =	swait.ge [sflag:s20], $0x4000  }
0x8b: {  	[sflag:s20] =	ssyncset.done $0x0  }
0x8c: {  	s31 =	sadd.s32 $0x1880, s22;
	[sflag:s20] =	ssyncadd.s32 $0xFFFFC000  }
0x8d: {  	[spmem:s3] =	stream.indirect.scatter.add.f32 [tilespmem:s18], [sflag:$0x3], $0x80, s31, s16, $0xb8;
	[tilespmem:$0x1EC00] =	vst v63  }
0x8e: {  	_ =	swait.ge [sflag:s14], $0x4000  }
0x8f: {  	[sflag:s14] =	ssyncset.done $0x0  }
0x90: {  	[sflag:s14] =	ssyncadd.s32 $0xFFFFC000  }
0x91: {  	_ =	swait.ge [sflag:s19], $0x4000  }
0x92: {  	s21 =	sadd.s32 $0x1, s21;
	[sflag:s19] =	ssyncset.done $0x0  }
0x93: {  	p0 =	sne.s32 s21, s12;
	[sflag:s19] =	ssyncadd.s32 $0xFFFFC000  }
.Ltmp2:
0x94: {  	[bflag:$0x0] =	sbarrier.arrive $0xFFFF;
	(pc) =	sbr.rel @p0 .LBB2_1-.Ltmp2, $4  }
0x95: {  	[hbm:s11], [sflag:s6] =	dma.local [spmem:s13], $0x2780  }
0x96: {  	_ =	swait.ge [sflag:s14], $0x2780  }
0x97: {  	[sflag:s14] =	ssyncset.done $0x0  }
0x98: {  	[sflag:s14] =	ssyncadd.s32 $0xFFFFD880  }
0x99: {  	_ =	sfence.sel $0x180000  }
0x9a: {  	[bflag:$0x0] =	sbarrier.arrive $0xFFFF  }
0x9b: {  	p0 =	sne.s32 s2, $0x0;
	_ =	strace $0x9000004D  }
0x9c: {  	s0 =	sadd.s32 @!p0 $0x100000, s0;
	[bflag:$0x2] =	sbarrier.arrive $0xFFFF  }
0x9d: {  	[sflag:s0] =	ssyncadd.tile.s32 @!p0 $0x1;
	_ =	shalt  }
.Lfunc_end2:
_tile_overlayer_lowered:
.L_overlay_start_2:
0x9e: {  	(tag) =	ssettag $0x2  }
0x9f: {  	s0 =	rddreg [dreg:$0x0];
	s2 =	stileid.u32  }
0xa0: {  	s1 =	rddreg [dreg:$0x1];
	p0 =	sne.s32 s2, $0x0  }
0xa1: {  	s3 =	rddreg [dreg:$0x2];
	[bflag:$0x3] =	sbarrier.arrive $0xFFFF;
	s2 =	simm.s32 @!p0 $0x1C03  }
0xa2: {  	[timem:s3], [sflag:s2] =	dma.local @!p0 [hbm:s0], s1  }
0xa3: {  	s0 =	simm.s32 @!p0 $0x3  }
0xa4: {  	_ =	swait.ge @!p0 [sflag:s0], s1  }
0xa5: {  	s1 =	ssub.s32 @!p0 $0x0, s1;
	[sflag:s0] =	ssyncset.done @!p0 $0x0  }
0xa6: {  	[sflag:s0] =	ssyncadd.s32 @!p0 s1  }
0xa7: {  	[bflag:$0x3] =	sbarrier.arrive $0xFFFF  }
0xa8: {  	_ =	shalt  }

// kernel: kernel.25.cloned.1.call-start
scs
__scs_entry_jumppad:
0x0: {  	(pc) =	sbr.rel $0x88, $3  }
0x1: {  	(tag) =	ssettag $0x0;
	lr =	simm.s32 $0x1  }
0x2: {  	[smem:$0x3F8D] =	sst lr;
	_ =	strace $0xD0000000  }
0x3: {  	_ = 	snop  }
0x4: {  	_ = 	snop  }
0x5: {  	_ = 	snop  }
0x6: {  	_ = 	snop  }
0x7: {  	_ = 	snop  }
__scs_overlays_trampoline_lowered:
0x8: {  	[smem:$0x3F9C] =	sst s0  }
0x9: {  	[smem:$0x3F9D] =	sst s1  }
0xa: {  	[smem:$0x3F9E] =	sst s2  }
0xb: {  	[smem:$0x3F9F] =	sst s3  }
0xc: {  	[smem:$0x3FA0] =	sst s4  }
0xd: {  	[smem:$0x3FA1] =	sst s5  }
0xe: {  	[smem:$0x3FA2] =	sst s6  }
0xf: {  	[smem:$0x3FA3] =	sst s7  }
0x10: {  	[smem:$0x3FA4] =	sst s8  }
0x11: {  	[smem:$0x3FA5] =	sst s9;
	s0 =	simm.s32 @!p0 $0x0  }
0x12: {  	s1 =	sld [smem:$0x3F8B];
	s0 =	simm.s32 @p0 $0x1  }
0x13: {  	[smem:$0x3FA6] =	sst s0;
	s0 =	simm.s32 @!p1 $0x0  }
0x14: {  	s2 =	sld [smem:$0x3F8A];
	s0 =	simm.s32 @p1 $0x1  }
0x15: {  	[smem:$0x3FA7] =	sst s0;
	s0 =	simm.s32 @!p2 $0x0  }
0x16: {  	s3 =	sld [smem:$0x3FDB];
	s0 =	simm.s32 @p2 $0x1  }
0x17: {  	s4 =	simm.s32 $0x1BF5;
	[smem:$0x3FA9] =	sst s0  }
0x18: {  	s0 =	sld [smem:$0x3F8C];
	_ =	swait.ge [sflag:s4], $0x0  }
0x19: {  	s7 =	sld [smem:$0x3F8D]  }
0x1a: {  	s8 =	sadd.s32 $0xFFFFE003, lr  }
0x1b: {  	s9 =	sadd.s32 $0xFFFFFEF7, lr;
	s5 =	simm.s32 $0xFFFFFFFF;
	p2 =	slt.u32 s8, $0xFFFFF086  }
0x1c: {  	p1 =	slt.u32 s9, $0xF7A;
	s5 =	simm.s32 @!p2 $0x0  }
0x1d: {  	s5 =	simm.s32 @p1 $0x1;
	p0 =	seq.s32 s7, s2  }
0x1e: {  	s7 =	smul.u32 @!p0 $0xF7A, s2;
	p2 =	seq.s32 @!p0 s5, $0x0  }
0x1f: {  	s9 =	smul.u32 $0xF7A, s1;
	s8 =	simm.s32 @!p0 $0x1BF5;
	p2 =	por !p2, p0  }
0x20: {  	[sflag:s8] =	ssyncset.s32 @!p0 $0xFFFFF086;
	s6 =	sadd.s32 @!p0 s3, s7;
	s7 =	simm.s32 @!p0 $0x108  }
0x21: {  	s3 =	sadd.s32 s3, s9;
	s6 =	sadd.s32 @!p0 $0x88, s6;
	s7 =	simm.s32 @p2 $0x1082  }
0x22: {  	[simem:s7], [sflag:s8] =	dma.local @!p0 [hbm:s6], $0xF7A  }
0x23: {  	s9 =	sor.u32 $0xD0000000, s2;
	s6 =	simm.s32 $0x108;
	_ =	swait.ge @!p0 [sflag:s8], $0x0  }
0x24: {  	s3 =	sadd.s32 $0x88, s3;
	s6 =	simm.s32 @!p1 $0x1082;
	[sflag:s4] =	ssyncset.s32 $0xFFFFF086  }
0x25: {  	[simem:s6], [sflag:s4] =	dma.local [hbm:s3], $0xF7A  }
0x26: {  	[smem:$0x3F8D] =	sst s1;
	(tag) =	ssettag s2;
	_ =	strace s9  }
0x27: {  	s1 =	sld [smem:$0x3F9D]  }
0x28: {  	s2 =	sld [smem:$0x3F9E]  }
0x29: {  	s4 =	sld [smem:$0x3FA0]  }
0x2a: {  	p0 =	seq.s32 s5, $0x0;
	s5 =	sld [smem:$0x3FA1]  }
0x2b: {  	s6 =	sld [smem:$0x3FA2]  }
0x2c: {  	s7 =	sld [smem:$0x3FA3]  }
0x2d: {  	s3 =	simm.s32 $0x108;
	s8 =	sld [smem:$0x3FA4]  }
0x2e: {  	s3 =	simm.s32 @!p0 $0x1082;
	s9 =	sld [smem:$0x3FA5]  }
0x2f: {  	lr =	sadd.s32 s0, s3;
	s0 =	sld [smem:$0x3F9C]  }
0x30: {  	s3 =	sld [smem:$0x3F9F]  }
0x31: {  	[smem:$0x3FA8] =	sst s10  }
0x32: {  	s10 =	sld [smem:$0x3FA6];
	_ =	sdelay $0x3  }
0x33: {  	p0 =	seq.s32 s10, $0x1;
	s10 =	sld [smem:$0x3FA8];
	_ =	sdelay $0x3  }
0x34: {  	[smem:$0x3FA8] =	sst s10  }
0x35: {  	s10 =	sld [smem:$0x3FA7];
	_ =	sdelay $0x3  }
0x36: {  	p1 =	seq.s32 s10, $0x1;
	s10 =	sld [smem:$0x3FA8];
	_ =	sdelay $0x3  }
0x37: {  	[smem:$0x3FA8] =	sst s10  }
0x38: {  	s10 =	sld [smem:$0x3FA9]  }
0x39: {  	_ = 	snop;
	(pc) =	sbr.ind lr, $3  }
0x3a: {  	_ = 	snop  }
0x3b: {  	_ = 	snop  }
0x3c: {  	p2 =	seq.s32 s10, $0x1;
	s10 =	sld [smem:$0x3FA8]  }
0x3d: {  	_ =	shalt  }
0x3e: {  	_ =	shalt  }
0x3f: {  	_ =	shalt  }
0x40: {  	_ =	shalt  }
0x41: {  	_ =	shalt  }
0x42: {  	_ =	shalt  }
0x43: {  	_ =	shalt  }
0x44: {  	_ =	shalt  }
0x45: {  	_ =	shalt  }
0x46: {  	_ =	shalt  }
0x47: {  	_ =	shalt  }
0x48: {  	_ =	shalt  }
0x49: {  	_ =	shalt  }
0x4a: {  	_ =	shalt  }
0x4b: {  	_ =	shalt  }
0x4c: {  	_ =	shalt  }
0x4d: {  	_ =	shalt  }
0x4e: {  	_ =	shalt  }
0x4f: {  	_ =	shalt  }
0x50: {  	_ =	shalt  }
0x51: {  	_ =	shalt  }
0x52: {  	_ =	shalt  }
0x53: {  	_ =	shalt  }
0x54: {  	_ =	shalt  }
0x55: {  	_ =	shalt  }
0x56: {  	_ =	shalt  }
0x57: {  	_ =	shalt  }
0x58: {  	_ =	shalt  }
0x59: {  	_ =	shalt  }
0x5a: {  	_ =	shalt  }
0x5b: {  	_ =	shalt  }
0x5c: {  	_ =	shalt  }
0x5d: {  	_ =	shalt  }
0x5e: {  	_ =	shalt  }
0x5f: {  	_ =	shalt  }
0x60: {  	_ =	shalt  }
0x61: {  	_ =	shalt  }
0x62: {  	_ =	shalt  }
0x63: {  	_ =	shalt  }
0x64: {  	_ =	shalt  }
0x65: {  	_ =	shalt  }
0x66: {  	_ =	shalt  }
0x67: {  	_ =	shalt  }
0x68: {  	_ =	shalt  }
0x69: {  	_ =	shalt  }
0x6a: {  	_ =	shalt  }
0x6b: {  	_ =	shalt  }
0x6c: {  	_ =	shalt  }
0x6d: {  	_ =	shalt  }
0x6e: {  	_ =	shalt  }
0x6f: {  	_ =	shalt  }
0x70: {  	_ =	shalt  }
0x71: {  	_ =	shalt  }
0x72: {  	_ =	shalt  }
0x73: {  	_ =	shalt  }
0x74: {  	_ =	shalt  }
0x75: {  	_ =	shalt  }
0x76: {  	_ =	shalt  }
0x77: {  	_ =	shalt  }
0x78: {  	_ =	shalt  }
0x79: {  	_ =	shalt  }
0x7a: {  	_ =	shalt  }
0x7b: {  	_ =	shalt  }
0x7c: {  	_ =	shalt  }
0x7d: {  	_ =	shalt  }
0x7e: {  	_ =	shalt  }
0x7f: {  	_ =	shalt  }
0x80: {  	_ =	shalt  }
0x81: {  	_ =	shalt  }
0x82: {  	_ =	shalt  }
0x83: {  	_ =	shalt  }
0x84: {  	_ =	shalt  }
0x85: {  	_ =	shalt  }
0x86: {  	_ =	shalt  }
0x87: {  	_ =	shalt  }
.Lfunc_end0:
.L_simem_size_0:
called_computation.3_lowered:
.L_overlay_start_0:
0x88: {  	s2 =	sld [smem:$0x3FD9]  }
0x89: {  	s3 =	sld [smem:$0x3FFE];
	_ =	sdelay $0x1  }
0x8a: {  	s1 =	srdreg.scid  }
0x8b: {  	s0 =	sand.u32 $0x1, s1  }
0x8c: {  	s17 =	sshll.u32 s0, $0xA;
	s2 =	sadd.s32 s3, s2  }
0x8d: {  	s2 =	sadd.s32 s2, s17  }
0x8e: {  	[smem:$0x3FB4] =	sst s2  }
0x8f: {  	_ = 	snop  }
0x90: {  	s2 =	sld [smem:$0x3FD0];
	(tm) =	ssettm $0x1  }
0x91: {  	s18 =	sld [smem:$0x3FFB];
	_ =	sdelay $0x3  }
0x92: {  	_ =	strace s18  }
0x93: {  	s3 =	sld [smem:$0x3FFC];
	_ =	sdelay $0x3  }
0x94: {  	_ =	strace s3  }
0x95: {  	s3 =	sld [smem:$0x3FFD];
	_ =	sdelay $0x3  }
0x96: {  	_ =	strace s3  }
0x97: {  	_ =	strace $0x8FFFFFFF  }
0x98: {  	s19 =	sld [smem:$0x3FDB];
	_ =	sdelay $0x1  }
0x99: {  	s4 =	simm.s32 $_scs_section_size  }
0x9a: {  	s5 =	simm.s32 $_size__tile_overlayer_lowered;
	s6 =	simm.s32 $_tile_overlayer_lowered  }
0x9b: {  	s22 =	simm.s32 $0x1BFF;
	s21 =	sshll.u32 s6, $0x1;
	s3 =	sadd.s32 s4, s19  }
0x9c: {  	s7 =	simm.s32 $0x0;
	s20 =	sshll.u32 s5, $0x1;
	s5 =	sadd.s32 s21, s3  }
0x9d: {  	[timem:s7], [sflag:s22] =	dma.local [hbm:s5], s20  }
0x9e: {  	_ =	swait.ge [sflag:s22], s20  }
0x9f: {  	s4 =	ssub.s32 $0x0, s20;
	[sflag:s22] =	ssyncset.done $0x0  }
0xa0: {  	[sflag:s22] =	ssyncadd.s32 s4;
	_ =	sdelay $0x1  }
0xa1: {  	s23 =	simm.s32 $0x1B8B  }
0xa2: {  	_ =	swait.ge [sflag:s23], $0x1  }
0xa3: {  	[sflag:s23] =	ssyncset.done $0x0  }
0xa4: {  	s25 =	simm.s32 $0x1B8E;
	s24 =	sld [smem:$0x3FFE];
	[sflag:s23] =	ssyncadd.s32 $0xFFFFFFFF  }
0xa5: {  	s26 =	simm.s32 $execute0_lowered;
	[smem:$0x3FD2] =	sst s25  }
0xa6: {  	s5 =	sshll.u32 s26, $0x1;
	_ =	strace $0x8000004F;
	[dreg:$0x1] =	wrdreg $0xFFFFFFFF  }
0xa7: {  	s28 =	simm.s32 $_size_execute0_lowered;
	s3 =	sadd.s32 s3, s5;
	[dreg:$0x0] =	wrdreg $0x0  }
0xa8: {  	s5 =	sshll.u32 s28, $0x1;
	[dreg:$0x2] =	wrdreg s3  }
0xa9: {  	[dreg:$0x3] =	wrdreg s5  }
0xaa: {  	[dreg:$0x4] =	wrdreg $0xC0  }
0xab: {  	_ =	task [dreg:s7], $0x5FFFF  }
0xac: {  	[dreg:$0x1] =	wrdreg $0xFFFFFFFF  }
0xad: {  	[dreg:$0x0] =	wrdreg $0x60  }
0xae: {  	[dreg:$0x2] =	wrdreg s2  }
0xaf: {  	[dreg:$0x3] =	wrdreg s24  }
0xb0: {  	[dreg:$0x4] =	wrdreg $0xB0000  }
0xb1: {  	[dreg:$0x5] =	wrdreg $0x9  }
0xb2: {  	_ =	task.clear_ibuf [dreg:s7], $0x6FFFF;
	_ =	strace $0x9000004F  }
0xb3: {  	s29 =	simm.s32 $0x9;
	_ =	strace $0x80000051  }
0xb4: {  	_ =	swait.ge [sflag:s29], $0x1  }
0xb5: {  	[sflag:s29] =	ssyncadd.s32 $0xFFFFFFFF  }
0xb6: {  	_ =	strace $0x90000051  }
0xb7: {  	_ =	sfence  }
0xb8: {  	s30 =	sld [smem:$0x0];
	_ =	sdelay $0x2  }
0xb9: {  	s31 =	sshll.u32 s1, $0xD;
	s1 =	sshrl.u32 s1, $0x2  }
0xba: {  	s3 =	sand.u32 $0x4000, s31;
	s1 =	sadd.s32 s1, s30  }
0xbb: {  	s0 =	sor.u32 s3, s0;
	s1 =	sshll.u32 s1, $0x11  }
0xbc: {  	s0 =	sor.u32 s1, s0  }
0xbd: {  	s0 =	sadd.s32 $0x8F2B, s0  }
0xbe: {  	[sflag:s0] =	ssyncadd.remote.s32 $0x1  }
0xbf: {  	_ =	sfence.sel $0xFFFF  }
0xc0: {  	[dreg:$0x0] =	wrdreg $0xFFFFFFFF;
	(pc) =	sbr.abs _section_cstart, $3  }
0xc1: {  	[dreg:$0x1] =	wrdreg $0xFFFFFFFF  }
0xc2: {  	_ =	task.clear_ibuf [dreg:s7], $0x2FFFF;
	_ =	strace $0x9FFFFFFF  }
0xc3: {  	(tm) =	ssettm $0x7FFFFFFF  }
tec
execute0_lowered:
.L_overlay_start_1:
0x0: {  	(tag) =	ssettag $0x1  }
0x1: {  	s1 =	rddreg [dreg:$0x0]  }
0x2: {  	s5 =	rddreg [dreg:$0x1]  }
0x3: {  	s3 =	rddreg [dreg:$0x2]  }
0x4: {  	s0 =	rddreg [dreg:$0x3];
	s4 =	simm.s32 $0x0;
	s2 =	stileid.u32  }
0x5: {  	s6 =	srdreg.scid;
	s16 =	simm.s32 $0x80;
	s17 =	simm.s32 $0x3000  }
0x6: {  	s18 =	simm.s32 $0x7000;
	s19 =	simm.s32 $0x1;
	s7 =	smul.u32 $0x13C00, s2  }
0x7: {  	s20 =	simm.s32 $0x2;
	s21 =	simm.s32 $0x0;
	s11 =	smul.u32 $0x4F000, s2  }
0x8: {  	[smem:$0x7FF] =	sst s4;
	s6 =	sand.u32 $0x1, s6;
	s13 =	smul.u32 $0x3000, s2  }
0x9: {  	s9 =	sadd.s32 $0x87A00, s5;
	s10 =	sadd.s32 $0x5200, s5;
	s8 =	smul.u32 $0x13C000, s6  }
0xa: {  	s30 =	sshll.u32 s2, $0x6;
	s24 =	smul.u32 $0x30000, s6;
	s6 =	ssub.s32 $0x2, s6  }
0xb: {  	_ =	strace $0x80000050;
	s12 =	sshrl.u32 s7, $0x3;
	s25 =	sshrl.u32 s6, $0x1  }
0xc: {  	s26 =	sshrl.u32 s11, $0x2;
	s7 =	sadd.s32 s7, s8;
	s12 =	sadd.s32 s12, s5  }
0xd: {  	s15 =	ssub.s32 s6, s25;
	s28 =	sadd.s32 s13, s24;
	s29 =	sadd.s32 s26, s3  }
0xe: {  	s6 =	sor.u32 $0x1C03, s30;
	s7 =	sshrl.u32 s7, $0x3;
	s8 =	sshrl.u32 s28, $0x3  }
0xf: {  	s13 =	sshrl.u32 s29, $0x3;
	s14 =	sadd.s32 s7, s5;
	s5 =	sadd.s32 $0x11200, s12  }
0x10: {  	s31 =	sadd.s32 $0x300, s8;
	s7 =	sadd.s32 s9, s8;
	s8 =	sadd.s32 s10, s8  }
0x11: {  	s12 =	smax.u32 s15, $0x1;
	s15 =	simm.s32 $0x1800;
	s9 =	sadd.s32 s9, s31  }
0x12: {  	s10 =	sadd.s32 s10, s31;
	s11 =	sadd.s32 $0x38A00, s14;
	s14 =	simm.s32 $0x3  }
.LBB2_1:
0x13: {  	[spmem:s13], [sflag:s6] =	dma.local [hbm:s5], $0x2780  }
0x14: {  	_ =	swait.ge [sflag:s14], $0x2780  }
0x15: {  	[sflag:s14] =	ssyncset.done $0x0  }
0x16: {  	[sflag:s14] =	ssyncadd.s32 $0xFFFFD880  }
0x17: {  	[bflag:$0x0] =	sbarrier.arrive $0xFFFF  }
0x18: {  	[tilespmem:s4], [sflag:$0x3] =	stream.linear.gather [hbm4b:s7+s4], $0x1480, $0x38;
	[tilespmem:$0x1EC00] =	vst v63  }
0x19: {  	_ =	swait.ge [sflag:s14], $0x1480  }
0x1a: {  	[sflag:s14] =	ssyncset.done $0x0  }
0x1b: {  	[sflag:s14] =	ssyncadd.s32 $0xFFFFEB80  }
0x1c: {  	[tilespmem:s15], [sflag:$0x3] =	stream.linear.gather [hbm4b:s8+s4], $0x1480, $0x38;
	[tilespmem:$0x1EC00] =	vst v63  }
0x1d: {  	_ =	swait.ge [sflag:s14], $0x1480  }
0x1e: {  	[sflag:s14] =	ssyncset.done $0x0  }
0x1f: {  	[sflag:s14] =	ssyncadd.s32 $0xFFFFEB80  }
0x20: {  	[tilespmem:s17], [sflag:$0x1] =	stream.indirect.gather [hbm4b:s1+s16], $0x80, s4, s16, $0xb8;
	[tilespmem:$0x1EC00] =	vst v63  }
0x21: {  	s22 =	simm.s32 $0x80  }
0x22: {  	[tilespmem:s18], [sflag:$0x2] =	stream.indirect.gather [hbm4b:s1+s16], $0x80, s22, s16, $0xb8;
	[tilespmem:$0x1EC00] =	vst v63  }
0x23: {  	_ =	swait.ge [sflag:s19], $0x4000  }
0x24: {  	[sflag:s19] =	ssyncset.done $0x0  }
0x25: {  	s29 =	simm.s32 $0x1800;
	[sflag:s19] =	ssyncadd.s32 $0xFFFFC000  }
0x26: {  	[spmem:s3] =	stream.indirect.scatter.add.f32 [tilespmem:s17], [sflag:$0x3], $0x80, s29, s16, $0xb8;
	[tilespmem:$0x1EC00] =	vst v63  }
0x27: {  	_ =	swait.ge [sflag:s14], $0x4000  }
0x28: {  	[sflag:s14] =	ssyncset.done $0x0  }
0x29: {  	s30 =	simm.s32 $0x100;
	[sflag:s14] =	ssyncadd.s32 $0xFFFFC000  }
0x2a: {  	[tilespmem:s17], [sflag:$0x1] =	stream.indirect.gather [hbm4b:s1+s16], $0x80, s30, s16, $0xb8;
	[tilespmem:$0x1EC00] =	vst v63  }
0x2b: {  	_ =	swait.ge [sflag:s20], $0x4000  }
0x2c: {  	[sflag:s20] =	ssyncset.done $0x0  }
0x2d: {  	s31 =	simm.s32 $0x1880;
	[sflag:s20] =	ssyncadd.s32 $0xFFFFC000  }
0x2e: {  	[spmem:s3] =	stream.indirect.scatter.add.f32 [tilespmem:s18], [sflag:$0x3], $0x80, s31, s16, $0xb8;
	[tilespmem:$0x1EC00] =	vst v63  }
0x2f: {  	_ =	swait.ge [sflag:s14], $0x4000  }
0x30: {  	s23 =	simm.s32 $0x800;
	s22 =	simm.s32 $0x100;
	[sflag:s14] =	ssyncset.done $0x0  }
.LBB2_2:
0x31: {  	s24 =	sadd.s32 $0x80, s22  }
0x32: {  	[sflag:s14] =	ssyncadd.s32 $0xFFFFC000;
	s25 =	smov.u32 s23;
	s26 =	sadd.s32 $0x400, s23  }
0x33: {  	[tilespmem:s18], [sflag:$0x2] =	stream.indirect.gather [hbm4b:s1+s16], $0x80, s24, s16, $0xb8;
	[tilespmem:$0x1EC00] =	vst v63  }
0x34: {  	p0 =	sne.s32 s23, $0x4C00;
	_ =	swait.ge [sflag:s19], $0x4000  }
0x35: {  	[sflag:s19] =	ssyncset.done $0x0  }
0x36: {  	s23 =	sadd.s32 $0x1800, s22;
	[sflag:s19] =	ssyncadd.s32 $0xFFFFC000  }
0x37: {  	[spmem:s3] =	stream.indirect.scatter.add.f32 [tilespmem:s17], [sflag:$0x3], $0x80, s23, s16, $0xb8;
	[tilespmem:$0x1EC00] =	vst v63  }
0x38: {  	_ =	swait.ge [sflag:s14], $0x4000  }
0x39: {  	[sflag:s14] =	ssyncset.done $0x0  }
0x3a: {  	s23 =	sadd.s32 $0x100, s22;
	[sflag:s14] =	ssyncadd.s32 $0xFFFFC000  }
0x3b: {  	[tilespmem:s17], [sflag:$0x1] =	stream.indirect.gather [hbm4b:s1+s16], $0x80, s23, s16, $0xb8;
	[tilespmem:$0x1EC00] =	vst v63  }
0x3c: {  	_ =	swait.ge [sflag:s20], $0x4000  }
.Ltmp0:
0x3d: {  	[sflag:s20] =	ssyncset.done $0x0;
	(pc) =	sbr.rel @p0 .LBB2_2-.Ltmp0, $4  }
0x3e: {  	s22 =	sadd.s32 $0x1880, s22;
	[sflag:s20] =	ssyncadd.s32 $0xFFFFC000  }
0x3f: {  	[spmem:s3] =	stream.indirect.scatter.add.f32 [tilespmem:s18], [sflag:$0x3], $0x80, s22, s16, $0xb8;
	[tilespmem:$0x1EC00] =	vst v63  }
0x40: {  	_ =	swait.ge [sflag:s14], $0x4000  }
0x41: {  	s23 =	smov.u32 s26;
	s22 =	sshra.s32 s25, $0x2;
	[sflag:s14] =	ssyncset.done $0x0  }
0x42: {  	s23 =	sadd.s32 $0x80, s22;
	[sflag:s14] =	ssyncadd.s32 $0xFFFFC000  }
0x43: {  	[tilespmem:s18], [sflag:$0x2] =	stream.indirect.gather [hbm4b:s1+s16], $0x80, s23, s16, $0xb8;
	[tilespmem:$0x1EC00] =	vst v63  }
0x44: {  	_ =	swait.ge [sflag:s19], $0x4000  }
0x45: {  	[sflag:s19] =	ssyncset.done $0x0  }
0x46: {  	s31 =	sadd.s32 $0x1800, s22;
	[sflag:s19] =	ssyncadd.s32 $0xFFFFC000  }
0x47: {  	[spmem:s3] =	stream.indirect.scatter.add.f32 [tilespmem:s17], [sflag:$0x3], $0x80, s31, s16, $0xb8;
	[tilespmem:$0x1EC00] =	vst v63  }
0x48: {  	_ =	swait.ge [sflag:s14], $0x4000  }
0x49: {  	[sflag:s14] =	ssyncset.done $0x0  }
0x4a: {  	s24 =	sadd.s32 $0x100, s22;
	[sflag:s14] =	ssyncadd.s32 $0xFFFFC000  }
0x4b: {  	[tilespmem:s17], [sflag:$0x1] =	stream.indirect.gather [hbm4b:s1+s16], $0x80, s24, s16, $0xb8;
	[tilespmem:$0x1EC00] =	vst v63  }
0x4c: {  	_ =	swait.ge [sflag:s20], $0x4000  }
0x4d: {  	[sflag:s20] =	ssyncset.done $0x0  }
0x4e: {  	s25 =	sadd.s32 $0x1880, s22;
	[sflag:s20] =	ssyncadd.s32 $0xFFFFC000  }
0x4f: {  	[spmem:s3] =	stream.indirect.scatter.add.f32 [tilespmem:s18], [sflag:$0x3], $0x80, s25, s16, $0xb8;
	[tilespmem:$0x1EC00] =	vst v63  }
0x50: {  	_ =	swait.ge [sflag:s14], $0x4000  }
0x51: {  	[sflag:s14] =	ssyncset.done $0x0  }
0x52: {  	[sflag:s14] =	ssyncadd.s32 $0xFFFFC000  }
0x53: {  	_ =	swait.ge [sflag:s19], $0x4000  }
0x54: {  	[sflag:s19] =	ssyncset.done $0x0  }
0x55: {  	s26 =	simm.s32 $0x0;
	[sflag:s19] =	ssyncadd.s32 $0xFFFFC000  }
0x56: {  	[tilespmem:s26], [sflag:$0x3] =	stream.linear.gather [hbm4b:s9+s26], $0x1480, $0x38;
	[tilespmem:$0x1EC00] =	vst v63  }
0x57: {  	_ =	swait.ge [sflag:s14], $0x1480  }
0x58: {  	[sflag:s14] =	ssyncset.done $0x0  }
0x59: {  	[sflag:s14] =	ssyncadd.s32 $0xFFFFEB80  }
0x5a: {  	[tilespmem:s15], [sflag:$0x3] =	stream.linear.gather [hbm4b:s10+s26], $0x1480, $0x38;
	[tilespmem:$0x1EC00] =	vst v63  }
0x5b: {  	_ =	swait.ge [sflag:s14], $0x1480  }
0x5c: {  	[sflag:s14] =	ssyncset.done $0x0  }
0x5d: {  	[sflag:s14] =	ssyncadd.s32 $0xFFFFEB80  }
0x5e: {  	[tilespmem:s17], [sflag:$0x1] =	stream.indirect.gather [hbm4b:s1+s16], $0x80, s26, s16, $0xb8;
	[tilespmem:$0x1EC00] =	vst v63  }
0x5f: {  	s28 =	simm.s32 $0x80  }
0x60: {  	[tilespmem:s18], [sflag:$0x2] =	stream.indirect.gather [hbm4b:s1+s16], $0x80, s28, s16, $0xb8;
	[tilespmem:$0x1EC00] =	vst v63  }
0x61: {  	_ =	swait.ge [sflag:s19], $0x4000  }
0x62: {  	[sflag:s19] =	ssyncset.done $0x0  }
0x63: {  	s29 =	simm.s32 $0x1800;
	[sflag:s19] =	ssyncadd.s32 $0xFFFFC000  }
0x64: {  	[spmem:s3] =	stream.indirect.scatter.add.f32 [tilespmem:s17], [sflag:$0x3], $0x80, s29, s16, $0xb8;
	[tilespmem:$0x1EC00] =	vst v63  }
0x65: {  	_ =	swait.ge [sflag:s14], $0x4000  }
0x66: {  	[sflag:s14] =	ssyncset.done $0x0  }
0x67: {  	s30 =	simm.s32 $0x100;
	[sflag:s14] =	ssyncadd.s32 $0xFFFFC000  }
0x68: {  	[tilespmem:s17], [sflag:$0x1] =	stream.indirect.gather [hbm4b:s1+s16], $0x80, s30, s16, $0xb8;
	[tilespmem:$0x1EC00] =	vst v63  }
0x69: {  	_ =	swait.ge [sflag:s20], $0x4000  }
0x6a: {  	[sflag:s20] =	ssyncset.done $0x0  }
0x6b: {  	s31 =	simm.s32 $0x1880;
	[sflag:s20] =	ssyncadd.s32 $0xFFFFC000  }
0x6c: {  	[spmem:s3] =	stream.indirect.scatter.add.f32 [tilespmem:s18], [sflag:$0x3], $0x80, s31, s16, $0xb8;
	[tilespmem:$0x1EC00] =	vst v63  }
0x6d: {  	_ =	swait.ge [sflag:s14], $0x4000  }
0x6e: {  	s22 =	simm.s32 $0x100;
	s23 =	simm.s32 $0x800;
	[sflag:s14] =	ssyncset.done $0x0  }
.LBB2_4:
0x6f: {  	s24 =	sadd.s32 $0x80, s22  }
0x70: {  	[sflag:s14] =	ssyncadd.s32 $0xFFFFC000;
	s25 =	smov.u32 s23;
	s26 =	sadd.s32 $0x400, s23  }
0x71: {  	[tilespmem:s18], [sflag:$0x2] =	stream.indirect.gather [hbm4b:s1+s16], $0x80, s24, s16, $0xb8;
	[tilespmem:$0x1EC00] =	vst v63  }
0x72: {  	p0 =	sne.s32 s23, $0x4C00;
	_ =	swait.ge [sflag:s19], $0x4000  }
0x73: {  	[sflag:s19] =	ssyncset.done $0x0  }
0x74: {  	s23 =	sadd.s32 $0x1800, s22;
	[sflag:s19] =	ssyncadd.s32 $0xFFFFC000  }
0x75: {  	[spmem:s3] =	stream.indirect.scatter.add.f32 [tilespmem:s17], [sflag:$0x3], $0x80, s23, s16, $0xb8;
	[tilespmem:$0x1EC00] =	vst v63  }
0x76: {  	_ =	swait.ge [sflag:s14], $0x4000  }
0x77: {  	[sflag:s14] =	ssyncset.done $0x0  }
0x78: {  	s23 =	sadd.s32 $0x100, s22;
	[sflag:s14] =	ssyncadd.s32 $0xFFFFC000  }
0x79: {  	[tilespmem:s17], [sflag:$0x1] =	stream.indirect.gather [hbm4b:s1+s16], $0x80, s23, s16, $0xb8;
	[tilespmem:$0x1EC00] =	vst v63  }
0x7a: {  	_ =	swait.ge [sflag:s20], $0x4000  }
.Ltmp1:
0x7b: {  	[sflag:s20] =	ssyncset.done $0x0;
	(pc) =	sbr.rel @p0 .LBB2_4-.Ltmp1, $4  }
0x7c: {  	s22 =	sadd.s32 $0x1880, s22;
	[sflag:s20] =	ssyncadd.s32 $0xFFFFC000  }
0x7d: {  	[spmem:s3] =	stream.indirect.scatter.add.f32 [tilespmem:s18], [sflag:$0x3], $0x80, s22, s16, $0xb8;
	[tilespmem:$0x1EC00] =	vst v63  }
0x7e: {  	_ =	swait.ge [sflag:s14], $0x4000  }
0x7f: {  	s23 =	smov.u32 s26;
	s22 =	sshra.s32 s25, $0x2;
	[sflag:s14] =	ssyncset.done $0x0  }
0x80: {  	s23 =	sadd.s32 $0x80, s22;
	[sflag:s14] =	ssyncadd.s32 $0xFFFFC000  }
0x81: {  	[tilespmem:s18], [sflag:$0x2] =	stream.indirect.gather [hbm4b:s1+s16], $0x80, s23, s16, $0xb8;
	[tilespmem:$0x1EC00] =	vst v63  }
0x82: {  	_ =	swait.ge [sflag:s19], $0x4000  }
0x83: {  	[sflag:s19] =	ssyncset.done $0x0  }
0x84: {  	s29 =	sadd.s32 $0x1800, s22;
	[sflag:s19] =	ssyncadd.s32 $0xFFFFC000  }
0x85: {  	[spmem:s3] =	stream.indirect.scatter.add.f32 [tilespmem:s17], [sflag:$0x3], $0x80, s29, s16, $0xb8;
	[tilespmem:$0x1EC00] =	vst v63  }
0x86: {  	_ =	swait.ge [sflag:s14], $0x4000  }
0x87: {  	[sflag:s14] =	ssyncset.done $0x0  }
0x88: {  	s30 =	sadd.s32 $0x100, s22;
	[sflag:s14] =	ssyncadd.s32 $0xFFFFC000  }
0x89: {  	[tilespmem:s17], [sflag:$0x1] =	stream.indirect.gather [hbm4b:s1+s16], $0x80, s30, s16, $0xb8;
	[tilespmem:$0x1EC00] =	vst v63  }
0x8a: {  	_ =	swait.ge [sflag:s20], $0x4000  }
0x8b: {  	[sflag:s20] =	ssyncset.done $0x0  }
0x8c: {  	s31 =	sadd.s32 $0x1880, s22;
	[sflag:s20] =	ssyncadd.s32 $0xFFFFC000  }
0x8d: {  	[spmem:s3] =	stream.indirect.scatter.add.f32 [tilespmem:s18], [sflag:$0x3], $0x80, s31, s16, $0xb8;
	[tilespmem:$0x1EC00] =	vst v63  }
0x8e: {  	_ =	swait.ge [sflag:s14], $0x4000  }
0x8f: {  	[sflag:s14] =	ssyncset.done $0x0  }
0x90: {  	[sflag:s14] =	ssyncadd.s32 $0xFFFFC000  }
0x91: {  	_ =	swait.ge [sflag:s19], $0x4000  }
0x92: {  	s21 =	sadd.s32 $0x1, s21;
	[sflag:s19] =	ssyncset.done $0x0  }
0x93: {  	p0 =	sne.s32 s21, s12;
	[sflag:s19] =	ssyncadd.s32 $0xFFFFC000  }
.Ltmp2:
0x94: {  	[bflag:$0x0] =	sbarrier.arrive $0xFFFF;
	(pc) =	sbr.rel @p0 .LBB2_1-.Ltmp2, $4  }
0x95: {  	[hbm:s11], [sflag:s6] =	dma.local [spmem:s13], $0x2780  }
0x96: {  	_ =	swait.ge [sflag:s14], $0x2780  }
0x97: {  	[sflag:s14] =	ssyncset.done $0x0  }
0x98: {  	[sflag:s14] =	ssyncadd.s32 $0xFFFFD880  }
0x99: {  	_ =	sfence.sel $0x180000  }
0x9a: {  	[bflag:$0x0] =	sbarrier.arrive $0xFFFF  }
0x9b: {  	p0 =	sne.s32 s2, $0x0;
	_ =	strace $0x90000050  }
0x9c: {  	s0 =	sadd.s32 @!p0 $0x100000, s0;
	[bflag:$0x2] =	sbarrier.arrive $0xFFFF  }
0x9d: {  	[sflag:s0] =	ssyncadd.tile.s32 @!p0 $0x1;
	_ =	shalt  }
.Lfunc_end2:
_tile_overlayer_lowered:
.L_overlay_start_2:
0x9e: {  	(tag) =	ssettag $0x2  }
0x9f: {  	s0 =	rddreg [dreg:$0x0];
	s2 =	stileid.u32  }
0xa0: {  	s1 =	rddreg [dreg:$0x1];
	p0 =	sne.s32 s2, $0x0  }
0xa1: {  	s3 =	rddreg [dreg:$0x2];
	[bflag:$0x3] =	sbarrier.arrive $0xFFFF;
	s2 =	simm.s32 @!p0 $0x1C03  }
0xa2: {  	[timem:s3], [sflag:s2] =	dma.local @!p0 [hbm:s0], s1  }
0xa3: {  	s0 =	simm.s32 @!p0 $0x3  }
0xa4: {  	_ =	swait.ge @!p0 [sflag:s0], s1  }
0xa5: {  	s1 =	ssub.s32 @!p0 $0x0, s1;
	[sflag:s0] =	ssyncset.done @!p0 $0x0  }
0xa6: {  	[sflag:s0] =	ssyncadd.s32 @!p0 s1  }
0xa7: {  	[bflag:$0x3] =	sbarrier.arrive $0xFFFF  }
0xa8: {  	_ =	shalt  }

// kernel: kernel.28.cloned.1.call-start
scs
__scs_entry_jumppad:
0x0: {  	(pc) =	sbr.rel $0x88, $3  }
0x1: {  	(tag) =	ssettag $0x0;
	lr =	simm.s32 $0x1  }
0x2: {  	[smem:$0x3F8D] =	sst lr;
	_ =	strace $0xD0000000  }
0x3: {  	_ = 	snop  }
0x4: {  	_ = 	snop  }
0x5: {  	_ = 	snop  }
0x6: {  	_ = 	snop  }
0x7: {  	_ = 	snop  }
__scs_overlays_trampoline_lowered:
0x8: {  	[smem:$0x3F9C] =	sst s0  }
0x9: {  	[smem:$0x3F9D] =	sst s1  }
0xa: {  	[smem:$0x3F9E] =	sst s2  }
0xb: {  	[smem:$0x3F9F] =	sst s3  }
0xc: {  	[smem:$0x3FA0] =	sst s4  }
0xd: {  	[smem:$0x3FA1] =	sst s5  }
0xe: {  	[smem:$0x3FA2] =	sst s6  }
0xf: {  	[smem:$0x3FA3] =	sst s7  }
0x10: {  	[smem:$0x3FA4] =	sst s8  }
0x11: {  	[smem:$0x3FA5] =	sst s9;
	s0 =	simm.s32 @!p0 $0x0  }
0x12: {  	s1 =	sld [smem:$0x3F8B];
	s0 =	simm.s32 @p0 $0x1  }
0x13: {  	[smem:$0x3FA6] =	sst s0;
	s0 =	simm.s32 @!p1 $0x0  }
0x14: {  	s2 =	sld [smem:$0x3F8A];
	s0 =	simm.s32 @p1 $0x1  }
0x15: {  	[smem:$0x3FA7] =	sst s0;
	s0 =	simm.s32 @!p2 $0x0  }
0x16: {  	s3 =	sld [smem:$0x3FDB];
	s0 =	simm.s32 @p2 $0x1  }
0x17: {  	s4 =	simm.s32 $0x1BF5;
	[smem:$0x3FA9] =	sst s0  }
0x18: {  	s0 =	sld [smem:$0x3F8C];
	_ =	swait.ge [sflag:s4], $0x0  }
0x19: {  	s7 =	sld [smem:$0x3F8D]  }
0x1a: {  	s8 =	sadd.s32 $0xFFFFE003, lr  }
0x1b: {  	s9 =	sadd.s32 $0xFFFFFEF7, lr;
	s5 =	simm.s32 $0xFFFFFFFF;
	p2 =	slt.u32 s8, $0xFFFFF086  }
0x1c: {  	p1 =	slt.u32 s9, $0xF7A;
	s5 =	simm.s32 @!p2 $0x0  }
0x1d: {  	s5 =	simm.s32 @p1 $0x1;
	p0 =	seq.s32 s7, s2  }
0x1e: {  	s7 =	smul.u32 @!p0 $0xF7A, s2;
	p2 =	seq.s32 @!p0 s5, $0x0  }
0x1f: {  	s9 =	smul.u32 $0xF7A, s1;
	s8 =	simm.s32 @!p0 $0x1BF5;
	p2 =	por !p2, p0  }
0x20: {  	[sflag:s8] =	ssyncset.s32 @!p0 $0xFFFFF086;
	s6 =	sadd.s32 @!p0 s3, s7;
	s7 =	simm.s32 @!p0 $0x108  }
0x21: {  	s3 =	sadd.s32 s3, s9;
	s6 =	sadd.s32 @!p0 $0x88, s6;
	s7 =	simm.s32 @p2 $0x1082  }
0x22: {  	[simem:s7], [sflag:s8] =	dma.local @!p0 [hbm:s6], $0xF7A  }
0x23: {  	s9 =	sor.u32 $0xD0000000, s2;
	s6 =	simm.s32 $0x108;
	_ =	swait.ge @!p0 [sflag:s8], $0x0  }
0x24: {  	s3 =	sadd.s32 $0x88, s3;
	s6 =	simm.s32 @!p1 $0x1082;
	[sflag:s4] =	ssyncset.s32 $0xFFFFF086  }
0x25: {  	[simem:s6], [sflag:s4] =	dma.local [hbm:s3], $0xF7A  }
0x26: {  	[smem:$0x3F8D] =	sst s1;
	(tag) =	ssettag s2;
	_ =	strace s9  }
0x27: {  	s1 =	sld [smem:$0x3F9D]  }
0x28: {  	s2 =	sld [smem:$0x3F9E]  }
0x29: {  	s4 =	sld [smem:$0x3FA0]  }
0x2a: {  	p0 =	seq.s32 s5, $0x0;
	s5 =	sld [smem:$0x3FA1]  }
0x2b: {  	s6 =	sld [smem:$0x3FA2]  }
0x2c: {  	s7 =	sld [smem:$0x3FA3]  }
0x2d: {  	s3 =	simm.s32 $0x108;
	s8 =	sld [smem:$0x3FA4]  }
0x2e: {  	s3 =	simm.s32 @!p0 $0x1082;
	s9 =	sld [smem:$0x3FA5]  }
0x2f: {  	lr =	sadd.s32 s0, s3;
	s0 =	sld [smem:$0x3F9C]  }
0x30: {  	s3 =	sld [smem:$0x3F9F]  }
0x31: {  	[smem:$0x3FA8] =	sst s10  }
0x32: {  	s10 =	sld [smem:$0x3FA6];
	_ =	sdelay $0x3  }
0x33: {  	p0 =	seq.s32 s10, $0x1;
	s10 =	sld [smem:$0x3FA8];
	_ =	sdelay $0x3  }
0x34: {  	[smem:$0x3FA8] =	sst s10  }
0x35: {  	s10 =	sld [smem:$0x3FA7];
	_ =	sdelay $0x3  }
0x36: {  	p1 =	seq.s32 s10, $0x1;
	s10 =	sld [smem:$0x3FA8];
	_ =	sdelay $0x3  }
0x37: {  	[smem:$0x3FA8] =	sst s10  }
0x38: {  	s10 =	sld [smem:$0x3FA9]  }
0x39: {  	_ = 	snop;
	(pc) =	sbr.ind lr, $3  }
0x3a: {  	_ = 	snop  }
0x3b: {  	_ = 	snop  }
0x3c: {  	p2 =	seq.s32 s10, $0x1;
	s10 =	sld [smem:$0x3FA8]  }
0x3d: {  	_ =	shalt  }
0x3e: {  	_ =	shalt  }
0x3f: {  	_ =	shalt  }
0x40: {  	_ =	shalt  }
0x41: {  	_ =	shalt  }
0x42: {  	_ =	shalt  }
0x43: {  	_ =	shalt  }
0x44: {  	_ =	shalt  }
0x45: {  	_ =	shalt  }
0x46: {  	_ =	shalt  }
0x47: {  	_ =	shalt  }
0x48: {  	_ =	shalt  }
0x49: {  	_ =	shalt  }
0x4a: {  	_ =	shalt  }
0x4b: {  	_ =	shalt  }
0x4c: {  	_ =	shalt  }
0x4d: {  	_ =	shalt  }
0x4e: {  	_ =	shalt  }
0x4f: {  	_ =	shalt  }
0x50: {  	_ =	shalt  }
0x51: {  	_ =	shalt  }
0x52: {  	_ =	shalt  }
0x53: {  	_ =	shalt  }
0x54: {  	_ =	shalt  }
0x55: {  	_ =	shalt  }
0x56: {  	_ =	shalt  }
0x57: {  	_ =	shalt  }
0x58: {  	_ =	shalt  }
0x59: {  	_ =	shalt  }
0x5a: {  	_ =	shalt  }
0x5b: {  	_ =	shalt  }
0x5c: {  	_ =	shalt  }
0x5d: {  	_ =	shalt  }
0x5e: {  	_ =	shalt  }
0x5f: {  	_ =	shalt  }
0x60: {  	_ =	shalt  }
0x61: {  	_ =	shalt  }
0x62: {  	_ =	shalt  }
0x63: {  	_ =	shalt  }
0x64: {  	_ =	shalt  }
0x65: {  	_ =	shalt  }
0x66: {  	_ =	shalt  }
0x67: {  	_ =	shalt  }
0x68: {  	_ =	shalt  }
0x69: {  	_ =	shalt  }
0x6a: {  	_ =	shalt  }
0x6b: {  	_ =	shalt  }
0x6c: {  	_ =	shalt  }
0x6d: {  	_ =	shalt  }
0x6e: {  	_ =	shalt  }
0x6f: {  	_ =	shalt  }
0x70: {  	_ =	shalt  }
0x71: {  	_ =	shalt  }
0x72: {  	_ =	shalt  }
0x73: {  	_ =	shalt  }
0x74: {  	_ =	shalt  }
0x75: {  	_ =	shalt  }
0x76: {  	_ =	shalt  }
0x77: {  	_ =	shalt  }
0x78: {  	_ =	shalt  }
0x79: {  	_ =	shalt  }
0x7a: {  	_ =	shalt  }
0x7b: {  	_ =	shalt  }
0x7c: {  	_ =	shalt  }
0x7d: {  	_ =	shalt  }
0x7e: {  	_ =	shalt  }
0x7f: {  	_ =	shalt  }
0x80: {  	_ =	shalt  }
0x81: {  	_ =	shalt  }
0x82: {  	_ =	shalt  }
0x83: {  	_ =	shalt  }
0x84: {  	_ =	shalt  }
0x85: {  	_ =	shalt  }
0x86: {  	_ =	shalt  }
0x87: {  	_ =	shalt  }
.Lfunc_end0:
.L_simem_size_0:
called_computation.4_lowered:
.L_overlay_start_0:
0x88: {  	s2 =	sld [smem:$0x3FD9]  }
0x89: {  	s3 =	sld [smem:$0x3FFE];
	_ =	sdelay $0x1  }
0x8a: {  	s1 =	srdreg.scid  }
0x8b: {  	s0 =	sand.u32 $0x1, s1  }
0x8c: {  	s17 =	sshll.u32 s0, $0xA;
	s2 =	sadd.s32 s3, s2  }
0x8d: {  	s2 =	sadd.s32 s2, s17  }
0x8e: {  	[smem:$0x3FB4] =	sst s2  }
0x8f: {  	_ = 	snop  }
0x90: {  	s2 =	sld [smem:$0x3FD0];
	(tm) =	ssettm $0x1  }
0x91: {  	s18 =	sld [smem:$0x3FFB];
	_ =	sdelay $0x3  }
0x92: {  	_ =	strace s18  }
0x93: {  	s3 =	sld [smem:$0x3FFC];
	_ =	sdelay $0x3  }
0x94: {  	_ =	strace s3  }
0x95: {  	s3 =	sld [smem:$0x3FFD];
	_ =	sdelay $0x3  }
0x96: {  	_ =	strace s3  }
0x97: {  	_ =	strace $0x8FFFFFFF  }
0x98: {  	s19 =	sld [smem:$0x3FDB];
	_ =	sdelay $0x1  }
0x99: {  	s4 =	simm.s32 $_scs_section_size  }
0x9a: {  	s5 =	simm.s32 $_size__tile_overlayer_lowered;
	s6 =	simm.s32 $_tile_overlayer_lowered  }
0x9b: {  	s22 =	simm.s32 $0x1BFF;
	s21 =	sshll.u32 s6, $0x1;
	s3 =	sadd.s32 s4, s19  }
0x9c: {  	s7 =	simm.s32 $0x0;
	s20 =	sshll.u32 s5, $0x1;
	s5 =	sadd.s32 s21, s3  }
0x9d: {  	[timem:s7], [sflag:s22] =	dma.local [hbm:s5], s20  }
0x9e: {  	_ =	swait.ge [sflag:s22], s20  }
0x9f: {  	s4 =	ssub.s32 $0x0, s20;
	[sflag:s22] =	ssyncset.done $0x0  }
0xa0: {  	[sflag:s22] =	ssyncadd.s32 s4;
	_ =	sdelay $0x1  }
0xa1: {  	s23 =	simm.s32 $0x1B8B  }
0xa2: {  	_ =	swait.ge [sflag:s23], $0x1  }
0xa3: {  	[sflag:s23] =	ssyncset.done $0x0  }
0xa4: {  	s25 =	simm.s32 $0x1B8E;
	s24 =	sld [smem:$0x3FFE];
	[sflag:s23] =	ssyncadd.s32 $0xFFFFFFFF  }
0xa5: {  	s26 =	simm.s32 $execute0_lowered;
	[smem:$0x3FD2] =	sst s25  }
0xa6: {  	s5 =	sshll.u32 s26, $0x1;
	_ =	strace $0x80000052;
	[dreg:$0x1] =	wrdreg $0xFFFFFFFF  }
0xa7: {  	s28 =	simm.s32 $_size_execute0_lowered;
	s3 =	sadd.s32 s3, s5;
	[dreg:$0x0] =	wrdreg $0x0  }
0xa8: {  	s5 =	sshll.u32 s28, $0x1;
	[dreg:$0x2] =	wrdreg s3  }
0xa9: {  	[dreg:$0x3] =	wrdreg s5  }
0xaa: {  	[dreg:$0x4] =	wrdreg $0xC0  }
0xab: {  	_ =	task [dreg:s7], $0x5FFFF  }
0xac: {  	[dreg:$0x1] =	wrdreg $0xFFFFFFFF  }
0xad: {  	[dreg:$0x0] =	wrdreg $0x60  }
0xae: {  	[dreg:$0x2] =	wrdreg s2  }
0xaf: {  	[dreg:$0x3] =	wrdreg s24  }
0xb0: {  	[dreg:$0x4] =	wrdreg $0xB0000  }
0xb1: {  	[dreg:$0x5] =	wrdreg $0x9  }
0xb2: {  	_ =	task.clear_ibuf [dreg:s7], $0x6FFFF;
	_ =	strace $0x90000052  }
0xb3: {  	s29 =	simm.s32 $0x9;
	_ =	strace $0x80000054  }
0xb4: {  	_ =	swait.ge [sflag:s29], $0x1  }
0xb5: {  	[sflag:s29] =	ssyncadd.s32 $0xFFFFFFFF  }
0xb6: {  	_ =	strace $0x90000054  }
0xb7: {  	_ =	sfence  }
0xb8: {  	s30 =	sld [smem:$0x0];
	_ =	sdelay $0x2  }
0xb9: {  	s31 =	sshll.u32 s1, $0xD;
	s1 =	sshrl.u32 s1, $0x2  }
0xba: {  	s3 =	sand.u32 $0x4000, s31;
	s1 =	sadd.s32 s1, s30  }
0xbb: {  	s0 =	sor.u32 s3, s0;
	s1 =	sshll.u32 s1, $0x11  }
0xbc: {  	s0 =	sor.u32 s1, s0  }
0xbd: {  	s0 =	sadd.s32 $0x8F2B, s0  }
0xbe: {  	[sflag:s0] =	ssyncadd.remote.s32 $0x1  }
0xbf: {  	_ =	sfence.sel $0xFFFF  }
0xc0: {  	[dreg:$0x0] =	wrdreg $0xFFFFFFFF;
	(pc) =	sbr.abs _section_cstart, $3  }
0xc1: {  	[dreg:$0x1] =	wrdreg $0xFFFFFFFF  }
0xc2: {  	_ =	task.clear_ibuf [dreg:s7], $0x2FFFF;
	_ =	strace $0x9FFFFFFF  }
0xc3: {  	(tm) =	ssettm $0x7FFFFFFF  }
tec
execute0_lowered:
.L_overlay_start_1:
0x0: {  	(tag) =	ssettag $0x1  }
0x1: {  	s1 =	rddreg [dreg:$0x0]  }
0x2: {  	s5 =	rddreg [dreg:$0x1]  }
0x3: {  	s3 =	rddreg [dreg:$0x2]  }
0x4: {  	s0 =	rddreg [dreg:$0x3];
	s4 =	simm.s32 $0x0;
	s2 =	stileid.u32  }
0x5: {  	s6 =	srdreg.scid;
	s16 =	simm.s32 $0x80;
	s17 =	simm.s32 $0x3000  }
0x6: {  	s18 =	simm.s32 $0x7000;
	s19 =	simm.s32 $0x1;
	s7 =	smul.u32 $0x13C00, s2  }
0x7: {  	s20 =	simm.s32 $0x2;
	s21 =	simm.s32 $0x0;
	s11 =	smul.u32 $0x4F000, s2  }
0x8: {  	[smem:$0x7FF] =	sst s4;
	s6 =	sand.u32 $0x1, s6;
	s13 =	smul.u32 $0x3000, s2  }
0x9: {  	s9 =	sadd.s32 $0x87A00, s5;
	s10 =	sadd.s32 $0x5200, s5;
	s8 =	smul.u32 $0x13C000, s6  }
0xa: {  	s30 =	sshll.u32 s2, $0x6;
	s24 =	smul.u32 $0x30000, s6;
	s6 =	ssub.s32 $0x2, s6  }
0xb: {  	_ =	strace $0x80000053;
	s12 =	sshrl.u32 s7, $0x3;
	s25 =	sshrl.u32 s6, $0x1  }
0xc: {  	s26 =	sshrl.u32 s11, $0x2;
	s7 =	sadd.s32 s7, s8;
	s12 =	sadd.s32 s12, s5  }
0xd: {  	s15 =	ssub.s32 s6, s25;
	s28 =	sadd.s32 s13, s24;
	s29 =	sadd.s32 s26, s3  }
0xe: {  	s6 =	sor.u32 $0x1C03, s30;
	s7 =	sshrl.u32 s7, $0x3;
	s8 =	sshrl.u32 s28, $0x3  }
0xf: {  	s13 =	sshrl.u32 s29, $0x3;
	s14 =	sadd.s32 s7, s5;
	s5 =	sadd.s32 $0x11200, s12  }
0x10: {  	s31 =	sadd.s32 $0x300, s8;
	s7 =	sadd.s32 s9, s8;
	s8 =	sadd.s32 s10, s8  }
0x11: {  	s12 =	smax.u32 s15, $0x1;
	s15 =	simm.s32 $0x1800;
	s9 =	sadd.s32 s9, s31  }
0x12: {  	s10 =	sadd.s32 s10, s31;
	s11 =	sadd.s32 $0x38A00, s14;
	s14 =	simm.s32 $0x3  }
.LBB2_1:
0x13: {  	[spmem:s13], [sflag:s6] =	dma.local [hbm:s5], $0x2780  }
0x14: {  	_ =	swait.ge [sflag:s14], $0x2780  }
0x15: {  	[sflag:s14] =	ssyncset.done $0x0  }
0x16: {  	[sflag:s14] =	ssyncadd.s32 $0xFFFFD880  }
0x17: {  	[bflag:$0x0] =	sbarrier.arrive $0xFFFF  }
0x18: {  	[tilespmem:s4], [sflag:$0x3] =	stream.linear.gather [hbm4b:s7+s4], $0x1480, $0x38;
	[tilespmem:$0x1EC00] =	vst v63  }
0x19: {  	_ =	swait.ge [sflag:s14], $0x1480  }
0x1a: {  	[sflag:s14] =	ssyncset.done $0x0  }
0x1b: {  	[sflag:s14] =	ssyncadd.s32 $0xFFFFEB80  }
0x1c: {  	[tilespmem:s15], [sflag:$0x3] =	stream.linear.gather [hbm4b:s8+s4], $0x1480, $0x38;
	[tilespmem:$0x1EC00] =	vst v63  }
0x1d: {  	_ =	swait.ge [sflag:s14], $0x1480  }
0x1e: {  	[sflag:s14] =	ssyncset.done $0x0  }
0x1f: {  	[sflag:s14] =	ssyncadd.s32 $0xFFFFEB80  }
0x20: {  	[tilespmem:s17], [sflag:$0x1] =	stream.indirect.gather [hbm4b:s1+s16], $0x80, s4, s16, $0xb8;
	[tilespmem:$0x1EC00] =	vst v63  }
0x21: {  	s22 =	simm.s32 $0x80  }
0x22: {  	[tilespmem:s18], [sflag:$0x2] =	stream.indirect.gather [hbm4b:s1+s16], $0x80, s22, s16, $0xb8;
	[tilespmem:$0x1EC00] =	vst v63  }
0x23: {  	_ =	swait.ge [sflag:s19], $0x4000  }
0x24: {  	[sflag:s19] =	ssyncset.done $0x0  }
0x25: {  	s29 =	simm.s32 $0x1800;
	[sflag:s19] =	ssyncadd.s32 $0xFFFFC000  }
0x26: {  	[spmem:s3] =	stream.indirect.scatter.add.f32 [tilespmem:s17], [sflag:$0x3], $0x80, s29, s16, $0xb8;
	[tilespmem:$0x1EC00] =	vst v63  }
0x27: {  	_ =	swait.ge [sflag:s14], $0x4000  }
0x28: {  	[sflag:s14] =	ssyncset.done $0x0  }
0x29: {  	s30 =	simm.s32 $0x100;
	[sflag:s14] =	ssyncadd.s32 $0xFFFFC000  }
0x2a: {  	[tilespmem:s17], [sflag:$0x1] =	stream.indirect.gather [hbm4b:s1+s16], $0x80, s30, s16, $0xb8;
	[tilespmem:$0x1EC00] =	vst v63  }
0x2b: {  	_ =	swait.ge [sflag:s20], $0x4000  }
0x2c: {  	[sflag:s20] =	ssyncset.done $0x0  }
0x2d: {  	s31 =	simm.s32 $0x1880;
	[sflag:s20] =	ssyncadd.s32 $0xFFFFC000  }
0x2e: {  	[spmem:s3] =	stream.indirect.scatter.add.f32 [tilespmem:s18], [sflag:$0x3], $0x80, s31, s16, $0xb8;
	[tilespmem:$0x1EC00] =	vst v63  }
0x2f: {  	_ =	swait.ge [sflag:s14], $0x4000  }
0x30: {  	s23 =	simm.s32 $0x800;
	s22 =	simm.s32 $0x100;
	[sflag:s14] =	ssyncset.done $0x0  }
.LBB2_2:
0x31: {  	s24 =	sadd.s32 $0x80, s22  }
0x32: {  	[sflag:s14] =	ssyncadd.s32 $0xFFFFC000;
	s25 =	smov.u32 s23;
	s26 =	sadd.s32 $0x400, s23  }
0x33: {  	[tilespmem:s18], [sflag:$0x2] =	stream.indirect.gather [hbm4b:s1+s16], $0x80, s24, s16, $0xb8;
	[tilespmem:$0x1EC00] =	vst v63  }
0x34: {  	p0 =	sne.s32 s23, $0x4C00;
	_ =	swait.ge [sflag:s19], $0x4000  }
0x35: {  	[sflag:s19] =	ssyncset.done $0x0  }
0x36: {  	s23 =	sadd.s32 $0x1800, s22;
	[sflag:s19] =	ssyncadd.s32 $0xFFFFC000  }
0x37: {  	[spmem:s3] =	stream.indirect.scatter.add.f32 [tilespmem:s17], [sflag:$0x3], $0x80, s23, s16, $0xb8;
	[tilespmem:$0x1EC00] =	vst v63  }
0x38: {  	_ =	swait.ge [sflag:s14], $0x4000  }
0x39: {  	[sflag:s14] =	ssyncset.done $0x0  }
0x3a: {  	s23 =	sadd.s32 $0x100, s22;
	[sflag:s14] =	ssyncadd.s32 $0xFFFFC000  }
0x3b: {  	[tilespmem:s17], [sflag:$0x1] =	stream.indirect.gather [hbm4b:s1+s16], $0x80, s23, s16, $0xb8;
	[tilespmem:$0x1EC00] =	vst v63  }
0x3c: {  	_ =	swait.ge [sflag:s20], $0x4000  }
.Ltmp0:
0x3d: {  	[sflag:s20] =	ssyncset.done $0x0;
	(pc) =	sbr.rel @p0 .LBB2_2-.Ltmp0, $4  }
0x3e: {  	s22 =	sadd.s32 $0x1880, s22;
	[sflag:s20] =	ssyncadd.s32 $0xFFFFC000  }
0x3f: {  	[spmem:s3] =	stream.indirect.scatter.add.f32 [tilespmem:s18], [sflag:$0x3], $0x80, s22, s16, $0xb8;
	[tilespmem:$0x1EC00] =	vst v63  }
0x40: {  	_ =	swait.ge [sflag:s14], $0x4000  }
0x41: {  	s23 =	smov.u32 s26;
	s22 =	sshra.s32 s25, $0x2;
	[sflag:s14] =	ssyncset.done $0x0  }
0x42: {  	s23 =	sadd.s32 $0x80, s22;
	[sflag:s14] =	ssyncadd.s32 $0xFFFFC000  }
0x43: {  	[tilespmem:s18], [sflag:$0x2] =	stream.indirect.gather [hbm4b:s1+s16], $0x80, s23, s16, $0xb8;
	[tilespmem:$0x1EC00] =	vst v63  }
0x44: {  	_ =	swait.ge [sflag:s19], $0x4000  }
0x45: {  	[sflag:s19] =	ssyncset.done $0x0  }
0x46: {  	s31 =	sadd.s32 $0x1800, s22;
	[sflag:s19] =	ssyncadd.s32 $0xFFFFC000  }
0x47: {  	[spmem:s3] =	stream.indirect.scatter.add.f32 [tilespmem:s17], [sflag:$0x3], $0x80, s31, s16, $0xb8;
	[tilespmem:$0x1EC00] =	vst v63  }
0x48: {  	_ =	swait.ge [sflag:s14], $0x4000  }
0x49: {  	[sflag:s14] =	ssyncset.done $0x0  }
0x4a: {  	s24 =	sadd.s32 $0x100, s22;
	[sflag:s14] =	ssyncadd.s32 $0xFFFFC000  }
0x4b: {  	[tilespmem:s17], [sflag:$0x1] =	stream.indirect.gather [hbm4b:s1+s16], $0x80, s24, s16, $0xb8;
	[tilespmem:$0x1EC00] =	vst v63  }
0x4c: {  	_ =	swait.ge [sflag:s20], $0x4000  }
0x4d: {  	[sflag:s20] =	ssyncset.done $0x0  }
0x4e: {  	s25 =	sadd.s32 $0x1880, s22;
	[sflag:s20] =	ssyncadd.s32 $0xFFFFC000  }
0x4f: {  	[spmem:s3] =	stream.indirect.scatter.add.f32 [tilespmem:s18], [sflag:$0x3], $0x80, s25, s16, $0xb8;
	[tilespmem:$0x1EC00] =	vst v63  }
0x50: {  	_ =	swait.ge [sflag:s14], $0x4000  }
0x51: {  	[sflag:s14] =	ssyncset.done $0x0  }
0x52: {  	[sflag:s14] =	ssyncadd.s32 $0xFFFFC000  }
0x53: {  	_ =	swait.ge [sflag:s19], $0x4000  }
0x54: {  	[sflag:s19] =	ssyncset.done $0x0  }
0x55: {  	s26 =	simm.s32 $0x0;
	[sflag:s19] =	ssyncadd.s32 $0xFFFFC000  }
0x56: {  	[tilespmem:s26], [sflag:$0x3] =	stream.linear.gather [hbm4b:s9+s26], $0x1480, $0x38;
	[tilespmem:$0x1EC00] =	vst v63  }
0x57: {  	_ =	swait.ge [sflag:s14], $0x1480  }
0x58: {  	[sflag:s14] =	ssyncset.done $0x0  }
0x59: {  	[sflag:s14] =	ssyncadd.s32 $0xFFFFEB80  }
0x5a: {  	[tilespmem:s15], [sflag:$0x3] =	stream.linear.gather [hbm4b:s10+s26], $0x1480, $0x38;
	[tilespmem:$0x1EC00] =	vst v63  }
0x5b: {  	_ =	swait.ge [sflag:s14], $0x1480  }
0x5c: {  	[sflag:s14] =	ssyncset.done $0x0  }
0x5d: {  	[sflag:s14] =	ssyncadd.s32 $0xFFFFEB80  }
0x5e: {  	[tilespmem:s17], [sflag:$0x1] =	stream.indirect.gather [hbm4b:s1+s16], $0x80, s26, s16, $0xb8;
	[tilespmem:$0x1EC00] =	vst v63  }
0x5f: {  	s28 =	simm.s32 $0x80  }
0x60: {  	[tilespmem:s18], [sflag:$0x2] =	stream.indirect.gather [hbm4b:s1+s16], $0x80, s28, s16, $0xb8;
	[tilespmem:$0x1EC00] =	vst v63  }
0x61: {  	_ =	swait.ge [sflag:s19], $0x4000  }
0x62: {  	[sflag:s19] =	ssyncset.done $0x0  }
0x63: {  	s29 =	simm.s32 $0x1800;
	[sflag:s19] =	ssyncadd.s32 $0xFFFFC000  }
0x64: {  	[spmem:s3] =	stream.indirect.scatter.add.f32 [tilespmem:s17], [sflag:$0x3], $0x80, s29, s16, $0xb8;
	[tilespmem:$0x1EC00] =	vst v63  }
0x65: {  	_ =	swait.ge [sflag:s14], $0x4000  }
0x66: {  	[sflag:s14] =	ssyncset.done $0x0  }
0x67: {  	s30 =	simm.s32 $0x100;
	[sflag:s14] =	ssyncadd.s32 $0xFFFFC000  }
0x68: {  	[tilespmem:s17], [sflag:$0x1] =	stream.indirect.gather [hbm4b:s1+s16], $0x80, s30, s16, $0xb8;
	[tilespmem:$0x1EC00] =	vst v63  }
0x69: {  	_ =	swait.ge [sflag:s20], $0x4000  }
0x6a: {  	[sflag:s20] =	ssyncset.done $0x0  }
0x6b: {  	s31 =	simm.s32 $0x1880;
	[sflag:s20] =	ssyncadd.s32 $0xFFFFC000  }
0x6c: {  	[spmem:s3] =	stream.indirect.scatter.add.f32 [tilespmem:s18], [sflag:$0x3], $0x80, s31, s16, $0xb8;
	[tilespmem:$0x1EC00] =	vst v63  }
0x6d: {  	_ =	swait.ge [sflag:s14], $0x4000  }
0x6e: {  	s22 =	simm.s32 $0x100;
	s23 =	simm.s32 $0x800;
	[sflag:s14] =	ssyncset.done $0x0  }
.LBB2_4:
0x6f: {  	s24 =	sadd.s32 $0x80, s22  }
0x70: {  	[sflag:s14] =	ssyncadd.s32 $0xFFFFC000;
	s25 =	smov.u32 s23;
	s26 =	sadd.s32 $0x400, s23  }
0x71: {  	[tilespmem:s18], [sflag:$0x2] =	stream.indirect.gather [hbm4b:s1+s16], $0x80, s24, s16, $0xb8;
	[tilespmem:$0x1EC00] =	vst v63  }
0x72: {  	p0 =	sne.s32 s23, $0x4C00;
	_ =	swait.ge [sflag:s19], $0x4000  }
0x73: {  	[sflag:s19] =	ssyncset.done $0x0  }
0x74: {  	s23 =	sadd.s32 $0x1800, s22;
	[sflag:s19] =	ssyncadd.s32 $0xFFFFC000  }
0x75: {  	[spmem:s3] =	stream.indirect.scatter.add.f32 [tilespmem:s17], [sflag:$0x3], $0x80, s23, s16, $0xb8;
	[tilespmem:$0x1EC00] =	vst v63  }
0x76: {  	_ =	swait.ge [sflag:s14], $0x4000  }
0x77: {  	[sflag:s14] =	ssyncset.done $0x0  }
0x78: {  	s23 =	sadd.s32 $0x100, s22;
	[sflag:s14] =	ssyncadd.s32 $0xFFFFC000  }
0x79: {  	[tilespmem:s17], [sflag:$0x1] =	stream.indirect.gather [hbm4b:s1+s16], $0x80, s23, s16, $0xb8;
	[tilespmem:$0x1EC00] =	vst v63  }
0x7a: {  	_ =	swait.ge [sflag:s20], $0x4000  }
.Ltmp1:
0x7b: {  	[sflag:s20] =	ssyncset.done $0x0;
	(pc) =	sbr.rel @p0 .LBB2_4-.Ltmp1, $4  }
0x7c: {  	s22 =	sadd.s32 $0x1880, s22;
	[sflag:s20] =	ssyncadd.s32 $0xFFFFC000  }
0x7d: {  	[spmem:s3] =	stream.indirect.scatter.add.f32 [tilespmem:s18], [sflag:$0x3], $0x80, s22, s16, $0xb8;
	[tilespmem:$0x1EC00] =	vst v63  }
0x7e: {  	_ =	swait.ge [sflag:s14], $0x4000  }
0x7f: {  	s23 =	smov.u32 s26;
	s22 =	sshra.s32 s25, $0x2;
	[sflag:s14] =	ssyncset.done $0x0  }
0x80: {  	s23 =	sadd.s32 $0x80, s22;
	[sflag:s14] =	ssyncadd.s32 $0xFFFFC000  }
0x81: {  	[tilespmem:s18], [sflag:$0x2] =	stream.indirect.gather [hbm4b:s1+s16], $0x80, s23, s16, $0xb8;
	[tilespmem:$0x1EC00] =	vst v63  }
0x82: {  	_ =	swait.ge [sflag:s19], $0x4000  }
0x83: {  	[sflag:s19] =	ssyncset.done $0x0  }
0x84: {  	s29 =	sadd.s32 $0x1800, s22;
	[sflag:s19] =	ssyncadd.s32 $0xFFFFC000  }
0x85: {  	[spmem:s3] =	stream.indirect.scatter.add.f32 [tilespmem:s17], [sflag:$0x3], $0x80, s29, s16, $0xb8;
	[tilespmem:$0x1EC00] =	vst v63  }
0x86: {  	_ =	swait.ge [sflag:s14], $0x4000  }
0x87: {  	[sflag:s14] =	ssyncset.done $0x0  }
0x88: {  	s30 =	sadd.s32 $0x100, s22;
	[sflag:s14] =	ssyncadd.s32 $0xFFFFC000  }
0x89: {  	[tilespmem:s17], [sflag:$0x1] =	stream.indirect.gather [hbm4b:s1+s16], $0x80, s30, s16, $0xb8;
	[tilespmem:$0x1EC00] =	vst v63  }
0x8a: {  	_ =	swait.ge [sflag:s20], $0x4000  }
0x8b: {  	[sflag:s20] =	ssyncset.done $0x0  }
0x8c: {  	s31 =	sadd.s32 $0x1880, s22;
	[sflag:s20] =	ssyncadd.s32 $0xFFFFC000  }
0x8d: {  	[spmem:s3] =	stream.indirect.scatter.add.f32 [tilespmem:s18], [sflag:$0x3], $0x80, s31, s16, $0xb8;
	[tilespmem:$0x1EC00] =	vst v63  }
0x8e: {  	_ =	swait.ge [sflag:s14], $0x4000  }
0x8f: {  	[sflag:s14] =	ssyncset.done $0x0  }
0x90: {  	[sflag:s14] =	ssyncadd.s32 $0xFFFFC000  }
0x91: {  	_ =	swait.ge [sflag:s19], $0x4000  }
0x92: {  	s21 =	sadd.s32 $0x1, s21;
	[sflag:s19] =	ssyncset.done $0x0  }
0x93: {  	p0 =	sne.s32 s21, s12;
	[sflag:s19] =	ssyncadd.s32 $0xFFFFC000  }
.Ltmp2:
0x94: {  	[bflag:$0x0] =	sbarrier.arrive $0xFFFF;
	(pc) =	sbr.rel @p0 .LBB2_1-.Ltmp2, $4  }
0x95: {  	[hbm:s11], [sflag:s6] =	dma.local [spmem:s13], $0x2780  }
0x96: {  	_ =	swait.ge [sflag:s14], $0x2780  }
0x97: {  	[sflag:s14] =	ssyncset.done $0x0  }
0x98: {  	[sflag:s14] =	ssyncadd.s32 $0xFFFFD880  }
0x99: {  	_ =	sfence.sel $0x180000  }
0x9a: {  	[bflag:$0x0] =	sbarrier.arrive $0xFFFF  }
0x9b: {  	p0 =	sne.s32 s2, $0x0;
	_ =	strace $0x90000053  }
0x9c: {  	s0 =	sadd.s32 @!p0 $0x100000, s0;
	[bflag:$0x2] =	sbarrier.arrive $0xFFFF  }
0x9d: {  	[sflag:s0] =	ssyncadd.tile.s32 @!p0 $0x1;
	_ =	shalt  }
.Lfunc_end2:
_tile_overlayer_lowered:
.L_overlay_start_2:
0x9e: {  	(tag) =	ssettag $0x2  }
0x9f: {  	s0 =	rddreg [dreg:$0x0];
	s2 =	stileid.u32  }
0xa0: {  	s1 =	rddreg [dreg:$0x1];
	p0 =	sne.s32 s2, $0x0  }
0xa1: {  	s3 =	rddreg [dreg:$0x2];
	[bflag:$0x3] =	sbarrier.arrive $0xFFFF;
	s2 =	simm.s32 @!p0 $0x1C03  }
0xa2: {  	[timem:s3], [sflag:s2] =	dma.local @!p0 [hbm:s0], s1  }
0xa3: {  	s0 =	simm.s32 @!p0 $0x3  }
0xa4: {  	_ =	swait.ge @!p0 [sflag:s0], s1  }
0xa5: {  	s1 =	ssub.s32 @!p0 $0x0, s1;
	[sflag:s0] =	ssyncset.done @!p0 $0x0  }
0xa6: {  	[sflag:s0] =	ssyncadd.s32 @!p0 s1  }
0xa7: {  	[bflag:$0x3] =	sbarrier.arrive $0xFFFF  }
0xa8: {  	_ =	shalt  }

</sc_bundles>
